<compile_context>
chip_gen: v7x
topology: tpu7x:2x2x1
jax: 0.10.2.dev20260603
libtpu: 0.0.44.dev20260713+nightly
codegen_flags: <defaults>
</compile_context>

<pallas_src>
import jax
import jax.numpy as jnp
from jax import lax
from jax.experimental import pallas as pl
from jax.experimental.pallas import tpu as pltpu
from jax.experimental.pallas import tpu_sc as plsc

CLS = 1000
FEAT = 64
BATCH = 1024
CLS_P = 1024

_L = 16
_NW = 32
_CPW = CLS_P // _NW
_BPW = BATCH // _NW
_NCHUNK = BATCH // _L


def _shift_cmp(idx, iota, s):
    gidx = jnp.minimum(iota + s, _L - 1)
    shifted = lax.gather(
        idx, gidx[:, None],
        lax.GatherDimensionNumbers(
            offset_dims=(), collapsed_slice_dims=(0,), start_index_map=(0,)),
        slice_sizes=(1,),
        mode=lax.GatherScatterMode.PROMISE_IN_BOUNDS)
    return (shifted == idx) & (iota < _L - s)


def _sc_body(table_hbm, cls_hbm, sel_hbm, tmp_hbm,
             cls_v, lp_v, gidx_v, sidx_v, rows_v, trows_v, sem, sem2):
    wid = lax.axis_index("c") * 16 + lax.axis_index("s")
    base = wid * _BPW
    cbase = wid * _CPW
    iota = lax.iota(jnp.int32, _L)

    pltpu.sync_copy(cls_hbm, cls_v)

    gidx_v[pl.ds(0, _L)] = cls_v[pl.ds(base, _L)] + BATCH
    gidx_v[pl.ds(_L, _L)] = cls_v[pl.ds(base + _L, _L)] + BATCH
    sel_dma = pltpu.async_copy(table_hbm.at[gidx_v], rows_v, sem)

    def _init(j, carry):
        lp_v[pl.ds(j * _L, _L)] = jnp.full((_L,), -1, jnp.int32)
        return carry
    lax.fori_loop(0, CLS_P // _L, _init, 0)

    def _scatter_chunk(i, carry):
        idx = cls_v[pl.ds(i * _L, _L)]
        pos = iota + i * _L
        dup = iota < 0
        for s in range(1, _L):
            dup = dup | _shift_cmp(idx, iota, s)
        plsc.store_scatter(lp_v, [idx], pos, mask=jnp.logical_not(dup))
        return carry
    lax.fori_loop(0, _NCHUNK, _scatter_chunk, 0)

    lp0 = lp_v[pl.ds(cbase, _L)]
    lp1 = lp_v[pl.ds(cbase + _L, _L)]
    sidx_v[pl.ds(0, _L)] = jnp.where(
        lp0 >= 0, lp0, cbase + BATCH + iota)
    sidx_v[pl.ds(_L, _L)] = jnp.where(
        lp1 >= 0, lp1, cbase + BATCH + _L + iota)

    pltpu.async_copy(table_hbm.at[sidx_v], trows_v, sem2).wait()

    @pl.when(wid < _NW - 1)
    def _full_block():
        pltpu.sync_copy(trows_v, tmp_hbm.at[pl.ds(cbase, _CPW)])

    @pl.when(wid == _NW - 1)
    def _tail_block():
        pltpu.sync_copy(trows_v.at[pl.ds(0, CLS - (_NW - 1) * _CPW)],
                        tmp_hbm.at[pl.ds(cbase, CLS - (_NW - 1) * _CPW)])

    sel_dma.wait()
    pltpu.sync_copy(rows_v, sel_hbm.at[pl.ds(base, _BPW)])


_BB = 16
_NSRC = 4


def _bcast_body(tmp_ref, out_ref, *args):
    reps = args[:_NSRC]
    sems = args[_NSRC]
    for r in reps:
        for j in range(_BB):
            r[j] = tmp_ref[...]
    ncopies = BATCH // _BB
    for i in range(ncopies):
        if i >= _NSRC:
            pltpu.make_async_copy(
                reps[(i - _NSRC) % _NSRC],
                out_ref.at[pl.ds((i - _NSRC) * _BB, _BB)],
                sems.at[(i - _NSRC) % _NSRC]).wait()
        pltpu.make_async_copy(
            reps[i % _NSRC], out_ref.at[pl.ds(i * _BB, _BB)],
            sems.at[i % _NSRC]).start()
    for i in range(ncopies - _NSRC, ncopies):
        pltpu.make_async_copy(
            reps[i % _NSRC], out_ref.at[pl.ds(i * _BB, _BB)],
            sems.at[i % _NSRC]).wait()


def kernel(x, cls_list, memory):
    table = jnp.concatenate(
        [x, memory, jnp.zeros((CLS_P - CLS, FEAT), memory.dtype)], axis=0)

    mesh = plsc.VectorSubcoreMesh(core_axis_name="c", subcore_axis_name="s")
    sc = pl.kernel(
        _sc_body,
        mesh=mesh,
        out_type=(
            jax.ShapeDtypeStruct((BATCH, FEAT), jnp.float32),
            jax.ShapeDtypeStruct((CLS, FEAT), jnp.float32),
        ),
        scratch_types=[
            pltpu.VMEM((BATCH,), jnp.int32),
            pltpu.VMEM((CLS_P,), jnp.int32),
            pltpu.VMEM((_BPW,), jnp.int32),
            pltpu.VMEM((_CPW,), jnp.int32),
            pltpu.VMEM((_BPW, FEAT), jnp.float32),
            pltpu.VMEM((_CPW, FEAT), jnp.float32),
            pltpu.SemaphoreType.DMA,
            pltpu.SemaphoreType.DMA,
        ],
        compiler_params=pltpu.CompilerParams(
            needs_layout_passes=False, use_tc_tiling_on_sc=False),
    )
    selected, tmp = sc(table, cls_list)

    tmp_rep = pl.pallas_call(
        _bcast_body,
        in_specs=[pl.BlockSpec(memory_space=pltpu.VMEM)],
        out_specs=pl.BlockSpec(memory_space=pl.ANY),
        out_shape=jax.ShapeDtypeStruct((BATCH, CLS, FEAT), jnp.float32),
        scratch_shapes=[pltpu.VMEM((_BB, CLS, FEAT), jnp.float32)
                        for _ in range(_NSRC)] +
                       [pltpu.SemaphoreType.DMA((_NSRC,))],
    )(tmp)

    return selected, tmp_rep

# --- scband reference (transcript-rebuilt; emitter-appended) ---
"""Pipeline reference for scband-memory-bank-52432960749632 (READ-ONLY COPY).

The authoritative reference and input builder live on the scoring server;
editing this copy changes nothing except your own understanding.
"""

import jax, jax.numpy as jnp
import numpy as np

CLS_SIZE = 1000
FEAT = 64
BATCH = 1024
ALPHA = 0.5


def setup_inputs(seed: int = 0) -> dict:
    key = jax.random.key(seed)
    k1, k2, k3 = jax.random.split(key, 3)
    x = jax.random.normal(k1, (BATCH, FEAT), dtype=jnp.float32)
    cls_list = jax.random.randint(k2, (BATCH,), 0, CLS_SIZE, dtype=jnp.int32)
    # nn.Parameter buffer (requires_grad=False); initialized with data so numerics are nontrivial
    memory = jax.random.normal(k3, (CLS_SIZE, FEAT), dtype=jnp.float32)
    return {"x": x, "cls_list": cls_list, "memory": memory}


def reference(x, cls_list, memory):
    B = x.shape[0]
    # update_tmp_memory: reads all come from the ORIGINAL memory (gather),
    # sequential per-row writes into tmp_memory -> last occurrence wins.
    selected_cls_weights = jnp.take(memory, cls_list, axis=0)
    positions = jnp.arange(B, dtype=jnp.int32)
    # deterministic last-write-wins scatter: max position per class
    last_pos = jax.ops.segment_max(positions, cls_list, num_segments=CLS_SIZE)
    valid = last_pos >= 0  # empty segments get iinfo.min (negative)
    safe_pos = jnp.where(valid, last_pos, 0)
    tmp_memory = jnp.where(valid[:, None], jnp.take(x, safe_pos, axis=0), memory)
    # tmp_memory.repeat(x.size(0), 1, 1)
    tmp_memory_rep = jnp.broadcast_to(tmp_memory[None, :, :], (B, CLS_SIZE, FEAT))
    # update_memory() mutates the (non-differentiable) buffer; it does not affect the return
    return selected_cls_weights, tmp_memory_rep

if __name__ == "__main__":
    import jax
    _d = setup_inputs()
    print(jax.jit(kernel)(*tuple(_d.values())))

</pallas_src>

<mosaic_0001>
#map = affine_map<(d0, d1) -> (0, 0)>
#map1 = affine_map<(d0, d1) -> (0)>
module attributes {stable_mosaic.version = 14 : i64} {
  func.func @_sc_body(%arg0: i32, %arg1: i32, %arg2: memref<2048x64xf32, #tpu.memory_space<hbm>>, %arg3: memref<1024xi32, #tpu.memory_space<hbm>>, %arg4: memref<1024x64xf32, #tpu.memory_space<hbm>>, %arg5: memref<1000x64xf32, #tpu.memory_space<hbm>>, %arg6: memref<1024xi32, #tpu.memory_space<vmem>>, %arg7: memref<1024xi32, #tpu.memory_space<vmem>>, %arg8: memref<32xi32, #tpu.memory_space<vmem>>, %arg9: memref<32xi32, #tpu.memory_space<vmem>>, %arg10: memref<32x64xf32, #tpu.memory_space<vmem>>, %arg11: memref<32x64xf32, #tpu.memory_space<vmem>>, %arg12: memref<!tpu.dma_semaphore, #tpu.memory_space<semaphore_mem>>, %arg13: memref<!tpu.dma_semaphore, #tpu.memory_space<semaphore_mem>>) attributes {dimension_semantics = [#tpu.dimension_semantics<core_parallel>, #tpu.dimension_semantics<subcore_parallel>], iteration_bounds = array<i64: 2, 16>, scalar_prefetch = 0 : i64, scratch_operands = 8 : i64, tpu.core_type = #tpu.core_type<sc_vector_subcore>, window_params = [{transform_indices = #map}, {transform_indices = #map1}, {transform_indices = #map}, {transform_indices = #map}]} {
    %mul3A = arith.constant 16 : i32
    %mul3A_0 = arith.muli %arg0, %mul3A : i32
    %add3A = arith.addi %mul3A_0, %arg1 : i32
    %mul3A_1 = arith.constant 32 : i32
    %mul3A_2 = arith.muli %add3A, %mul3A_1 : i32
    %mul3A_3 = arith.constant 32 : i32
    %mul3A_4 = arith.muli %add3A, %mul3A_3 : i32
    %iota3A = tpu.iota {dimensions = array<i32: 0>} : vector<16xi32>
    "tpu.region"() ({
      %run_scoped3A = tpu.sem_alloc : memref<!tpu.dma_semaphore, #tpu.memory_space<semaphore_mem>>
      tpu.enqueue_dma source(%arg3 : memref<1024xi32, #tpu.memory_space<hbm>>) target(%arg6 : memref<1024xi32, #tpu.memory_space<vmem>>) target_semaphore(%run_scoped3A : memref<!tpu.dma_semaphore, #tpu.memory_space<semaphore_mem>>)
      tpu.wait_dma2 semaphore(%run_scoped3A : memref<!tpu.dma_semaphore, #tpu.memory_space<semaphore_mem>>) src(%arg3 : memref<1024xi32, #tpu.memory_space<hbm>>) dst(%arg6 : memref<1024xi32, #tpu.memory_space<vmem>>)
      tpu.yield
    }) : () -> ()
    %get3A = arith.index_cast %mul3A_2 : i32 to index
    %get3A_5 = tpu.vector_load %arg6[%get3A] {strides = array<i32>} : memref<1024xi32, #tpu.memory_space<vmem>>, vector<16xi32>,
    %add3A_6 = arith.constant 1024 : i32
    %add3A_7 = vector.broadcast %add3A_6 : i32 to vector<16xi32>
    %add3A_8 = arith.addi %get3A_5, %add3A_7 : vector<16xi32>
    %swap3A = arith.constant 0 : index
    %swap3A_9 = tpu.vector_load %arg8[%swap3A] {strides = array<i32>} : memref<32xi32, #tpu.memory_space<vmem>>, vector<16xi32>,
    tpu.vector_store %arg8[%swap3A], %add3A_8 {strides = array<i32>} : memref<32xi32, #tpu.memory_space<vmem>>, vector<16xi32>,
    %add3A_10 = arith.constant 16 : i32
    %add3A_11 = arith.addi %mul3A_2, %add3A_10 : i32
    %get3A_12 = arith.index_cast %add3A_11 : i32 to index
    %get3A_13 = tpu.vector_load %arg6[%get3A_12] {strides = array<i32>} : memref<1024xi32, #tpu.memory_space<vmem>>, vector<16xi32>,
    %add3A_14 = arith.constant 1024 : i32
    %add3A_15 = vector.broadcast %add3A_14 : i32 to vector<16xi32>
    %add3A_16 = arith.addi %get3A_13, %add3A_15 : vector<16xi32>
    %swap3A_17 = arith.constant 16 : index
    %swap3A_18 = tpu.vector_load %arg8[%swap3A_17] {strides = array<i32>} : memref<32xi32, #tpu.memory_space<vmem>>, vector<16xi32>,
    tpu.vector_store %arg8[%swap3A_17], %add3A_16 {strides = array<i32>} : memref<32xi32, #tpu.memory_space<vmem>>, vector<16xi32>,
    %dma_start3A = arith.constant 0 : i32
    %dma_start3A_19 = arith.constant 0 : i32
    %dma_start3A_20 = tpu.memref_slice %arg2[%dma_start3A, %dma_start3A_19] : memref<2048x64xf32, #tpu.memory_space<hbm>> -> memref<2048x64xf32, #tpu.memory_space<hbm>>
    tpu.enqueue_indirect_dma source(%dma_start3A_20 : memref<2048x64xf32, #tpu.memory_space<hbm>>) target(%arg10 : memref<32x64xf32, #tpu.memory_space<vmem>>) offsets(%arg8 : memref<32xi32, #tpu.memory_space<vmem>>) semaphore(%arg12 : memref<!tpu.dma_semaphore, #tpu.memory_space<semaphore_mem>>)
    %scan3A = arith.constant 0 : i32
    %scan3A_21 = arith.constant 0 : i32
    %scan3A_22 = arith.constant 64 : i32
    %scan3A_23 = arith.addi %scan3A_21, %scan3A_22 : i32
    %scan3A_24 = arith.constant 1 : i32
    scf.for %scan3A_72 = %scan3A_21 to %scan3A_23 step %scan3A_24  : i32 {
      %broadcast_in_dim3A = arith.constant -1 : i32
      %broadcast_in_dim3A_73 = vector.broadcast %broadcast_in_dim3A : i32 to vector<16xi32>
      %mul3A_74 = arith.constant 16 : i32
      %mul3A_75 = arith.muli %scan3A_72, %mul3A_74 : i32
      %swap3A_76 = arith.index_cast %mul3A_75 : i32 to index
      %swap3A_77 = tpu.vector_load %arg7[%swap3A_76] {strides = array<i32>} : memref<1024xi32, #tpu.memory_space<vmem>>, vector<16xi32>,
      tpu.vector_store %arg7[%swap3A_76], %broadcast_in_dim3A_73 {strides = array<i32>} : memref<1024xi32, #tpu.memory_space<vmem>>, vector<16xi32>,
    }
    %scan3A_25 = arith.constant 64 : i32
    %scan3A_26 = arith.constant 0 : i32
    %scan3A_27 = arith.constant 0 : i32
    %scan3A_28 = arith.constant 64 : i32
    %scan3A_29 = arith.addi %scan3A_27, %scan3A_28 : i32
    %scan3A_30 = arith.constant 1 : i32
    scf.for %scan3A_72 = %scan3A_27 to %scan3A_29 step %scan3A_30  : i32 {
      %mul3A_73 = arith.constant 16 : i32
      %mul3A_74 = arith.muli %scan3A_72, %mul3A_73 : i32
      %get3A_75 = arith.index_cast %mul3A_74 : i32 to index
      %get3A_76 = tpu.vector_load %arg6[%get3A_75] {strides = array<i32>} : memref<1024xi32, #tpu.memory_space<vmem>>, vector<16xi32>,
      %mul3A_77 = arith.constant 16 : i32
      %mul3A_78 = arith.muli %scan3A_72, %mul3A_77 : i32
      %add3A_79 = vector.broadcast %mul3A_78 : i32 to vector<16xi32>
      %add3A_80 = arith.addi %iota3A, %add3A_79 : vector<16xi32>
      %lt3A_81 = arith.constant 0 : i32
      %lt3A_82 = vector.broadcast %lt3A_81 : i32 to vector<16xi32>
      %lt3A_83 = arith.cmpi slt, %iota3A, %lt3A_82 : vector<16xi32>
      %add3A_84 = arith.constant 1 : i32
      %add3A_85 = vector.broadcast %add3A_84 : i32 to vector<16xi32>
      %add3A_86 = arith.addi %iota3A, %add3A_85 : vector<16xi32>
      %min3A = arith.constant 15 : i32
      %min3A_87 = vector.broadcast %min3A : i32 to vector<16xi32>
      %min3A_88 = arith.minsi %add3A_86, %min3A_87 : vector<16xi32>
      %broadcast_in_dim3A = vector.shape_cast %min3A_88 : vector<16xi32> to vector<16x1xi32>
      %gather3A = vector.shape_cast %broadcast_in_dim3A : vector<16x1xi32> to vector<16xi32>
      %gather3A_89 = tpu.dynamic_gather %get3A_76[%gather3A] in [0] : vector<16xi32>, vector<16xi32> -> vector<16xi32>
      %eq3A_90 = arith.cmpi eq, %gather3A_89, %get3A_76 : vector<16xi32>
      %lt3A_91 = arith.constant 15 : i32
      %lt3A_92 = vector.broadcast %lt3A_91 : i32 to vector<16xi32>
      %lt3A_93 = arith.cmpi slt, %iota3A, %lt3A_92 : vector<16xi32>
      %and3A = arith.andi %eq3A_90, %lt3A_93 : vector<16xi1>
      %or3A = arith.ori %lt3A_83, %and3A : vector<16xi1>
      %add3A_94 = arith.constant 2 : i32
      %add3A_95 = vector.broadcast %add3A_94 : i32 to vector<16xi32>
      %add3A_96 = arith.addi %iota3A, %add3A_95 : vector<16xi32>
      %min3A_97 = arith.constant 15 : i32
      %min3A_98 = vector.broadcast %min3A_97 : i32 to vector<16xi32>
      %min3A_99 = arith.minsi %add3A_96, %min3A_98 : vector<16xi32>
      %broadcast_in_dim3A_100 = vector.shape_cast %min3A_99 : vector<16xi32> to vector<16x1xi32>
      %gather3A_101 = vector.shape_cast %broadcast_in_dim3A_100 : vector<16x1xi32> to vector<16xi32>
      %gather3A_102 = tpu.dynamic_gather %get3A_76[%gather3A_101] in [0] : vector<16xi32>, vector<16xi32> -> vector<16xi32>
      %eq3A_103 = arith.cmpi eq, %gather3A_102, %get3A_76 : vector<16xi32>
      %lt3A_104 = arith.constant 14 : i32
      %lt3A_105 = vector.broadcast %lt3A_104 : i32 to vector<16xi32>
      %lt3A_106 = arith.cmpi slt, %iota3A, %lt3A_105 : vector<16xi32>
      %and3A_107 = arith.andi %eq3A_103, %lt3A_106 : vector<16xi1>
      %or3A_108 = arith.ori %or3A, %and3A_107 : vector<16xi1>
      %add3A_109 = arith.constant 3 : i32
      %add3A_110 = vector.broadcast %add3A_109 : i32 to vector<16xi32>
      %add3A_111 = arith.addi %iota3A, %add3A_110 : vector<16xi32>
      %min3A_112 = arith.constant 15 : i32
      %min3A_113 = vector.broadcast %min3A_112 : i32 to vector<16xi32>
      %min3A_114 = arith.minsi %add3A_111, %min3A_113 : vector<16xi32>
      %broadcast_in_dim3A_115 = vector.shape_cast %min3A_114 : vector<16xi32> to vector<16x1xi32>
      %gather3A_116 = vector.shape_cast %broadcast_in_dim3A_115 : vector<16x1xi32> to vector<16xi32>
      %gather3A_117 = tpu.dynamic_gather %get3A_76[%gather3A_116] in [0] : vector<16xi32>, vector<16xi32> -> vector<16xi32>
      %eq3A_118 = arith.cmpi eq, %gather3A_117, %get3A_76 : vector<16xi32>
      %lt3A_119 = arith.constant 13 : i32
      %lt3A_120 = vector.broadcast %lt3A_119 : i32 to vector<16xi32>
      %lt3A_121 = arith.cmpi slt, %iota3A, %lt3A_120 : vector<16xi32>
      %and3A_122 = arith.andi %eq3A_118, %lt3A_121 : vector<16xi1>
      %or3A_123 = arith.ori %or3A_108, %and3A_122 : vector<16xi1>
      %add3A_124 = arith.constant 4 : i32
      %add3A_125 = vector.broadcast %add3A_124 : i32 to vector<16xi32>
      %add3A_126 = arith.addi %iota3A, %add3A_125 : vector<16xi32>
      %min3A_127 = arith.constant 15 : i32
      %min3A_128 = vector.broadcast %min3A_127 : i32 to vector<16xi32>
      %min3A_129 = arith.minsi %add3A_126, %min3A_128 : vector<16xi32>
      %broadcast_in_dim3A_130 = vector.shape_cast %min3A_129 : vector<16xi32> to vector<16x1xi32>
      %gather3A_131 = vector.shape_cast %broadcast_in_dim3A_130 : vector<16x1xi32> to vector<16xi32>
      %gather3A_132 = tpu.dynamic_gather %get3A_76[%gather3A_131] in [0] : vector<16xi32>, vector<16xi32> -> vector<16xi32>
      %eq3A_133 = arith.cmpi eq, %gather3A_132, %get3A_76 : vector<16xi32>
      %lt3A_134 = arith.constant 12 : i32
      %lt3A_135 = vector.broadcast %lt3A_134 : i32 to vector<16xi32>
      %lt3A_136 = arith.cmpi slt, %iota3A, %lt3A_135 : vector<16xi32>
      %and3A_137 = arith.andi %eq3A_133, %lt3A_136 : vector<16xi1>
      %or3A_138 = arith.ori %or3A_123, %and3A_137 : vector<16xi1>
      %add3A_139 = arith.constant 5 : i32
      %add3A_140 = vector.broadcast %add3A_139 : i32 to vector<16xi32>
      %add3A_141 = arith.addi %iota3A, %add3A_140 : vector<16xi32>
      %min3A_142 = arith.constant 15 : i32
      %min3A_143 = vector.broadcast %min3A_142 : i32 to vector<16xi32>
      %min3A_144 = arith.minsi %add3A_141, %min3A_143 : vector<16xi32>
      %broadcast_in_dim3A_145 = vector.shape_cast %min3A_144 : vector<16xi32> to vector<16x1xi32>
      %gather3A_146 = vector.shape_cast %broadcast_in_dim3A_145 : vector<16x1xi32> to vector<16xi32>
      %gather3A_147 = tpu.dynamic_gather %get3A_76[%gather3A_146] in [0] : vector<16xi32>, vector<16xi32> -> vector<16xi32>
      %eq3A_148 = arith.cmpi eq, %gather3A_147, %get3A_76 : vector<16xi32>
      %lt3A_149 = arith.constant 11 : i32
      %lt3A_150 = vector.broadcast %lt3A_149 : i32 to vector<16xi32>
      %lt3A_151 = arith.cmpi slt, %iota3A, %lt3A_150 : vector<16xi32>
      %and3A_152 = arith.andi %eq3A_148, %lt3A_151 : vector<16xi1>
      %or3A_153 = arith.ori %or3A_138, %and3A_152 : vector<16xi1>
      %add3A_154 = arith.constant 6 : i32
      %add3A_155 = vector.broadcast %add3A_154 : i32 to vector<16xi32>
      %add3A_156 = arith.addi %iota3A, %add3A_155 : vector<16xi32>
      %min3A_157 = arith.constant 15 : i32
      %min3A_158 = vector.broadcast %min3A_157 : i32 to vector<16xi32>
      %min3A_159 = arith.minsi %add3A_156, %min3A_158 : vector<16xi32>
      %broadcast_in_dim3A_160 = vector.shape_cast %min3A_159 : vector<16xi32> to vector<16x1xi32>
      %gather3A_161 = vector.shape_cast %broadcast_in_dim3A_160 : vector<16x1xi32> to vector<16xi32>
      %gather3A_162 = tpu.dynamic_gather %get3A_76[%gather3A_161] in [0] : vector<16xi32>, vector<16xi32> -> vector<16xi32>
      %eq3A_163 = arith.cmpi eq, %gather3A_162, %get3A_76 : vector<16xi32>
      %lt3A_164 = arith.constant 10 : i32
      %lt3A_165 = vector.broadcast %lt3A_164 : i32 to vector<16xi32>
      %lt3A_166 = arith.cmpi slt, %iota3A, %lt3A_165 : vector<16xi32>
      %and3A_167 = arith.andi %eq3A_163, %lt3A_166 : vector<16xi1>
      %or3A_168 = arith.ori %or3A_153, %and3A_167 : vector<16xi1>
      %add3A_169 = arith.constant 7 : i32
      %add3A_170 = vector.broadcast %add3A_169 : i32 to vector<16xi32>
      %add3A_171 = arith.addi %iota3A, %add3A_170 : vector<16xi32>
      %min3A_172 = arith.constant 15 : i32
      %min3A_173 = vector.broadcast %min3A_172 : i32 to vector<16xi32>
      %min3A_174 = arith.minsi %add3A_171, %min3A_173 : vector<16xi32>
      %broadcast_in_dim3A_175 = vector.shape_cast %min3A_174 : vector<16xi32> to vector<16x1xi32>
      %gather3A_176 = vector.shape_cast %broadcast_in_dim3A_175 : vector<16x1xi32> to vector<16xi32>
      %gather3A_177 = tpu.dynamic_gather %get3A_76[%gather3A_176] in [0] : vector<16xi32>, vector<16xi32> -> vector<16xi32>
      %eq3A_178 = arith.cmpi eq, %gather3A_177, %get3A_76 : vector<16xi32>
      %lt3A_179 = arith.constant 9 : i32
      %lt3A_180 = vector.broadcast %lt3A_179 : i32 to vector<16xi32>
      %lt3A_181 = arith.cmpi slt, %iota3A, %lt3A_180 : vector<16xi32>
      %and3A_182 = arith.andi %eq3A_178, %lt3A_181 : vector<16xi1>
      %or3A_183 = arith.ori %or3A_168, %and3A_182 : vector<16xi1>
      %add3A_184 = arith.constant 8 : i32
      %add3A_185 = vector.broadcast %add3A_184 : i32 to vector<16xi32>
      %add3A_186 = arith.addi %iota3A, %add3A_185 : vector<16xi32>
      %min3A_187 = arith.constant 15 : i32
      %min3A_188 = vector.broadcast %min3A_187 : i32 to vector<16xi32>
      %min3A_189 = arith.minsi %add3A_186, %min3A_188 : vector<16xi32>
      %broadcast_in_dim3A_190 = vector.shape_cast %min3A_189 : vector<16xi32> to vector<16x1xi32>
      %gather3A_191 = vector.shape_cast %broadcast_in_dim3A_190 : vector<16x1xi32> to vector<16xi32>
      %gather3A_192 = tpu.dynamic_gather %get3A_76[%gather3A_191] in [0] : vector<16xi32>, vector<16xi32> -> vector<16xi32>
      %eq3A_193 = arith.cmpi eq, %gather3A_192, %get3A_76 : vector<16xi32>
      %lt3A_194 = arith.constant 8 : i32
      %lt3A_195 = vector.broadcast %lt3A_194 : i32 to vector<16xi32>
      %lt3A_196 = arith.cmpi slt, %iota3A, %lt3A_195 : vector<16xi32>
      %and3A_197 = arith.andi %eq3A_193, %lt3A_196 : vector<16xi1>
      %or3A_198 = arith.ori %or3A_183, %and3A_197 : vector<16xi1>
      %add3A_199 = arith.constant 9 : i32
      %add3A_200 = vector.broadcast %add3A_199 : i32 to vector<16xi32>
      %add3A_201 = arith.addi %iota3A, %add3A_200 : vector<16xi32>
      %min3A_202 = arith.constant 15 : i32
      %min3A_203 = vector.broadcast %min3A_202 : i32 to vector<16xi32>
      %min3A_204 = arith.minsi %add3A_201, %min3A_203 : vector<16xi32>
      %broadcast_in_dim3A_205 = vector.shape_cast %min3A_204 : vector<16xi32> to vector<16x1xi32>
      %gather3A_206 = vector.shape_cast %broadcast_in_dim3A_205 : vector<16x1xi32> to vector<16xi32>
      %gather3A_207 = tpu.dynamic_gather %get3A_76[%gather3A_206] in [0] : vector<16xi32>, vector<16xi32> -> vector<16xi32>
      %eq3A_208 = arith.cmpi eq, %gather3A_207, %get3A_76 : vector<16xi32>
      %lt3A_209 = arith.constant 7 : i32
      %lt3A_210 = vector.broadcast %lt3A_209 : i32 to vector<16xi32>
      %lt3A_211 = arith.cmpi slt, %iota3A, %lt3A_210 : vector<16xi32>
      %and3A_212 = arith.andi %eq3A_208, %lt3A_211 : vector<16xi1>
      %or3A_213 = arith.ori %or3A_198, %and3A_212 : vector<16xi1>
      %add3A_214 = arith.constant 10 : i32
      %add3A_215 = vector.broadcast %add3A_214 : i32 to vector<16xi32>
      %add3A_216 = arith.addi %iota3A, %add3A_215 : vector<16xi32>
      %min3A_217 = arith.constant 15 : i32
      %min3A_218 = vector.broadcast %min3A_217 : i32 to vector<16xi32>
      %min3A_219 = arith.minsi %add3A_216, %min3A_218 : vector<16xi32>
      %broadcast_in_dim3A_220 = vector.shape_cast %min3A_219 : vector<16xi32> to vector<16x1xi32>
      %gather3A_221 = vector.shape_cast %broadcast_in_dim3A_220 : vector<16x1xi32> to vector<16xi32>
      %gather3A_222 = tpu.dynamic_gather %get3A_76[%gather3A_221] in [0] : vector<16xi32>, vector<16xi32> -> vector<16xi32>
      %eq3A_223 = arith.cmpi eq, %gather3A_222, %get3A_76 : vector<16xi32>
      %lt3A_224 = arith.constant 6 : i32
      %lt3A_225 = vector.broadcast %lt3A_224 : i32 to vector<16xi32>
      %lt3A_226 = arith.cmpi slt, %iota3A, %lt3A_225 : vector<16xi32>
      %and3A_227 = arith.andi %eq3A_223, %lt3A_226 : vector<16xi1>
      %or3A_228 = arith.ori %or3A_213, %and3A_227 : vector<16xi1>
      %add3A_229 = arith.constant 11 : i32
      %add3A_230 = vector.broadcast %add3A_229 : i32 to vector<16xi32>
      %add3A_231 = arith.addi %iota3A, %add3A_230 : vector<16xi32>
      %min3A_232 = arith.constant 15 : i32
      %min3A_233 = vector.broadcast %min3A_232 : i32 to vector<16xi32>
      %min3A_234 = arith.minsi %add3A_231, %min3A_233 : vector<16xi32>
      %broadcast_in_dim3A_235 = vector.shape_cast %min3A_234 : vector<16xi32> to vector<16x1xi32>
      %gather3A_236 = vector.shape_cast %broadcast_in_dim3A_235 : vector<16x1xi32> to vector<16xi32>
      %gather3A_237 = tpu.dynamic_gather %get3A_76[%gather3A_236] in [0] : vector<16xi32>, vector<16xi32> -> vector<16xi32>
      %eq3A_238 = arith.cmpi eq, %gather3A_237, %get3A_76 : vector<16xi32>
      %lt3A_239 = arith.constant 5 : i32
      %lt3A_240 = vector.broadcast %lt3A_239 : i32 to vector<16xi32>
      %lt3A_241 = arith.cmpi slt, %iota3A, %lt3A_240 : vector<16xi32>
      %and3A_242 = arith.andi %eq3A_238, %lt3A_241 : vector<16xi1>
      %or3A_243 = arith.ori %or3A_228, %and3A_242 : vector<16xi1>
      %add3A_244 = arith.constant 12 : i32
      %add3A_245 = vector.broadcast %add3A_244 : i32 to vector<16xi32>
      %add3A_246 = arith.addi %iota3A, %add3A_245 : vector<16xi32>
      %min3A_247 = arith.constant 15 : i32
      %min3A_248 = vector.broadcast %min3A_247 : i32 to vector<16xi32>
      %min3A_249 = arith.minsi %add3A_246, %min3A_248 : vector<16xi32>
      %broadcast_in_dim3A_250 = vector.shape_cast %min3A_249 : vector<16xi32> to vector<16x1xi32>
      %gather3A_251 = vector.shape_cast %broadcast_in_dim3A_250 : vector<16x1xi32> to vector<16xi32>
      %gather3A_252 = tpu.dynamic_gather %get3A_76[%gather3A_251] in [0] : vector<16xi32>, vector<16xi32> -> vector<16xi32>
      %eq3A_253 = arith.cmpi eq, %gather3A_252, %get3A_76 : vector<16xi32>
      %lt3A_254 = arith.constant 4 : i32
      %lt3A_255 = vector.broadcast %lt3A_254 : i32 to vector<16xi32>
      %lt3A_256 = arith.cmpi slt, %iota3A, %lt3A_255 : vector<16xi32>
      %and3A_257 = arith.andi %eq3A_253, %lt3A_256 : vector<16xi1>
      %or3A_258 = arith.ori %or3A_243, %and3A_257 : vector<16xi1>
      %add3A_259 = arith.constant 13 : i32
      %add3A_260 = vector.broadcast %add3A_259 : i32 to vector<16xi32>
      %add3A_261 = arith.addi %iota3A, %add3A_260 : vector<16xi32>
      %min3A_262 = arith.constant 15 : i32
      %min3A_263 = vector.broadcast %min3A_262 : i32 to vector<16xi32>
      %min3A_264 = arith.minsi %add3A_261, %min3A_263 : vector<16xi32>
      %broadcast_in_dim3A_265 = vector.shape_cast %min3A_264 : vector<16xi32> to vector<16x1xi32>
      %gather3A_266 = vector.shape_cast %broadcast_in_dim3A_265 : vector<16x1xi32> to vector<16xi32>
      %gather3A_267 = tpu.dynamic_gather %get3A_76[%gather3A_266] in [0] : vector<16xi32>, vector<16xi32> -> vector<16xi32>
      %eq3A_268 = arith.cmpi eq, %gather3A_267, %get3A_76 : vector<16xi32>
      %lt3A_269 = arith.constant 3 : i32
      %lt3A_270 = vector.broadcast %lt3A_269 : i32 to vector<16xi32>
      %lt3A_271 = arith.cmpi slt, %iota3A, %lt3A_270 : vector<16xi32>
      %and3A_272 = arith.andi %eq3A_268, %lt3A_271 : vector<16xi1>
      %or3A_273 = arith.ori %or3A_258, %and3A_272 : vector<16xi1>
      %add3A_274 = arith.constant 14 : i32
      %add3A_275 = vector.broadcast %add3A_274 : i32 to vector<16xi32>
      %add3A_276 = arith.addi %iota3A, %add3A_275 : vector<16xi32>
      %min3A_277 = arith.constant 15 : i32
      %min3A_278 = vector.broadcast %min3A_277 : i32 to vector<16xi32>
      %min3A_279 = arith.minsi %add3A_276, %min3A_278 : vector<16xi32>
      %broadcast_in_dim3A_280 = vector.shape_cast %min3A_279 : vector<16xi32> to vector<16x1xi32>
      %gather3A_281 = vector.shape_cast %broadcast_in_dim3A_280 : vector<16x1xi32> to vector<16xi32>
      %gather3A_282 = tpu.dynamic_gather %get3A_76[%gather3A_281] in [0] : vector<16xi32>, vector<16xi32> -> vector<16xi32>
      %eq3A_283 = arith.cmpi eq, %gather3A_282, %get3A_76 : vector<16xi32>
      %lt3A_284 = arith.constant 2 : i32
      %lt3A_285 = vector.broadcast %lt3A_284 : i32 to vector<16xi32>
      %lt3A_286 = arith.cmpi slt, %iota3A, %lt3A_285 : vector<16xi32>
      %and3A_287 = arith.andi %eq3A_283, %lt3A_286 : vector<16xi1>
      %or3A_288 = arith.ori %or3A_273, %and3A_287 : vector<16xi1>
      %add3A_289 = arith.constant 15 : i32
      %add3A_290 = vector.broadcast %add3A_289 : i32 to vector<16xi32>
      %add3A_291 = arith.addi %iota3A, %add3A_290 : vector<16xi32>
      %min3A_292 = arith.constant 15 : i32
      %min3A_293 = vector.broadcast %min3A_292 : i32 to vector<16xi32>
      %min3A_294 = arith.minsi %add3A_291, %min3A_293 : vector<16xi32>
      %broadcast_in_dim3A_295 = vector.shape_cast %min3A_294 : vector<16xi32> to vector<16x1xi32>
      %gather3A_296 = vector.shape_cast %broadcast_in_dim3A_295 : vector<16x1xi32> to vector<16xi32>
      %gather3A_297 = tpu.dynamic_gather %get3A_76[%gather3A_296] in [0] : vector<16xi32>, vector<16xi32> -> vector<16xi32>
      %eq3A_298 = arith.cmpi eq, %gather3A_297, %get3A_76 : vector<16xi32>
      %lt3A_299 = arith.constant 1 : i32
      %lt3A_300 = vector.broadcast %lt3A_299 : i32 to vector<16xi32>
      %lt3A_301 = arith.cmpi slt, %iota3A, %lt3A_300 : vector<16xi32>
      %and3A_302 = arith.andi %eq3A_298, %lt3A_301 : vector<16xi1>
      %or3A_303 = arith.ori %or3A_288, %and3A_302 : vector<16xi1>
      %not3A = arith.constant dense<true> : vector<16xi1>
      %not3A_304 = arith.xori %or3A_303, %not3A : vector<16xi1>
      tpu.vector_store_idx %arg7[%get3A_76], %add3A_80 masked %not3A_304 : memref<1024xi32, #tpu.memory_space<vmem>>[vector<16xi32>], vector<16xi32>, vector<16xi1>
    }
    %scan3A_31 = arith.constant 64 : i32
    %get3A_32 = arith.index_cast %mul3A_4 : i32 to index
    %get3A_33 = tpu.vector_load %arg7[%get3A_32] {strides = array<i32>} : memref<1024xi32, #tpu.memory_space<vmem>>, vector<16xi32>,
    %add3A_34 = arith.constant 16 : i32
    %add3A_35 = arith.addi %mul3A_4, %add3A_34 : i32
    %get3A_36 = arith.index_cast %add3A_35 : i32 to index
    %get3A_37 = tpu.vector_load %arg7[%get3A_36] {strides = array<i32>} : memref<1024xi32, #tpu.memory_space<vmem>>, vector<16xi32>,
    %ge3A = arith.constant 0 : i32
    %ge3A_38 = vector.broadcast %ge3A : i32 to vector<16xi32>
    %ge3A_39 = arith.cmpi sge, %get3A_33, %ge3A_38 : vector<16xi32>
    %add3A_40 = arith.constant 1024 : i32
    %add3A_41 = arith.addi %mul3A_4, %add3A_40 : i32
    %add3A_42 = vector.broadcast %add3A_41 : i32 to vector<16xi32>
    %add3A_43 = arith.addi %add3A_42, %iota3A : vector<16xi32>
    %select_n3A = arith.select %ge3A_39, %get3A_33, %add3A_43 : vector<16xi1>, vector<16xi32>
    %swap3A_44 = arith.constant 0 : index
    %swap3A_45 = tpu.vector_load %arg9[%swap3A_44] {strides = array<i32>} : memref<32xi32, #tpu.memory_space<vmem>>, vector<16xi32>,
    tpu.vector_store %arg9[%swap3A_44], %select_n3A {strides = array<i32>} : memref<32xi32, #tpu.memory_space<vmem>>, vector<16xi32>,
    %ge3A_46 = arith.constant 0 : i32
    %ge3A_47 = vector.broadcast %ge3A_46 : i32 to vector<16xi32>
    %ge3A_48 = arith.cmpi sge, %get3A_37, %ge3A_47 : vector<16xi32>
    %add3A_49 = arith.constant 1024 : i32
    %add3A_50 = arith.addi %mul3A_4, %add3A_49 : i32
    %add3A_51 = arith.constant 16 : i32
    %add3A_52 = arith.addi %add3A_50, %add3A_51 : i32
    %add3A_53 = vector.broadcast %add3A_52 : i32 to vector<16xi32>
    %add3A_54 = arith.addi %add3A_53, %iota3A : vector<16xi32>
    %select_n3A_55 = arith.select %ge3A_48, %get3A_37, %add3A_54 : vector<16xi1>, vector<16xi32>
    %swap3A_56 = arith.constant 16 : index
    %swap3A_57 = tpu.vector_load %arg9[%swap3A_56] {strides = array<i32>} : memref<32xi32, #tpu.memory_space<vmem>>, vector<16xi32>,
    tpu.vector_store %arg9[%swap3A_56], %select_n3A_55 {strides = array<i32>} : memref<32xi32, #tpu.memory_space<vmem>>, vector<16xi32>,
    %dma_start3A_58 = arith.constant 0 : i32
    %dma_start3A_59 = arith.constant 0 : i32
    %dma_start3A_60 = tpu.memref_slice %arg2[%dma_start3A_58, %dma_start3A_59] : memref<2048x64xf32, #tpu.memory_space<hbm>> -> memref<2048x64xf32, #tpu.memory_space<hbm>>
    tpu.enqueue_indirect_dma source(%dma_start3A_60 : memref<2048x64xf32, #tpu.memory_space<hbm>>) target(%arg11 : memref<32x64xf32, #tpu.memory_space<vmem>>) offsets(%arg9 : memref<32xi32, #tpu.memory_space<vmem>>) semaphore(%arg13 : memref<!tpu.dma_semaphore, #tpu.memory_space<semaphore_mem>>)
    %dma_wait3A = arith.constant 0 : i32
    %dma_wait3A_61 = arith.constant 0 : i32
    %dma_wait3A_62 = tpu.memref_slice %arg2[%dma_wait3A, %dma_wait3A_61] : memref<2048x64xf32, #tpu.memory_space<hbm>> -> memref<2048x64xf32, #tpu.memory_space<hbm>>
    tpu.wait_indirect_dma semaphore(%arg13 : memref<!tpu.dma_semaphore, #tpu.memory_space<semaphore_mem>>) src(%dma_wait3A_62 : memref<2048x64xf32, #tpu.memory_space<hbm>>) dst(%arg11 : memref<32x64xf32, #tpu.memory_space<vmem>>)
    %lt3A = arith.constant 31 : i32
    %lt3A_63 = arith.cmpi slt, %add3A, %lt3A : i32
    %convert_element_type3A = arith.extui %lt3A_63 : i1 to i32
    %cond3A = arith.constant 0 : i32
    %cond3A_64 = arith.cmpi ne, %convert_element_type3A, %cond3A : i32
    scf.if %cond3A_64 {
      "tpu.region"() ({
        %run_scoped3A = tpu.sem_alloc : memref<!tpu.dma_semaphore, #tpu.memory_space<semaphore_mem>>
        %dma_start3A_72 = arith.constant 0 : i32
        %dma_start3A_73 = tpu.memref_slice %arg5[%mul3A_4, %dma_start3A_72] : memref<1000x64xf32, #tpu.memory_space<hbm>> -> memref<32x64xf32, #tpu.memory_space<hbm>>
        %dma_start3A_74 = arith.constant 0 : i32
        %dma_start3A_75 = tpu.memref_slice %arg5[%mul3A_4, %dma_start3A_74] : memref<1000x64xf32, #tpu.memory_space<hbm>> -> memref<32x64xf32, #tpu.memory_space<hbm>>
        tpu.enqueue_dma source(%arg11 : memref<32x64xf32, #tpu.memory_space<vmem>>) target(%dma_start3A_75 : memref<32x64xf32, #tpu.memory_space<hbm>>) target_semaphore(%run_scoped3A : memref<!tpu.dma_semaphore, #tpu.memory_space<semaphore_mem>>)
        %dma_wait3A_76 = arith.constant 0 : i32
        %dma_wait3A_77 = tpu.memref_slice %arg5[%mul3A_4, %dma_wait3A_76] : memref<1000x64xf32, #tpu.memory_space<hbm>> -> memref<32x64xf32, #tpu.memory_space<hbm>>
        %dma_wait3A_78 = arith.constant 0 : i32
        %dma_wait3A_79 = tpu.memref_slice %arg5[%mul3A_4, %dma_wait3A_78] : memref<1000x64xf32, #tpu.memory_space<hbm>> -> memref<32x64xf32, #tpu.memory_space<hbm>>
        tpu.wait_dma2 semaphore(%run_scoped3A : memref<!tpu.dma_semaphore, #tpu.memory_space<semaphore_mem>>) src(%arg11 : memref<32x64xf32, #tpu.memory_space<vmem>>) dst(%dma_wait3A_79 : memref<32x64xf32, #tpu.memory_space<hbm>>)
        tpu.yield
      }) : () -> ()
    } else {
    }
    %eq3A = arith.constant 31 : i32
    %eq3A_65 = arith.cmpi eq, %add3A, %eq3A : i32
    %convert_element_type3A_66 = arith.extui %eq3A_65 : i1 to i32
    %cond3A_67 = arith.constant 0 : i32
    %cond3A_68 = arith.cmpi ne, %convert_element_type3A_66, %cond3A_67 : i32
    scf.if %cond3A_68 {
      "tpu.region"() ({
        %run_scoped3A = tpu.sem_alloc : memref<!tpu.dma_semaphore, #tpu.memory_space<semaphore_mem>>
        %dma_start3A_72 = arith.constant 0 : i32
        %dma_start3A_73 = arith.constant 0 : i32
        %dma_start3A_74 = tpu.memref_slice %arg11[%dma_start3A_72, %dma_start3A_73] : memref<32x64xf32, #tpu.memory_space<vmem>> -> memref<8x64xf32, #tpu.memory_space<vmem>>
        %dma_start3A_75 = arith.constant 0 : i32
        %dma_start3A_76 = tpu.memref_slice %arg5[%mul3A_4, %dma_start3A_75] : memref<1000x64xf32, #tpu.memory_space<hbm>> -> memref<8x64xf32, #tpu.memory_space<hbm>>
        %dma_start3A_77 = arith.constant 0 : i32
        %dma_start3A_78 = tpu.memref_slice %arg5[%mul3A_4, %dma_start3A_77] : memref<1000x64xf32, #tpu.memory_space<hbm>> -> memref<8x64xf32, #tpu.memory_space<hbm>>
        %dma_start3A_79 = arith.constant 0 : i32
        %dma_start3A_80 = arith.constant 0 : i32
        %dma_start3A_81 = tpu.memref_slice %arg11[%dma_start3A_79, %dma_start3A_80] : memref<32x64xf32, #tpu.memory_space<vmem>> -> memref<8x64xf32, #tpu.memory_space<vmem>>
        tpu.enqueue_dma source(%dma_start3A_81 : memref<8x64xf32, #tpu.memory_space<vmem>>) target(%dma_start3A_78 : memref<8x64xf32, #tpu.memory_space<hbm>>) target_semaphore(%run_scoped3A : memref<!tpu.dma_semaphore, #tpu.memory_space<semaphore_mem>>)
        %dma_wait3A_82 = arith.constant 0 : i32
        %dma_wait3A_83 = arith.constant 0 : i32
        %dma_wait3A_84 = tpu.memref_slice %arg11[%dma_wait3A_82, %dma_wait3A_83] : memref<32x64xf32, #tpu.memory_space<vmem>> -> memref<8x64xf32, #tpu.memory_space<vmem>>
        %dma_wait3A_85 = arith.constant 0 : i32
        %dma_wait3A_86 = tpu.memref_slice %arg5[%mul3A_4, %dma_wait3A_85] : memref<1000x64xf32, #tpu.memory_space<hbm>> -> memref<8x64xf32, #tpu.memory_space<hbm>>
        %dma_wait3A_87 = arith.constant 0 : i32
        %dma_wait3A_88 = tpu.memref_slice %arg5[%mul3A_4, %dma_wait3A_87] : memref<1000x64xf32, #tpu.memory_space<hbm>> -> memref<8x64xf32, #tpu.memory_space<hbm>>
        %dma_wait3A_89 = arith.constant 0 : i32
        %dma_wait3A_90 = arith.constant 0 : i32
        %dma_wait3A_91 = tpu.memref_slice %arg11[%dma_wait3A_89, %dma_wait3A_90] : memref<32x64xf32, #tpu.memory_space<vmem>> -> memref<8x64xf32, #tpu.memory_space<vmem>>
        tpu.wait_dma2 semaphore(%run_scoped3A : memref<!tpu.dma_semaphore, #tpu.memory_space<semaphore_mem>>) src(%dma_wait3A_91 : memref<8x64xf32, #tpu.memory_space<vmem>>) dst(%dma_wait3A_88 : memref<8x64xf32, #tpu.memory_space<hbm>>)
        tpu.yield
      }) : () -> ()
    } else {
    }
    %dma_wait3A_69 = arith.constant 0 : i32
    %dma_wait3A_70 = arith.constant 0 : i32
    %dma_wait3A_71 = tpu.memref_slice %arg2[%dma_wait3A_69, %dma_wait3A_70] : memref<2048x64xf32, #tpu.memory_space<hbm>> -> memref<2048x64xf32, #tpu.memory_space<hbm>>
    tpu.wait_indirect_dma semaphore(%arg12 : memref<!tpu.dma_semaphore, #tpu.memory_space<semaphore_mem>>) src(%dma_wait3A_71 : memref<2048x64xf32, #tpu.memory_space<hbm>>) dst(%arg10 : memref<32x64xf32, #tpu.memory_space<vmem>>)
    "tpu.region"() ({
      %run_scoped3A = tpu.sem_alloc : memref<!tpu.dma_semaphore, #tpu.memory_space<semaphore_mem>>
      %dma_start3A_72 = arith.constant 0 : i32
      %dma_start3A_73 = tpu.memref_slice %arg4[%mul3A_2, %dma_start3A_72] : memref<1024x64xf32, #tpu.memory_space<hbm>> -> memref<32x64xf32, #tpu.memory_space<hbm>>
      %dma_start3A_74 = arith.constant 0 : i32
      %dma_start3A_75 = tpu.memref_slice %arg4[%mul3A_2, %dma_start3A_74] : memref<1024x64xf32, #tpu.memory_space<hbm>> -> memref<32x64xf32, #tpu.memory_space<hbm>>
      tpu.enqueue_dma source(%arg10 : memref<32x64xf32, #tpu.memory_space<vmem>>) target(%dma_start3A_75 : memref<32x64xf32, #tpu.memory_space<hbm>>) target_semaphore(%run_scoped3A : memref<!tpu.dma_semaphore, #tpu.memory_space<semaphore_mem>>)
      %dma_wait3A_76 = arith.constant 0 : i32
      %dma_wait3A_77 = tpu.memref_slice %arg4[%mul3A_2, %dma_wait3A_76] : memref<1024x64xf32, #tpu.memory_space<hbm>> -> memref<32x64xf32, #tpu.memory_space<hbm>>
      %dma_wait3A_78 = arith.constant 0 : i32
      %dma_wait3A_79 = tpu.memref_slice %arg4[%mul3A_2, %dma_wait3A_78] : memref<1024x64xf32, #tpu.memory_space<hbm>> -> memref<32x64xf32, #tpu.memory_space<hbm>>
      tpu.wait_dma2 semaphore(%run_scoped3A : memref<!tpu.dma_semaphore, #tpu.memory_space<semaphore_mem>>) src(%arg10 : memref<32x64xf32, #tpu.memory_space<vmem>>) dst(%dma_wait3A_79 : memref<32x64xf32, #tpu.memory_space<hbm>>)
      tpu.yield
    }) : () -> ()
    return
  }
}

module attributes {stable_mosaic.version = 14 : i64} {
  func.func @_bcast_body(%arg0: memref<1000x64xf32, #tpu.memory_space<vmem>>, %arg1: memref<1024x1000x64xf32, #tpu.memory_space<any>>, %arg2: memref<16x1000x64xf32, #tpu.memory_space<vmem>>, %arg3: memref<16x1000x64xf32, #tpu.memory_space<vmem>>, %arg4: memref<16x1000x64xf32, #tpu.memory_space<vmem>>, %arg5: memref<16x1000x64xf32, #tpu.memory_space<vmem>>, %arg6: memref<4x!tpu.dma_semaphore, #tpu.memory_space<semaphore_mem>>) attributes {dimension_semantics = [], scalar_prefetch = 0 : i64, scratch_operands = 5 : i64, tpu.core_type = #tpu.core_type<tc>} {
    %get3A = arith.constant 0 : index
    %get3A_0 = arith.constant 0 : index
    %get3A_1 = vector.load %arg0[%get3A, %get3A_0] : memref<1000x64xf32, #tpu.memory_space<vmem>>, vector<1000x64xf32>
    %swap3A = arith.constant 0 : index
    %swap3A_2 = arith.constant 0 : index
    %swap3A_3 = arith.constant 0 : index
    %swap3A_4 = vector.load %arg2[%swap3A, %swap3A_2, %swap3A_3] : memref<16x1000x64xf32, #tpu.memory_space<vmem>>, vector<1x1000x64xf32>
    %swap3A_5 = vector.shape_cast %swap3A_4 : vector<1x1000x64xf32> to vector<1000x64xf32>
    %swap3A_6 = vector.shape_cast %get3A_1 : vector<1000x64xf32> to vector<1x1000x64xf32>
    tpu.vector_store %arg2[%swap3A, %swap3A_2, %swap3A_3], %swap3A_6 {strides = array<i32>} : memref<16x1000x64xf32, #tpu.memory_space<vmem>>, vector<1x1000x64xf32>,
    %get3A_7 = arith.constant 0 : index
    %get3A_8 = arith.constant 0 : index
    %get3A_9 = vector.load %arg0[%get3A_7, %get3A_8] : memref<1000x64xf32, #tpu.memory_space<vmem>>, vector<1000x64xf32>
    %swap3A_10 = arith.constant 1 : index
    %swap3A_11 = arith.constant 0 : index
    %swap3A_12 = arith.constant 0 : index
    %swap3A_13 = vector.load %arg2[%swap3A_10, %swap3A_11, %swap3A_12] : memref<16x1000x64xf32, #tpu.memory_space<vmem>>, vector<1x1000x64xf32>
    %swap3A_14 = vector.shape_cast %swap3A_13 : vector<1x1000x64xf32> to vector<1000x64xf32>
    %swap3A_15 = vector.shape_cast %get3A_9 : vector<1000x64xf32> to vector<1x1000x64xf32>
    tpu.vector_store %arg2[%swap3A_10, %swap3A_11, %swap3A_12], %swap3A_15 {strides = array<i32>} : memref<16x1000x64xf32, #tpu.memory_space<vmem>>, vector<1x1000x64xf32>,
    %get3A_16 = arith.constant 0 : index
    %get3A_17 = arith.constant 0 : index
    %get3A_18 = vector.load %arg0[%get3A_16, %get3A_17] : memref<1000x64xf32, #tpu.memory_space<vmem>>, vector<1000x64xf32>
    %swap3A_19 = arith.constant 2 : index
    %swap3A_20 = arith.constant 0 : index
    %swap3A_21 = arith.constant 0 : index
    %swap3A_22 = vector.load %arg2[%swap3A_19, %swap3A_20, %swap3A_21] : memref<16x1000x64xf32, #tpu.memory_space<vmem>>, vector<1x1000x64xf32>
    %swap3A_23 = vector.shape_cast %swap3A_22 : vector<1x1000x64xf32> to vector<1000x64xf32>
    %swap3A_24 = vector.shape_cast %get3A_18 : vector<1000x64xf32> to vector<1x1000x64xf32>
    tpu.vector_store %arg2[%swap3A_19, %swap3A_20, %swap3A_21], %swap3A_24 {strides = array<i32>} : memref<16x1000x64xf32, #tpu.memory_space<vmem>>, vector<1x1000x64xf32>,
    %get3A_25 = arith.constant 0 : index
    %get3A_26 = arith.constant 0 : index
    %get3A_27 = vector.load %arg0[%get3A_25, %get3A_26] : memref<1000x64xf32, #tpu.memory_space<vmem>>, vector<1000x64xf32>
    %swap3A_28 = arith.constant 3 : index
    %swap3A_29 = arith.constant 0 : index
    %swap3A_30 = arith.constant 0 : index
    %swap3A_31 = vector.load %arg2[%swap3A_28, %swap3A_29, %swap3A_30] : memref<16x1000x64xf32, #tpu.memory_space<vmem>>, vector<1x1000x64xf32>
    %swap3A_32 = vector.shape_cast %swap3A_31 : vector<1x1000x64xf32> to vector<1000x64xf32>
    %swap3A_33 = vector.shape_cast %get3A_27 : vector<1000x64xf32> to vector<1x1000x64xf32>
    tpu.vector_store %arg2[%swap3A_28, %swap3A_29, %swap3A_30], %swap3A_33 {strides = array<i32>} : memref<16x1000x64xf32, #tpu.memory_space<vmem>>, vector<1x1000x64xf32>,
    %get3A_34 = arith.constant 0 : index
    %get3A_35 = arith.constant 0 : index
    %get3A_36 = vector.load %arg0[%get3A_34, %get3A_35] : memref<1000x64xf32, #tpu.memory_space<vmem>>, vector<1000x64xf32>
    %swap3A_37 = arith.constant 4 : index
    %swap3A_38 = arith.constant 0 : index
    %swap3A_39 = arith.constant 0 : index
    %swap3A_40 = vector.load %arg2[%swap3A_37, %swap3A_38, %swap3A_39] : memref<16x1000x64xf32, #tpu.memory_space<vmem>>, vector<1x1000x64xf32>
    %swap3A_41 = vector.shape_cast %swap3A_40 : vector<1x1000x64xf32> to vector<1000x64xf32>
    %swap3A_42 = vector.shape_cast %get3A_36 : vector<1000x64xf32> to vector<1x1000x64xf32>
    tpu.vector_store %arg2[%swap3A_37, %swap3A_38, %swap3A_39], %swap3A_42 {strides = array<i32>} : memref<16x1000x64xf32, #tpu.memory_space<vmem>>, vector<1x1000x64xf32>,
    %get3A_43 = arith.constant 0 : index
    %get3A_44 = arith.constant 0 : index
    %get3A_45 = vector.load %arg0[%get3A_43, %get3A_44] : memref<1000x64xf32, #tpu.memory_space<vmem>>, vector<1000x64xf32>
    %swap3A_46 = arith.constant 5 : index
    %swap3A_47 = arith.constant 0 : index
    %swap3A_48 = arith.constant 0 : index
    %swap3A_49 = vector.load %arg2[%swap3A_46, %swap3A_47, %swap3A_48] : memref<16x1000x64xf32, #tpu.memory_space<vmem>>, vector<1x1000x64xf32>
    %swap3A_50 = vector.shape_cast %swap3A_49 : vector<1x1000x64xf32> to vector<1000x64xf32>
    %swap3A_51 = vector.shape_cast %get3A_45 : vector<1000x64xf32> to vector<1x1000x64xf32>
    tpu.vector_store %arg2[%swap3A_46, %swap3A_47, %swap3A_48], %swap3A_51 {strides = array<i32>} : memref<16x1000x64xf32, #tpu.memory_space<vmem>>, vector<1x1000x64xf32>,
    %get3A_52 = arith.constant 0 : index
    %get3A_53 = arith.constant 0 : index
    %get3A_54 = vector.load %arg0[%get3A_52, %get3A_53] : memref<1000x64xf32, #tpu.memory_space<vmem>>, vector<1000x64xf32>
    %swap3A_55 = arith.constant 6 : index
    %swap3A_56 = arith.constant 0 : index
    %swap3A_57 = arith.constant 0 : index
    %swap3A_58 = vector.load %arg2[%swap3A_55, %swap3A_56, %swap3A_57] : memref<16x1000x64xf32, #tpu.memory_space<vmem>>, vector<1x1000x64xf32>
    %swap3A_59 = vector.shape_cast %swap3A_58 : vector<1x1000x64xf32> to vector<1000x64xf32>
    %swap3A_60 = vector.shape_cast %get3A_54 : vector<1000x64xf32> to vector<1x1000x64xf32>
    tpu.vector_store %arg2[%swap3A_55, %swap3A_56, %swap3A_57], %swap3A_60 {strides = array<i32>} : memref<16x1000x64xf32, #tpu.memory_space<vmem>>, vector<1x1000x64xf32>,
    %get3A_61 = arith.constant 0 : index
    %get3A_62 = arith.constant 0 : index
    %get3A_63 = vector.load %arg0[%get3A_61, %get3A_62] : memref<1000x64xf32, #tpu.memory_space<vmem>>, vector<1000x64xf32>
    %swap3A_64 = arith.constant 7 : index
    %swap3A_65 = arith.constant 0 : index
    %swap3A_66 = arith.constant 0 : index
    %swap3A_67 = vector.load %arg2[%swap3A_64, %swap3A_65, %swap3A_66] : memref<16x1000x64xf32, #tpu.memory_space<vmem>>, vector<1x1000x64xf32>
    %swap3A_68 = vector.shape_cast %swap3A_67 : vector<1x1000x64xf32> to vector<1000x64xf32>
    %swap3A_69 = vector.shape_cast %get3A_63 : vector<1000x64xf32> to vector<1x1000x64xf32>
    tpu.vector_store %arg2[%swap3A_64, %swap3A_65, %swap3A_66], %swap3A_69 {strides = array<i32>} : memref<16x1000x64xf32, #tpu.memory_space<vmem>>, vector<1x1000x64xf32>,
    %get3A_70 = arith.constant 0 : index
    %get3A_71 = arith.constant 0 : index
    %get3A_72 = vector.load %arg0[%get3A_70, %get3A_71] : memref<1000x64xf32, #tpu.memory_space<vmem>>, vector<1000x64xf32>
    %swap3A_73 = arith.constant 8 : index
    %swap3A_74 = arith.constant 0 : index
    %swap3A_75 = arith.constant 0 : index
    %swap3A_76 = vector.load %arg2[%swap3A_73, %swap3A_74, %swap3A_75] : memref<16x1000x64xf32, #tpu.memory_space<vmem>>, vector<1x1000x64xf32>
    %swap3A_77 = vector.shape_cast %swap3A_76 : vector<1x1000x64xf32> to vector<1000x64xf32>
    %swap3A_78 = vector.shape_cast %get3A_72 : vector<1000x64xf32> to vector<1x1000x64xf32>
    tpu.vector_store %arg2[%swap3A_73, %swap3A_74, %swap3A_75], %swap3A_78 {strides = array<i32>} : memref<16x1000x64xf32, #tpu.memory_space<vmem>>, vector<1x1000x64xf32>,
    %get3A_79 = arith.constant 0 : index
    %get3A_80 = arith.constant 0 : index
    %get3A_81 = vector.load %arg0[%get3A_79, %get3A_80] : memref<1000x64xf32, #tpu.memory_space<vmem>>, vector<1000x64xf32>
    %swap3A_82 = arith.constant 9 : index
    %swap3A_83 = arith.constant 0 : index
    %swap3A_84 = arith.constant 0 : index
    %swap3A_85 = vector.load %arg2[%swap3A_82, %swap3A_83, %swap3A_84] : memref<16x1000x64xf32, #tpu.memory_space<vmem>>, vector<1x1000x64xf32>
    %swap3A_86 = vector.shape_cast %swap3A_85 : vector<1x1000x64xf32> to vector<1000x64xf32>
    %swap3A_87 = vector.shape_cast %get3A_81 : vector<1000x64xf32> to vector<1x1000x64xf32>
    tpu.vector_store %arg2[%swap3A_82, %swap3A_83, %swap3A_84], %swap3A_87 {strides = array<i32>} : memref<16x1000x64xf32, #tpu.memory_space<vmem>>, vector<1x1000x64xf32>,
    %get3A_88 = arith.constant 0 : index
    %get3A_89 = arith.constant 0 : index
    %get3A_90 = vector.load %arg0[%get3A_88, %get3A_89] : memref<1000x64xf32, #tpu.memory_space<vmem>>, vector<1000x64xf32>
    %swap3A_91 = arith.constant 10 : index
    %swap3A_92 = arith.constant 0 : index
    %swap3A_93 = arith.constant 0 : index
    %swap3A_94 = vector.load %arg2[%swap3A_91, %swap3A_92, %swap3A_93] : memref<16x1000x64xf32, #tpu.memory_space<vmem>>, vector<1x1000x64xf32>
    %swap3A_95 = vector.shape_cast %swap3A_94 : vector<1x1000x64xf32> to vector<1000x64xf32>
    %swap3A_96 = vector.shape_cast %get3A_90 : vector<1000x64xf32> to vector<1x1000x64xf32>
    tpu.vector_store %arg2[%swap3A_91, %swap3A_92, %swap3A_93], %swap3A_96 {strides = array<i32>} : memref<16x1000x64xf32, #tpu.memory_space<vmem>>, vector<1x1000x64xf32>,
    %get3A_97 = arith.constant 0 : index
    %get3A_98 = arith.constant 0 : index
    %get3A_99 = vector.load %arg0[%get3A_97, %get3A_98] : memref<1000x64xf32, #tpu.memory_space<vmem>>, vector<1000x64xf32>
    %swap3A_100 = arith.constant 11 : index
    %swap3A_101 = arith.constant 0 : index
    %swap3A_102 = arith.constant 0 : index
    %swap3A_103 = vector.load %arg2[%swap3A_100, %swap3A_101, %swap3A_102] : memref<16x1000x64xf32, #tpu.memory_space<vmem>>, vector<1x1000x64xf32>
    %swap3A_104 = vector.shape_cast %swap3A_103 : vector<1x1000x64xf32> to vector<1000x64xf32>
    %swap3A_105 = vector.shape_cast %get3A_99 : vector<1000x64xf32> to vector<1x1000x64xf32>
    tpu.vector_store %arg2[%swap3A_100, %swap3A_101, %swap3A_102], %swap3A_105 {strides = array<i32>} : memref<16x1000x64xf32, #tpu.memory_space<vmem>>, vector<1x1000x64xf32>,
    %get3A_106 = arith.constant 0 : index
    %get3A_107 = arith.constant 0 : index
    %get3A_108 = vector.load %arg0[%get3A_106, %get3A_107] : memref<1000x64xf32, #tpu.memory_space<vmem>>, vector<1000x64xf32>
    %swap3A_109 = arith.constant 12 : index
    %swap3A_110 = arith.constant 0 : index
    %swap3A_111 = arith.constant 0 : index
    %swap3A_112 = vector.load %arg2[%swap3A_109, %swap3A_110, %swap3A_111] : memref<16x1000x64xf32, #tpu.memory_space<vmem>>, vector<1x1000x64xf32>
    %swap3A_113 = vector.shape_cast %swap3A_112 : vector<1x1000x64xf32> to vector<1000x64xf32>
    %swap3A_114 = vector.shape_cast %get3A_108 : vector<1000x64xf32> to vector<1x1000x64xf32>
    tpu.vector_store %arg2[%swap3A_109, %swap3A_110, %swap3A_111], %swap3A_114 {strides = array<i32>} : memref<16x1000x64xf32, #tpu.memory_space<vmem>>, vector<1x1000x64xf32>,
    %get3A_115 = arith.constant 0 : index
    %get3A_116 = arith.constant 0 : index
    %get3A_117 = vector.load %arg0[%get3A_115, %get3A_116] : memref<1000x64xf32, #tpu.memory_space<vmem>>, vector<1000x64xf32>
    %swap3A_118 = arith.constant 13 : index
    %swap3A_119 = arith.constant 0 : index
    %swap3A_120 = arith.constant 0 : index
    %swap3A_121 = vector.load %arg2[%swap3A_118, %swap3A_119, %swap3A_120] : memref<16x1000x64xf32, #tpu.memory_space<vmem>>, vector<1x1000x64xf32>
    %swap3A_122 = vector.shape_cast %swap3A_121 : vector<1x1000x64xf32> to vector<1000x64xf32>
    %swap3A_123 = vector.shape_cast %get3A_117 : vector<1000x64xf32> to vector<1x1000x64xf32>
    tpu.vector_store %arg2[%swap3A_118, %swap3A_119, %swap3A_120], %swap3A_123 {strides = array<i32>} : memref<16x1000x64xf32, #tpu.memory_space<vmem>>, vector<1x1000x64xf32>,
    %get3A_124 = arith.constant 0 : index
    %get3A_125 = arith.constant 0 : index
    %get3A_126 = vector.load %arg0[%get3A_124, %get3A_125] : memref<1000x64xf32, #tpu.memory_space<vmem>>, vector<1000x64xf32>
    %swap3A_127 = arith.constant 14 : index
    %swap3A_128 = arith.constant 0 : index
    %swap3A_129 = arith.constant 0 : index
    %swap3A_130 = vector.load %arg2[%swap3A_127, %swap3A_128, %swap3A_129] : memref<16x1000x64xf32, #tpu.memory_space<vmem>>, vector<1x1000x64xf32>
    %swap3A_131 = vector.shape_cast %swap3A_130 : vector<1x1000x64xf32> to vector<1000x64xf32>
    %swap3A_132 = vector.shape_cast %get3A_126 : vector<1000x64xf32> to vector<1x1000x64xf32>
    tpu.vector_store %arg2[%swap3A_127, %swap3A_128, %swap3A_129], %swap3A_132 {strides = array<i32>} : memref<16x1000x64xf32, #tpu.memory_space<vmem>>, vector<1x1000x64xf32>,
    %get3A_133 = arith.constant 0 : index
    %get3A_134 = arith.constant 0 : index
    %get3A_135 = vector.load %arg0[%get3A_133, %get3A_134] : memref<1000x64xf32, #tpu.memory_space<vmem>>, vector<1000x64xf32>
    %swap3A_136 = arith.constant 15 : index
    %swap3A_137 = arith.constant 0 : index
    %swap3A_138 = arith.constant 0 : index
    %swap3A_139 = vector.load %arg2[%swap3A_136, %swap3A_137, %swap3A_138] : memref<16x1000x64xf32, #tpu.memory_space<vmem>>, vector<1x1000x64xf32>
    %swap3A_140 = vector.shape_cast %swap3A_139 : vector<1x1000x64xf32> to vector<1000x64xf32>
    %swap3A_141 = vector.shape_cast %get3A_135 : vector<1000x64xf32> to vector<1x1000x64xf32>
    tpu.vector_store %arg2[%swap3A_136, %swap3A_137, %swap3A_138], %swap3A_141 {strides = array<i32>} : memref<16x1000x64xf32, #tpu.memory_space<vmem>>, vector<1x1000x64xf32>,
    %get3A_142 = arith.constant 0 : index
    %get3A_143 = arith.constant 0 : index
    %get3A_144 = vector.load %arg0[%get3A_142, %get3A_143] : memref<1000x64xf32, #tpu.memory_space<vmem>>, vector<1000x64xf32>
    %swap3A_145 = arith.constant 0 : index
    %swap3A_146 = arith.constant 0 : index
    %swap3A_147 = arith.constant 0 : index
    %swap3A_148 = vector.load %arg3[%swap3A_145, %swap3A_146, %swap3A_147] : memref<16x1000x64xf32, #tpu.memory_space<vmem>>, vector<1x1000x64xf32>
    %swap3A_149 = vector.shape_cast %swap3A_148 : vector<1x1000x64xf32> to vector<1000x64xf32>
    %swap3A_150 = vector.shape_cast %get3A_144 : vector<1000x64xf32> to vector<1x1000x64xf32>
    tpu.vector_store %arg3[%swap3A_145, %swap3A_146, %swap3A_147], %swap3A_150 {strides = array<i32>} : memref<16x1000x64xf32, #tpu.memory_space<vmem>>, vector<1x1000x64xf32>,
    %get3A_151 = arith.constant 0 : index
    %get3A_152 = arith.constant 0 : index
    %get3A_153 = vector.load %arg0[%get3A_151, %get3A_152] : memref<1000x64xf32, #tpu.memory_space<vmem>>, vector<1000x64xf32>
    %swap3A_154 = arith.constant 1 : index
    %swap3A_155 = arith.constant 0 : index
    %swap3A_156 = arith.constant 0 : index
    %swap3A_157 = vector.load %arg3[%swap3A_154, %swap3A_155, %swap3A_156] : memref<16x1000x64xf32, #tpu.memory_space<vmem>>, vector<1x1000x64xf32>
    %swap3A_158 = vector.shape_cast %swap3A_157 : vector<1x1000x64xf32> to vector<1000x64xf32>
    %swap3A_159 = vector.shape_cast %get3A_153 : vector<1000x64xf32> to vector<1x1000x64xf32>
    tpu.vector_store %arg3[%swap3A_154, %swap3A_155, %swap3A_156], %swap3A_159 {strides = array<i32>} : memref<16x1000x64xf32, #tpu.memory_space<vmem>>, vector<1x1000x64xf32>,
    %get3A_160 = arith.constant 0 : index
    %get3A_161 = arith.constant 0 : index
    %get3A_162 = vector.load %arg0[%get3A_160, %get3A_161] : memref<1000x64xf32, #tpu.memory_space<vmem>>, vector<1000x64xf32>
    %swap3A_163 = arith.constant 2 : index
    %swap3A_164 = arith.constant 0 : index
    %swap3A_165 = arith.constant 0 : index
    %swap3A_166 = vector.load %arg3[%swap3A_163, %swap3A_164, %swap3A_165] : memref<16x1000x64xf32, #tpu.memory_space<vmem>>, vector<1x1000x64xf32>
    %swap3A_167 = vector.shape_cast %swap3A_166 : vector<1x1000x64xf32> to vector<1000x64xf32>
    %swap3A_168 = vector.shape_cast %get3A_162 : vector<1000x64xf32> to vector<1x1000x64xf32>
    tpu.vector_store %arg3[%swap3A_163, %swap3A_164, %swap3A_165], %swap3A_168 {strides = array<i32>} : memref<16x1000x64xf32, #tpu.memory_space<vmem>>, vector<1x1000x64xf32>,
    %get3A_169 = arith.constant 0 : index
    %get3A_170 = arith.constant 0 : index
    %get3A_171 = vector.load %arg0[%get3A_169, %get3A_170] : memref<1000x64xf32, #tpu.memory_space<vmem>>, vector<1000x64xf32>
    %swap3A_172 = arith.constant 3 : index
    %swap3A_173 = arith.constant 0 : index
    %swap3A_174 = arith.constant 0 : index
    %swap3A_175 = vector.load %arg3[%swap3A_172, %swap3A_173, %swap3A_174] : memref<16x1000x64xf32, #tpu.memory_space<vmem>>, vector<1x1000x64xf32>
    %swap3A_176 = vector.shape_cast %swap3A_175 : vector<1x1000x64xf32> to vector<1000x64xf32>
    %swap3A_177 = vector.shape_cast %get3A_171 : vector<1000x64xf32> to vector<1x1000x64xf32>
    tpu.vector_store %arg3[%swap3A_172, %swap3A_173, %swap3A_174], %swap3A_177 {strides = array<i32>} : memref<16x1000x64xf32, #tpu.memory_space<vmem>>, vector<1x1000x64xf32>,
    %get3A_178 = arith.constant 0 : index
    %get3A_179 = arith.constant 0 : index
    %get3A_180 = vector.load %arg0[%get3A_178, %get3A_179] : memref<1000x64xf32, #tpu.memory_space<vmem>>, vector<1000x64xf32>
    %swap3A_181 = arith.constant 4 : index
    %swap3A_182 = arith.constant 0 : index
    %swap3A_183 = arith.constant 0 : index
    %swap3A_184 = vector.load %arg3[%swap3A_181, %swap3A_182, %swap3A_183] : memref<16x1000x64xf32, #tpu.memory_space<vmem>>, vector<1x1000x64xf32>
    %swap3A_185 = vector.shape_cast %swap3A_184 : vector<1x1000x64xf32> to vector<1000x64xf32>
    %swap3A_186 = vector.shape_cast %get3A_180 : vector<1000x64xf32> to vector<1x1000x64xf32>
    tpu.vector_store %arg3[%swap3A_181, %swap3A_182, %swap3A_183], %swap3A_186 {strides = array<i32>} : memref<16x1000x64xf32, #tpu.memory_space<vmem>>, vector<1x1000x64xf32>,
    %get3A_187 = arith.constant 0 : index
    %get3A_188 = arith.constant 0 : index
    %get3A_189 = vector.load %arg0[%get3A_187, %get3A_188] : memref<1000x64xf32, #tpu.memory_space<vmem>>, vector<1000x64xf32>
    %swap3A_190 = arith.constant 5 : index
    %swap3A_191 = arith.constant 0 : index
    %swap3A_192 = arith.constant 0 : index
    %swap3A_193 = vector.load %arg3[%swap3A_190, %swap3A_191, %swap3A_192] : memref<16x1000x64xf32, #tpu.memory_space<vmem>>, vector<1x1000x64xf32>
    %swap3A_194 = vector.shape_cast %swap3A_193 : vector<1x1000x64xf32> to vector<1000x64xf32>
    %swap3A_195 = vector.shape_cast %get3A_189 : vector<1000x64xf32> to vector<1x1000x64xf32>
    tpu.vector_store %arg3[%swap3A_190, %swap3A_191, %swap3A_192], %swap3A_195 {strides = array<i32>} : memref<16x1000x64xf32, #tpu.memory_space<vmem>>, vector<1x1000x64xf32>,
    %get3A_196 = arith.constant 0 : index
    %get3A_197 = arith.constant 0 : index
    %get3A_198 = vector.load %arg0[%get3A_196, %get3A_197] : memref<1000x64xf32, #tpu.memory_space<vmem>>, vector<1000x64xf32>
    %swap3A_199 = arith.constant 6 : index
    %swap3A_200 = arith.constant 0 : index
    %swap3A_201 = arith.constant 0 : index
    %swap3A_202 = vector.load %arg3[%swap3A_199, %swap3A_200, %swap3A_201] : memref<16x1000x64xf32, #tpu.memory_space<vmem>>, vector<1x1000x64xf32>
    %swap3A_203 = vector.shape_cast %swap3A_202 : vector<1x1000x64xf32> to vector<1000x64xf32>
    %swap3A_204 = vector.shape_cast %get3A_198 : vector<1000x64xf32> to vector<1x1000x64xf32>
    tpu.vector_store %arg3[%swap3A_199, %swap3A_200, %swap3A_201], %swap3A_204 {strides = array<i32>} : memref<16x1000x64xf32, #tpu.memory_space<vmem>>, vector<1x1000x64xf32>,
    %get3A_205 = arith.constant 0 : index
    %get3A_206 = arith.constant 0 : index
    %get3A_207 = vector.load %arg0[%get3A_205, %get3A_206] : memref<1000x64xf32, #tpu.memory_space<vmem>>, vector<1000x64xf32>
    %swap3A_208 = arith.constant 7 : index
    %swap3A_209 = arith.constant 0 : index
    %swap3A_210 = arith.constant 0 : index
    %swap3A_211 = vector.load %arg3[%swap3A_208, %swap3A_209, %swap3A_210] : memref<16x1000x64xf32, #tpu.memory_space<vmem>>, vector<1x1000x64xf32>
    %swap3A_212 = vector.shape_cast %swap3A_211 : vector<1x1000x64xf32> to vector<1000x64xf32>
    %swap3A_213 = vector.shape_cast %get3A_207 : vector<1000x64xf32> to vector<1x1000x64xf32>
    tpu.vector_store %arg3[%swap3A_208, %swap3A_209, %swap3A_210], %swap3A_213 {strides = array<i32>} : memref<16x1000x64xf32, #tpu.memory_space<vmem>>, vector<1x1000x64xf32>,
    %get3A_214 = arith.constant 0 : index
    %get3A_215 = arith.constant 0 : index
    %get3A_216 = vector.load %arg0[%get3A_214, %get3A_215] : memref<1000x64xf32, #tpu.memory_space<vmem>>, vector<1000x64xf32>
    %swap3A_217 = arith.constant 8 : index
    %swap3A_218 = arith.constant 0 : index
    %swap3A_219 = arith.constant 0 : index
    %swap3A_220 = vector.load %arg3[%swap3A_217, %swap3A_218, %swap3A_219] : memref<16x1000x64xf32, #tpu.memory_space<vmem>>, vector<1x1000x64xf32>
    %swap3A_221 = vector.shape_cast %swap3A_220 : vector<1x1000x64xf32> to vector<1000x64xf32>
    %swap3A_222 = vector.shape_cast %get3A_216 : vector<1000x64xf32> to vector<1x1000x64xf32>
    tpu.vector_store %arg3[%swap3A_217, %swap3A_218, %swap3A_219], %swap3A_222 {strides = array<i32>} : memref<16x1000x64xf32, #tpu.memory_space<vmem>>, vector<1x1000x64xf32>,
    %get3A_223 = arith.constant 0 : index
    %get3A_224 = arith.constant 0 : index
    %get3A_225 = vector.load %arg0[%get3A_223, %get3A_224] : memref<1000x64xf32, #tpu.memory_space<vmem>>, vector<1000x64xf32>
    %swap3A_226 = arith.constant 9 : index
    %swap3A_227 = arith.constant 0 : index
    %swap3A_228 = arith.constant 0 : index
    %swap3A_229 = vector.load %arg3[%swap3A_226, %swap3A_227, %swap3A_228] : memref<16x1000x64xf32, #tpu.memory_space<vmem>>, vector<1x1000x64xf32>
    %swap3A_230 = vector.shape_cast %swap3A_229 : vector<1x1000x64xf32> to vector<1000x64xf32>
    %swap3A_231 = vector.shape_cast %get3A_225 : vector<1000x64xf32> to vector<1x1000x64xf32>
    tpu.vector_store %arg3[%swap3A_226, %swap3A_227, %swap3A_228], %swap3A_231 {strides = array<i32>} : memref<16x1000x64xf32, #tpu.memory_space<vmem>>, vector<1x1000x64xf32>,
    %get3A_232 = arith.constant 0 : index
    %get3A_233 = arith.constant 0 : index
    %get3A_234 = vector.load %arg0[%get3A_232, %get3A_233] : memref<1000x64xf32, #tpu.memory_space<vmem>>, vector<1000x64xf32>
    %swap3A_235 = arith.constant 10 : index
    %swap3A_236 = arith.constant 0 : index
    %swap3A_237 = arith.constant 0 : index
    %swap3A_238 = vector.load %arg3[%swap3A_235, %swap3A_236, %swap3A_237] : memref<16x1000x64xf32, #tpu.memory_space<vmem>>, vector<1x1000x64xf32>
    %swap3A_239 = vector.shape_cast %swap3A_238 : vector<1x1000x64xf32> to vector<1000x64xf32>
    %swap3A_240 = vector.shape_cast %get3A_234 : vector<1000x64xf32> to vector<1x1000x64xf32>
    tpu.vector_store %arg3[%swap3A_235, %swap3A_236, %swap3A_237], %swap3A_240 {strides = array<i32>} : memref<16x1000x64xf32, #tpu.memory_space<vmem>>, vector<1x1000x64xf32>,
    %get3A_241 = arith.constant 0 : index
    %get3A_242 = arith.constant 0 : index
    %get3A_243 = vector.load %arg0[%get3A_241, %get3A_242] : memref<1000x64xf32, #tpu.memory_space<vmem>>, vector<1000x64xf32>
    %swap3A_244 = arith.constant 11 : index
    %swap3A_245 = arith.constant 0 : index
    %swap3A_246 = arith.constant 0 : index
    %swap3A_247 = vector.load %arg3[%swap3A_244, %swap3A_245, %swap3A_246] : memref<16x1000x64xf32, #tpu.memory_space<vmem>>, vector<1x1000x64xf32>
    %swap3A_248 = vector.shape_cast %swap3A_247 : vector<1x1000x64xf32> to vector<1000x64xf32>
    %swap3A_249 = vector.shape_cast %get3A_243 : vector<1000x64xf32> to vector<1x1000x64xf32>
    tpu.vector_store %arg3[%swap3A_244, %swap3A_245, %swap3A_246], %swap3A_249 {strides = array<i32>} : memref<16x1000x64xf32, #tpu.memory_space<vmem>>, vector<1x1000x64xf32>,
    %get3A_250 = arith.constant 0 : index
    %get3A_251 = arith.constant 0 : index
    %get3A_252 = vector.load %arg0[%get3A_250, %get3A_251] : memref<1000x64xf32, #tpu.memory_space<vmem>>, vector<1000x64xf32>
    %swap3A_253 = arith.constant 12 : index
    %swap3A_254 = arith.constant 0 : index
    %swap3A_255 = arith.constant 0 : index
    %swap3A_256 = vector.load %arg3[%swap3A_253, %swap3A_254, %swap3A_255] : memref<16x1000x64xf32, #tpu.memory_space<vmem>>, vector<1x1000x64xf32>
    %swap3A_257 = vector.shape_cast %swap3A_256 : vector<1x1000x64xf32> to vector<1000x64xf32>
    %swap3A_258 = vector.shape_cast %get3A_252 : vector<1000x64xf32> to vector<1x1000x64xf32>
    tpu.vector_store %arg3[%swap3A_253, %swap3A_254, %swap3A_255], %swap3A_258 {strides = array<i32>} : memref<16x1000x64xf32, #tpu.memory_space<vmem>>, vector<1x1000x64xf32>,
    %get3A_259 = arith.constant 0 : index
    %get3A_260 = arith.constant 0 : index
    %get3A_261 = vector.load %arg0[%get3A_259, %get3A_260] : memref<1000x64xf32, #tpu.memory_space<vmem>>, vector<1000x64xf32>
    %swap3A_262 = arith.constant 13 : index
    %swap3A_263 = arith.constant 0 : index
    %swap3A_264 = arith.constant 0 : index
    %swap3A_265 = vector.load %arg3[%swap3A_262, %swap3A_263, %swap3A_264] : memref<16x1000x64xf32, #tpu.memory_space<vmem>>, vector<1x1000x64xf32>
    %swap3A_266 = vector.shape_cast %swap3A_265 : vector<1x1000x64xf32> to vector<1000x64xf32>
    %swap3A_267 = vector.shape_cast %get3A_261 : vector<1000x64xf32> to vector<1x1000x64xf32>
    tpu.vector_store %arg3[%swap3A_262, %swap3A_263, %swap3A_264], %swap3A_267 {strides = array<i32>} : memref<16x1000x64xf32, #tpu.memory_space<vmem>>, vector<1x1000x64xf32>,
    %get3A_268 = arith.constant 0 : index
    %get3A_269 = arith.constant 0 : index
    %get3A_270 = vector.load %arg0[%get3A_268, %get3A_269] : memref<1000x64xf32, #tpu.memory_space<vmem>>, vector<1000x64xf32>
    %swap3A_271 = arith.constant 14 : index
    %swap3A_272 = arith.constant 0 : index
    %swap3A_273 = arith.constant 0 : index
    %swap3A_274 = vector.load %arg3[%swap3A_271, %swap3A_272, %swap3A_273] : memref<16x1000x64xf32, #tpu.memory_space<vmem>>, vector<1x1000x64xf32>
    %swap3A_275 = vector.shape_cast %swap3A_274 : vector<1x1000x64xf32> to vector<1000x64xf32>
    %swap3A_276 = vector.shape_cast %get3A_270 : vector<1000x64xf32> to vector<1x1000x64xf32>
    tpu.vector_store %arg3[%swap3A_271, %swap3A_272, %swap3A_273], %swap3A_276 {strides = array<i32>} : memref<16x1000x64xf32, #tpu.memory_space<vmem>>, vector<1x1000x64xf32>,
    %get3A_277 = arith.constant 0 : index
    %get3A_278 = arith.constant 0 : index
    %get3A_279 = vector.load %arg0[%get3A_277, %get3A_278] : memref<1000x64xf32, #tpu.memory_space<vmem>>, vector<1000x64xf32>
    %swap3A_280 = arith.constant 15 : index
    %swap3A_281 = arith.constant 0 : index
    %swap3A_282 = arith.constant 0 : index
    %swap3A_283 = vector.load %arg3[%swap3A_280, %swap3A_281, %swap3A_282] : memref<16x1000x64xf32, #tpu.memory_space<vmem>>, vector<1x1000x64xf32>
    %swap3A_284 = vector.shape_cast %swap3A_283 : vector<1x1000x64xf32> to vector<1000x64xf32>
    %swap3A_285 = vector.shape_cast %get3A_279 : vector<1000x64xf32> to vector<1x1000x64xf32>
    tpu.vector_store %arg3[%swap3A_280, %swap3A_281, %swap3A_282], %swap3A_285 {strides = array<i32>} : memref<16x1000x64xf32, #tpu.memory_space<vmem>>, vector<1x1000x64xf32>,
    %get3A_286 = arith.constant 0 : index
    %get3A_287 = arith.constant 0 : index
    %get3A_288 = vector.load %arg0[%get3A_286, %get3A_287] : memref<1000x64xf32, #tpu.memory_space<vmem>>, vector<1000x64xf32>
    %swap3A_289 = arith.constant 0 : index
    %swap3A_290 = arith.constant 0 : index
    %swap3A_291 = arith.constant 0 : index
    %swap3A_292 = vector.load %arg4[%swap3A_289, %swap3A_290, %swap3A_291] : memref<16x1000x64xf32, #tpu.memory_space<vmem>>, vector<1x1000x64xf32>
    %swap3A_293 = vector.shape_cast %swap3A_292 : vector<1x1000x64xf32> to vector<1000x64xf32>
    %swap3A_294 = vector.shape_cast %get3A_288 : vector<1000x64xf32> to vector<1x1000x64xf32>
    tpu.vector_store %arg4[%swap3A_289, %swap3A_290, %swap3A_291], %swap3A_294 {strides = array<i32>} : memref<16x1000x64xf32, #tpu.memory_space<vmem>>, vector<1x1000x64xf32>,
    %get3A_295 = arith.constant 0 : index
    %get3A_296 = arith.constant 0 : index
    %get3A_297 = vector.load %arg0[%get3A_295, %get3A_296] : memref<1000x64xf32, #tpu.memory_space<vmem>>, vector<1000x64xf32>
    %swap3A_298 = arith.constant 1 : index
    %swap3A_299 = arith.constant 0 : index
    %swap3A_300 = arith.constant 0 : index
    %swap3A_301 = vector.load %arg4[%swap3A_298, %swap3A_299, %swap3A_300] : memref<16x1000x64xf32, #tpu.memory_space<vmem>>, vector<1x1000x64xf32>
    %swap3A_302 = vector.shape_cast %swap3A_301 : vector<1x1000x64xf32> to vector<1000x64xf32>
    %swap3A_303 = vector.shape_cast %get3A_297 : vector<1000x64xf32> to vector<1x1000x64xf32>
    tpu.vector_store %arg4[%swap3A_298, %swap3A_299, %swap3A_300], %swap3A_303 {strides = array<i32>} : memref<16x1000x64xf32, #tpu.memory_space<vmem>>, vector<1x1000x64xf32>,
    %get3A_304 = arith.constant 0 : index
    %get3A_305 = arith.constant 0 : index
    %get3A_306 = vector.load %arg0[%get3A_304, %get3A_305] : memref<1000x64xf32, #tpu.memory_space<vmem>>, vector<1000x64xf32>
    %swap3A_307 = arith.constant 2 : index
    %swap3A_308 = arith.constant 0 : index
    %swap3A_309 = arith.constant 0 : index
    %swap3A_310 = vector.load %arg4[%swap3A_307, %swap3A_308, %swap3A_309] : memref<16x1000x64xf32, #tpu.memory_space<vmem>>, vector<1x1000x64xf32>
    %swap3A_311 = vector.shape_cast %swap3A_310 : vector<1x1000x64xf32> to vector<1000x64xf32>
    %swap3A_312 = vector.shape_cast %get3A_306 : vector<1000x64xf32> to vector<1x1000x64xf32>
    tpu.vector_store %arg4[%swap3A_307, %swap3A_308, %swap3A_309], %swap3A_312 {strides = array<i32>} : memref<16x1000x64xf32, #tpu.memory_space<vmem>>, vector<1x1000x64xf32>,
    %get3A_313 = arith.constant 0 : index
    %get3A_314 = arith.constant 0 : index
    %get3A_315 = vector.load %arg0[%get3A_313, %get3A_314] : memref<1000x64xf32, #tpu.memory_space<vmem>>, vector<1000x64xf32>
    %swap3A_316 = arith.constant 3 : index
    %swap3A_317 = arith.constant 0 : index
    %swap3A_318 = arith.constant 0 : index
    %swap3A_319 = vector.load %arg4[%swap3A_316, %swap3A_317, %swap3A_318] : memref<16x1000x64xf32, #tpu.memory_space<vmem>>, vector<1x1000x64xf32>
    %swap3A_320 = vector.shape_cast %swap3A_319 : vector<1x1000x64xf32> to vector<1000x64xf32>
    %swap3A_321 = vector.shape_cast %get3A_315 : vector<1000x64xf32> to vector<1x1000x64xf32>
    tpu.vector_store %arg4[%swap3A_316, %swap3A_317, %swap3A_318], %swap3A_321 {strides = array<i32>} : memref<16x1000x64xf32, #tpu.memory_space<vmem>>, vector<1x1000x64xf32>,
    %get3A_322 = arith.constant 0 : index
    %get3A_323 = arith.constant 0 : index
    %get3A_324 = vector.load %arg0[%get3A_322, %get3A_323] : memref<1000x64xf32, #tpu.memory_space<vmem>>, vector<1000x64xf32>
    %swap3A_325 = arith.constant 4 : index
    %swap3A_326 = arith.constant 0 : index
    %swap3A_327 = arith.constant 0 : index
    %swap3A_328 = vector.load %arg4[%swap3A_325, %swap3A_326, %swap3A_327] : memref<16x1000x64xf32, #tpu.memory_space<vmem>>, vector<1x1000x64xf32>
    %swap3A_329 = vector.shape_cast %swap3A_328 : vector<1x1000x64xf32> to vector<1000x64xf32>
    %swap3A_330 = vector.shape_cast %get3A_324 : vector<1000x64xf32> to vector<1x1000x64xf32>
    tpu.vector_store %arg4[%swap3A_325, %swap3A_326, %swap3A_327], %swap3A_330 {strides = array<i32>} : memref<16x1000x64xf32, #tpu.memory_space<vmem>>, vector<1x1000x64xf32>,
    %get3A_331 = arith.constant 0 : index
    %get3A_332 = arith.constant 0 : index
    %get3A_333 = vector.load %arg0[%get3A_331, %get3A_332] : memref<1000x64xf32, #tpu.memory_space<vmem>>, vector<1000x64xf32>
    %swap3A_334 = arith.constant 5 : index
    %swap3A_335 = arith.constant 0 : index
    %swap3A_336 = arith.constant 0 : index
    %swap3A_337 = vector.load %arg4[%swap3A_334, %swap3A_335, %swap3A_336] : memref<16x1000x64xf32, #tpu.memory_space<vmem>>, vector<1x1000x64xf32>
    %swap3A_338 = vector.shape_cast %swap3A_337 : vector<1x1000x64xf32> to vector<1000x64xf32>
    %swap3A_339 = vector.shape_cast %get3A_333 : vector<1000x64xf32> to vector<1x1000x64xf32>
    tpu.vector_store %arg4[%swap3A_334, %swap3A_335, %swap3A_336], %swap3A_339 {strides = array<i32>} : memref<16x1000x64xf32, #tpu.memory_space<vmem>>, vector<1x1000x64xf32>,
    %get3A_340 = arith.constant 0 : index
    %get3A_341 = arith.constant 0 : index
    %get3A_342 = vector.load %arg0[%get3A_340, %get3A_341] : memref<1000x64xf32, #tpu.memory_space<vmem>>, vector<1000x64xf32>
    %swap3A_343 = arith.constant 6 : index
    %swap3A_344 = arith.constant 0 : index
    %swap3A_345 = arith.constant 0 : index
    %swap3A_346 = vector.load %arg4[%swap3A_343, %swap3A_344, %swap3A_345] : memref<16x1000x64xf32, #tpu.memory_space<vmem>>, vector<1x1000x64xf32>
    %swap3A_347 = vector.shape_cast %swap3A_346 : vector<1x1000x64xf32> to vector<1000x64xf32>
    %swap3A_348 = vector.shape_cast %get3A_342 : vector<1000x64xf32> to vector<1x1000x64xf32>
    tpu.vector_store %arg4[%swap3A_343, %swap3A_344, %swap3A_345], %swap3A_348 {strides = array<i32>} : memref<16x1000x64xf32, #tpu.memory_space<vmem>>, vector<1x1000x64xf32>,
    %get3A_349 = arith.constant 0 : index
    %get3A_350 = arith.constant 0 : index
    %get3A_351 = vector.load %arg0[%get3A_349, %get3A_350] : memref<1000x64xf32, #tpu.memory_space<vmem>>, vector<1000x64xf32>
    %swap3A_352 = arith.constant 7 : index
    %swap3A_353 = arith.constant 0 : index
    %swap3A_354 = arith.constant 0 : index
    %swap3A_355 = vector.load %arg4[%swap3A_352, %swap3A_353, %swap3A_354] : memref<16x1000x64xf32, #tpu.memory_space<vmem>>, vector<1x1000x64xf32>
    %swap3A_356 = vector.shape_cast %swap3A_355 : vector<1x1000x64xf32> to vector<1000x64xf32>
    %swap3A_357 = vector.shape_cast %get3A_351 : vector<1000x64xf32> to vector<1x1000x64xf32>
    tpu.vector_store %arg4[%swap3A_352, %swap3A_353, %swap3A_354], %swap3A_357 {strides = array<i32>} : memref<16x1000x64xf32, #tpu.memory_space<vmem>>, vector<1x1000x64xf32>,
    %get3A_358 = arith.constant 0 : index
    %get3A_359 = arith.constant 0 : index
    %get3A_360 = vector.load %arg0[%get3A_358, %get3A_359] : memref<1000x64xf32, #tpu.memory_space<vmem>>, vector<1000x64xf32>
    %swap3A_361 = arith.constant 8 : index
    %swap3A_362 = arith.constant 0 : index
    %swap3A_363 = arith.constant 0 : index
    %swap3A_364 = vector.load %arg4[%swap3A_361, %swap3A_362, %swap3A_363] : memref<16x1000x64xf32, #tpu.memory_space<vmem>>, vector<1x1000x64xf32>
    %swap3A_365 = vector.shape_cast %swap3A_364 : vector<1x1000x64xf32> to vector<1000x64xf32>
    %swap3A_366 = vector.shape_cast %get3A_360 : vector<1000x64xf32> to vector<1x1000x64xf32>
    tpu.vector_store %arg4[%swap3A_361, %swap3A_362, %swap3A_363], %swap3A_366 {strides = array<i32>} : memref<16x1000x64xf32, #tpu.memory_space<vmem>>, vector<1x1000x64xf32>,
    %get3A_367 = arith.constant 0 : index
    %get3A_368 = arith.constant 0 : index
    %get3A_369 = vector.load %arg0[%get3A_367, %get3A_368] : memref<1000x64xf32, #tpu.memory_space<vmem>>, vector<1000x64xf32>
    %swap3A_370 = arith.constant 9 : index
    %swap3A_371 = arith.constant 0 : index
    %swap3A_372 = arith.constant 0 : index
    %swap3A_373 = vector.load %arg4[%swap3A_370, %swap3A_371, %swap3A_372] : memref<16x1000x64xf32, #tpu.memory_space<vmem>>, vector<1x1000x64xf32>
    %swap3A_374 = vector.shape_cast %swap3A_373 : vector<1x1000x64xf32> to vector<1000x64xf32>
    %swap3A_375 = vector.shape_cast %get3A_369 : vector<1000x64xf32> to vector<1x1000x64xf32>
    tpu.vector_store %arg4[%swap3A_370, %swap3A_371, %swap3A_372], %swap3A_375 {strides = array<i32>} : memref<16x1000x64xf32, #tpu.memory_space<vmem>>, vector<1x1000x64xf32>,
    %get3A_376 = arith.constant 0 : index
    %get3A_377 = arith.constant 0 : index
    %get3A_378 = vector.load %arg0[%get3A_376, %get3A_377] : memref<1000x64xf32, #tpu.memory_space<vmem>>, vector<1000x64xf32>
    %swap3A_379 = arith.constant 10 : index
    %swap3A_380 = arith.constant 0 : index
    %swap3A_381 = arith.constant 0 : index
    %swap3A_382 = vector.load %arg4[%swap3A_379, %swap3A_380, %swap3A_381] : memref<16x1000x64xf32, #tpu.memory_space<vmem>>, vector<1x1000x64xf32>
    %swap3A_383 = vector.shape_cast %swap3A_382 : vector<1x1000x64xf32> to vector<1000x64xf32>
    %swap3A_384 = vector.shape_cast %get3A_378 : vector<1000x64xf32> to vector<1x1000x64xf32>
    tpu.vector_store %arg4[%swap3A_379, %swap3A_380, %swap3A_381], %swap3A_384 {strides = array<i32>} : memref<16x1000x64xf32, #tpu.memory_space<vmem>>, vector<1x1000x64xf32>,
    %get3A_385 = arith.constant 0 : index
    %get3A_386 = arith.constant 0 : index
    %get3A_387 = vector.load %arg0[%get3A_385, %get3A_386] : memref<1000x64xf32, #tpu.memory_space<vmem>>, vector<1000x64xf32>
    %swap3A_388 = arith.constant 11 : index
    %swap3A_389 = arith.constant 0 : index
    %swap3A_390 = arith.constant 0 : index
    %swap3A_391 = vector.load %arg4[%swap3A_388, %swap3A_389, %swap3A_390] : memref<16x1000x64xf32, #tpu.memory_space<vmem>>, vector<1x1000x64xf32>
    %swap3A_392 = vector.shape_cast %swap3A_391 : vector<1x1000x64xf32> to vector<1000x64xf32>
    %swap3A_393 = vector.shape_cast %get3A_387 : vector<1000x64xf32> to vector<1x1000x64xf32>
    tpu.vector_store %arg4[%swap3A_388, %swap3A_389, %swap3A_390], %swap3A_393 {strides = array<i32>} : memref<16x1000x64xf32, #tpu.memory_space<vmem>>, vector<1x1000x64xf32>,
    %get3A_394 = arith.constant 0 : index
    %get3A_395 = arith.constant 0 : index
    %get3A_396 = vector.load %arg0[%get3A_394, %get3A_395] : memref<1000x64xf32, #tpu.memory_space<vmem>>, vector<1000x64xf32>
    %swap3A_397 = arith.constant 12 : index
    %swap3A_398 = arith.constant 0 : index
    %swap3A_399 = arith.constant 0 : index
    %swap3A_400 = vector.load %arg4[%swap3A_397, %swap3A_398, %swap3A_399] : memref<16x1000x64xf32, #tpu.memory_space<vmem>>, vector<1x1000x64xf32>
    %swap3A_401 = vector.shape_cast %swap3A_400 : vector<1x1000x64xf32> to vector<1000x64xf32>
    %swap3A_402 = vector.shape_cast %get3A_396 : vector<1000x64xf32> to vector<1x1000x64xf32>
    tpu.vector_store %arg4[%swap3A_397, %swap3A_398, %swap3A_399], %swap3A_402 {strides = array<i32>} : memref<16x1000x64xf32, #tpu.memory_space<vmem>>, vector<1x1000x64xf32>,
    %get3A_403 = arith.constant 0 : index
    %get3A_404 = arith.constant 0 : index
    %get3A_405 = vector.load %arg0[%get3A_403, %get3A_404] : memref<1000x64xf32, #tpu.memory_space<vmem>>, vector<1000x64xf32>
    %swap3A_406 = arith.constant 13 : index
    %swap3A_407 = arith.constant 0 : index
    %swap3A_408 = arith.constant 0 : index
    %swap3A_409 = vector.load %arg4[%swap3A_406, %swap3A_407, %swap3A_408] : memref<16x1000x64xf32, #tpu.memory_space<vmem>>, vector<1x1000x64xf32>
    %swap3A_410 = vector.shape_cast %swap3A_409 : vector<1x1000x64xf32> to vector<1000x64xf32>
    %swap3A_411 = vector.shape_cast %get3A_405 : vector<1000x64xf32> to vector<1x1000x64xf32>
    tpu.vector_store %arg4[%swap3A_406, %swap3A_407, %swap3A_408], %swap3A_411 {strides = array<i32>} : memref<16x1000x64xf32, #tpu.memory_space<vmem>>, vector<1x1000x64xf32>,
    %get3A_412 = arith.constant 0 : index
    %get3A_413 = arith.constant 0 : index
    %get3A_414 = vector.load %arg0[%get3A_412, %get3A_413] : memref<1000x64xf32, #tpu.memory_space<vmem>>, vector<1000x64xf32>
    %swap3A_415 = arith.constant 14 : index
    %swap3A_416 = arith.constant 0 : index
    %swap3A_417 = arith.constant 0 : index
    %swap3A_418 = vector.load %arg4[%swap3A_415, %swap3A_416, %swap3A_417] : memref<16x1000x64xf32, #tpu.memory_space<vmem>>, vector<1x1000x64xf32>
    %swap3A_419 = vector.shape_cast %swap3A_418 : vector<1x1000x64xf32> to vector<1000x64xf32>
    %swap3A_420 = vector.shape_cast %get3A_414 : vector<1000x64xf32> to vector<1x1000x64xf32>
    tpu.vector_store %arg4[%swap3A_415, %swap3A_416, %swap3A_417], %swap3A_420 {strides = array<i32>} : memref<16x1000x64xf32, #tpu.memory_space<vmem>>, vector<1x1000x64xf32>,
    %get3A_421 = arith.constant 0 : index
    %get3A_422 = arith.constant 0 : index
    %get3A_423 = vector.load %arg0[%get3A_421, %get3A_422] : memref<1000x64xf32, #tpu.memory_space<vmem>>, vector<1000x64xf32>
    %swap3A_424 = arith.constant 15 : index
    %swap3A_425 = arith.constant 0 : index
    %swap3A_426 = arith.constant 0 : index
    %swap3A_427 = vector.load %arg4[%swap3A_424, %swap3A_425, %swap3A_426] : memref<16x1000x64xf32, #tpu.memory_space<vmem>>, vector<1x1000x64xf32>
    %swap3A_428 = vector.shape_cast %swap3A_427 : vector<1x1000x64xf32> to vector<1000x64xf32>
    %swap3A_429 = vector.shape_cast %get3A_423 : vector<1000x64xf32> to vector<1x1000x64xf32>
    tpu.vector_store %arg4[%swap3A_424, %swap3A_425, %swap3A_426], %swap3A_429 {strides = array<i32>} : memref<16x1000x64xf32, #tpu.memory_space<vmem>>, vector<1x1000x64xf32>,
    %get3A_430 = arith.constant 0 : index
    %get3A_431 = arith.constant 0 : index
    %get3A_432 = vector.load %arg0[%get3A_430, %get3A_431] : memref<1000x64xf32, #tpu.memory_space<vmem>>, vector<1000x64xf32>
    %swap3A_433 = arith.constant 0 : index
    %swap3A_434 = arith.constant 0 : index
    %swap3A_435 = arith.constant 0 : index
    %swap3A_436 = vector.load %arg5[%swap3A_433, %swap3A_434, %swap3A_435] : memref<16x1000x64xf32, #tpu.memory_space<vmem>>, vector<1x1000x64xf32>
    %swap3A_437 = vector.shape_cast %swap3A_436 : vector<1x1000x64xf32> to vector<1000x64xf32>
    %swap3A_438 = vector.shape_cast %get3A_432 : vector<1000x64xf32> to vector<1x1000x64xf32>
    tpu.vector_store %arg5[%swap3A_433, %swap3A_434, %swap3A_435], %swap3A_438 {strides = array<i32>} : memref<16x1000x64xf32, #tpu.memory_space<vmem>>, vector<1x1000x64xf32>,
    %get3A_439 = arith.constant 0 : index
    %get3A_440 = arith.constant 0 : index
    %get3A_441 = vector.load %arg0[%get3A_439, %get3A_440] : memref<1000x64xf32, #tpu.memory_space<vmem>>, vector<1000x64xf32>
    %swap3A_442 = arith.constant 1 : index
    %swap3A_443 = arith.constant 0 : index
    %swap3A_444 = arith.constant 0 : index
    %swap3A_445 = vector.load %arg5[%swap3A_442, %swap3A_443, %swap3A_444] : memref<16x1000x64xf32, #tpu.memory_space<vmem>>, vector<1x1000x64xf32>
    %swap3A_446 = vector.shape_cast %swap3A_445 : vector<1x1000x64xf32> to vector<1000x64xf32>
    %swap3A_447 = vector.shape_cast %get3A_441 : vector<1000x64xf32> to vector<1x1000x64xf32>
    tpu.vector_store %arg5[%swap3A_442, %swap3A_443, %swap3A_444], %swap3A_447 {strides = array<i32>} : memref<16x1000x64xf32, #tpu.memory_space<vmem>>, vector<1x1000x64xf32>,
    %get3A_448 = arith.constant 0 : index
    %get3A_449 = arith.constant 0 : index
    %get3A_450 = vector.load %arg0[%get3A_448, %get3A_449] : memref<1000x64xf32, #tpu.memory_space<vmem>>, vector<1000x64xf32>
    %swap3A_451 = arith.constant 2 : index
    %swap3A_452 = arith.constant 0 : index
    %swap3A_453 = arith.constant 0 : index
    %swap3A_454 = vector.load %arg5[%swap3A_451, %swap3A_452, %swap3A_453] : memref<16x1000x64xf32, #tpu.memory_space<vmem>>, vector<1x1000x64xf32>
    %swap3A_455 = vector.shape_cast %swap3A_454 : vector<1x1000x64xf32> to vector<1000x64xf32>
    %swap3A_456 = vector.shape_cast %get3A_450 : vector<1000x64xf32> to vector<1x1000x64xf32>
    tpu.vector_store %arg5[%swap3A_451, %swap3A_452, %swap3A_453], %swap3A_456 {strides = array<i32>} : memref<16x1000x64xf32, #tpu.memory_space<vmem>>, vector<1x1000x64xf32>,
    %get3A_457 = arith.constant 0 : index
    %get3A_458 = arith.constant 0 : index
    %get3A_459 = vector.load %arg0[%get3A_457, %get3A_458] : memref<1000x64xf32, #tpu.memory_space<vmem>>, vector<1000x64xf32>
    %swap3A_460 = arith.constant 3 : index
    %swap3A_461 = arith.constant 0 : index
    %swap3A_462 = arith.constant 0 : index
    %swap3A_463 = vector.load %arg5[%swap3A_460, %swap3A_461, %swap3A_462] : memref<16x1000x64xf32, #tpu.memory_space<vmem>>, vector<1x1000x64xf32>
    %swap3A_464 = vector.shape_cast %swap3A_463 : vector<1x1000x64xf32> to vector<1000x64xf32>
    %swap3A_465 = vector.shape_cast %get3A_459 : vector<1000x64xf32> to vector<1x1000x64xf32>
    tpu.vector_store %arg5[%swap3A_460, %swap3A_461, %swap3A_462], %swap3A_465 {strides = array<i32>} : memref<16x1000x64xf32, #tpu.memory_space<vmem>>, vector<1x1000x64xf32>,
    %get3A_466 = arith.constant 0 : index
    %get3A_467 = arith.constant 0 : index
    %get3A_468 = vector.load %arg0[%get3A_466, %get3A_467] : memref<1000x64xf32, #tpu.memory_space<vmem>>, vector<1000x64xf32>
    %swap3A_469 = arith.constant 4 : index
    %swap3A_470 = arith.constant 0 : index
    %swap3A_471 = arith.constant 0 : index
    %swap3A_472 = vector.load %arg5[%swap3A_469, %swap3A_470, %swap3A_471] : memref<16x1000x64xf32, #tpu.memory_space<vmem>>, vector<1x1000x64xf32>
    %swap3A_473 = vector.shape_cast %swap3A_472 : vector<1x1000x64xf32> to vector<1000x64xf32>
    %swap3A_474 = vector.shape_cast %get3A_468 : vector<1000x64xf32> to vector<1x1000x64xf32>
    tpu.vector_store %arg5[%swap3A_469, %swap3A_470, %swap3A_471], %swap3A_474 {strides = array<i32>} : memref<16x1000x64xf32, #tpu.memory_space<vmem>>, vector<1x1000x64xf32>,
    %get3A_475 = arith.constant 0 : index
    %get3A_476 = arith.constant 0 : index
    %get3A_477 = vector.load %arg0[%get3A_475, %get3A_476] : memref<1000x64xf32, #tpu.memory_space<vmem>>, vector<1000x64xf32>
    %swap3A_478 = arith.constant 5 : index
    %swap3A_479 = arith.constant 0 : index
    %swap3A_480 = arith.constant 0 : index
    %swap3A_481 = vector.load %arg5[%swap3A_478, %swap3A_479, %swap3A_480] : memref<16x1000x64xf32, #tpu.memory_space<vmem>>, vector<1x1000x64xf32>
    %swap3A_482 = vector.shape_cast %swap3A_481 : vector<1x1000x64xf32> to vector<1000x64xf32>
    %swap3A_483 = vector.shape_cast %get3A_477 : vector<1000x64xf32> to vector<1x1000x64xf32>
    tpu.vector_store %arg5[%swap3A_478, %swap3A_479, %swap3A_480], %swap3A_483 {strides = array<i32>} : memref<16x1000x64xf32, #tpu.memory_space<vmem>>, vector<1x1000x64xf32>,
    %get3A_484 = arith.constant 0 : index
    %get3A_485 = arith.constant 0 : index
    %get3A_486 = vector.load %arg0[%get3A_484, %get3A_485] : memref<1000x64xf32, #tpu.memory_space<vmem>>, vector<1000x64xf32>
    %swap3A_487 = arith.constant 6 : index
    %swap3A_488 = arith.constant 0 : index
    %swap3A_489 = arith.constant 0 : index
    %swap3A_490 = vector.load %arg5[%swap3A_487, %swap3A_488, %swap3A_489] : memref<16x1000x64xf32, #tpu.memory_space<vmem>>, vector<1x1000x64xf32>
    %swap3A_491 = vector.shape_cast %swap3A_490 : vector<1x1000x64xf32> to vector<1000x64xf32>
    %swap3A_492 = vector.shape_cast %get3A_486 : vector<1000x64xf32> to vector<1x1000x64xf32>
    tpu.vector_store %arg5[%swap3A_487, %swap3A_488, %swap3A_489], %swap3A_492 {strides = array<i32>} : memref<16x1000x64xf32, #tpu.memory_space<vmem>>, vector<1x1000x64xf32>,
    %get3A_493 = arith.constant 0 : index
    %get3A_494 = arith.constant 0 : index
    %get3A_495 = vector.load %arg0[%get3A_493, %get3A_494] : memref<1000x64xf32, #tpu.memory_space<vmem>>, vector<1000x64xf32>
    %swap3A_496 = arith.constant 7 : index
    %swap3A_497 = arith.constant 0 : index
    %swap3A_498 = arith.constant 0 : index
    %swap3A_499 = vector.load %arg5[%swap3A_496, %swap3A_497, %swap3A_498] : memref<16x1000x64xf32, #tpu.memory_space<vmem>>, vector<1x1000x64xf32>
    %swap3A_500 = vector.shape_cast %swap3A_499 : vector<1x1000x64xf32> to vector<1000x64xf32>
    %swap3A_501 = vector.shape_cast %get3A_495 : vector<1000x64xf32> to vector<1x1000x64xf32>
    tpu.vector_store %arg5[%swap3A_496, %swap3A_497, %swap3A_498], %swap3A_501 {strides = array<i32>} : memref<16x1000x64xf32, #tpu.memory_space<vmem>>, vector<1x1000x64xf32>,
    %get3A_502 = arith.constant 0 : index
    %get3A_503 = arith.constant 0 : index
    %get3A_504 = vector.load %arg0[%get3A_502, %get3A_503] : memref<1000x64xf32, #tpu.memory_space<vmem>>, vector<1000x64xf32>
    %swap3A_505 = arith.constant 8 : index
    %swap3A_506 = arith.constant 0 : index
    %swap3A_507 = arith.constant 0 : index
    %swap3A_508 = vector.load %arg5[%swap3A_505, %swap3A_506, %swap3A_507] : memref<16x1000x64xf32, #tpu.memory_space<vmem>>, vector<1x1000x64xf32>
    %swap3A_509 = vector.shape_cast %swap3A_508 : vector<1x1000x64xf32> to vector<1000x64xf32>
    %swap3A_510 = vector.shape_cast %get3A_504 : vector<1000x64xf32> to vector<1x1000x64xf32>
    tpu.vector_store %arg5[%swap3A_505, %swap3A_506, %swap3A_507], %swap3A_510 {strides = array<i32>} : memref<16x1000x64xf32, #tpu.memory_space<vmem>>, vector<1x1000x64xf32>,
    %get3A_511 = arith.constant 0 : index
    %get3A_512 = arith.constant 0 : index
    %get3A_513 = vector.load %arg0[%get3A_511, %get3A_512] : memref<1000x64xf32, #tpu.memory_space<vmem>>, vector<1000x64xf32>
    %swap3A_514 = arith.constant 9 : index
    %swap3A_515 = arith.constant 0 : index
    %swap3A_516 = arith.constant 0 : index
    %swap3A_517 = vector.load %arg5[%swap3A_514, %swap3A_515, %swap3A_516] : memref<16x1000x64xf32, #tpu.memory_space<vmem>>, vector<1x1000x64xf32>
    %swap3A_518 = vector.shape_cast %swap3A_517 : vector<1x1000x64xf32> to vector<1000x64xf32>
    %swap3A_519 = vector.shape_cast %get3A_513 : vector<1000x64xf32> to vector<1x1000x64xf32>
    tpu.vector_store %arg5[%swap3A_514, %swap3A_515, %swap3A_516], %swap3A_519 {strides = array<i32>} : memref<16x1000x64xf32, #tpu.memory_space<vmem>>, vector<1x1000x64xf32>,
    %get3A_520 = arith.constant 0 : index
    %get3A_521 = arith.constant 0 : index
    %get3A_522 = vector.load %arg0[%get3A_520, %get3A_521] : memref<1000x64xf32, #tpu.memory_space<vmem>>, vector<1000x64xf32>
    %swap3A_523 = arith.constant 10 : index
    %swap3A_524 = arith.constant 0 : index
    %swap3A_525 = arith.constant 0 : index
    %swap3A_526 = vector.load %arg5[%swap3A_523, %swap3A_524, %swap3A_525] : memref<16x1000x64xf32, #tpu.memory_space<vmem>>, vector<1x1000x64xf32>
    %swap3A_527 = vector.shape_cast %swap3A_526 : vector<1x1000x64xf32> to vector<1000x64xf32>
    %swap3A_528 = vector.shape_cast %get3A_522 : vector<1000x64xf32> to vector<1x1000x64xf32>
    tpu.vector_store %arg5[%swap3A_523, %swap3A_524, %swap3A_525], %swap3A_528 {strides = array<i32>} : memref<16x1000x64xf32, #tpu.memory_space<vmem>>, vector<1x1000x64xf32>,
    %get3A_529 = arith.constant 0 : index
    %get3A_530 = arith.constant 0 : index
    %get3A_531 = vector.load %arg0[%get3A_529, %get3A_530] : memref<1000x64xf32, #tpu.memory_space<vmem>>, vector<1000x64xf32>
    %swap3A_532 = arith.constant 11 : index
    %swap3A_533 = arith.constant 0 : index
    %swap3A_534 = arith.constant 0 : index
    %swap3A_535 = vector.load %arg5[%swap3A_532, %swap3A_533, %swap3A_534] : memref<16x1000x64xf32, #tpu.memory_space<vmem>>, vector<1x1000x64xf32>
    %swap3A_536 = vector.shape_cast %swap3A_535 : vector<1x1000x64xf32> to vector<1000x64xf32>
    %swap3A_537 = vector.shape_cast %get3A_531 : vector<1000x64xf32> to vector<1x1000x64xf32>
    tpu.vector_store %arg5[%swap3A_532, %swap3A_533, %swap3A_534], %swap3A_537 {strides = array<i32>} : memref<16x1000x64xf32, #tpu.memory_space<vmem>>, vector<1x1000x64xf32>,
    %get3A_538 = arith.constant 0 : index
    %get3A_539 = arith.constant 0 : index
    %get3A_540 = vector.load %arg0[%get3A_538, %get3A_539] : memref<1000x64xf32, #tpu.memory_space<vmem>>, vector<1000x64xf32>
    %swap3A_541 = arith.constant 12 : index
    %swap3A_542 = arith.constant 0 : index
    %swap3A_543 = arith.constant 0 : index
    %swap3A_544 = vector.load %arg5[%swap3A_541, %swap3A_542, %swap3A_543] : memref<16x1000x64xf32, #tpu.memory_space<vmem>>, vector<1x1000x64xf32>
    %swap3A_545 = vector.shape_cast %swap3A_544 : vector<1x1000x64xf32> to vector<1000x64xf32>
    %swap3A_546 = vector.shape_cast %get3A_540 : vector<1000x64xf32> to vector<1x1000x64xf32>
    tpu.vector_store %arg5[%swap3A_541, %swap3A_542, %swap3A_543], %swap3A_546 {strides = array<i32>} : memref<16x1000x64xf32, #tpu.memory_space<vmem>>, vector<1x1000x64xf32>,
    %get3A_547 = arith.constant 0 : index
    %get3A_548 = arith.constant 0 : index
    %get3A_549 = vector.load %arg0[%get3A_547, %get3A_548] : memref<1000x64xf32, #tpu.memory_space<vmem>>, vector<1000x64xf32>
    %swap3A_550 = arith.constant 13 : index
    %swap3A_551 = arith.constant 0 : index
    %swap3A_552 = arith.constant 0 : index
    %swap3A_553 = vector.load %arg5[%swap3A_550, %swap3A_551, %swap3A_552] : memref<16x1000x64xf32, #tpu.memory_space<vmem>>, vector<1x1000x64xf32>
    %swap3A_554 = vector.shape_cast %swap3A_553 : vector<1x1000x64xf32> to vector<1000x64xf32>
    %swap3A_555 = vector.shape_cast %get3A_549 : vector<1000x64xf32> to vector<1x1000x64xf32>
    tpu.vector_store %arg5[%swap3A_550, %swap3A_551, %swap3A_552], %swap3A_555 {strides = array<i32>} : memref<16x1000x64xf32, #tpu.memory_space<vmem>>, vector<1x1000x64xf32>,
    %get3A_556 = arith.constant 0 : index
    %get3A_557 = arith.constant 0 : index
    %get3A_558 = vector.load %arg0[%get3A_556, %get3A_557] : memref<1000x64xf32, #tpu.memory_space<vmem>>, vector<1000x64xf32>
    %swap3A_559 = arith.constant 14 : index
    %swap3A_560 = arith.constant 0 : index
    %swap3A_561 = arith.constant 0 : index
    %swap3A_562 = vector.load %arg5[%swap3A_559, %swap3A_560, %swap3A_561] : memref<16x1000x64xf32, #tpu.memory_space<vmem>>, vector<1x1000x64xf32>
    %swap3A_563 = vector.shape_cast %swap3A_562 : vector<1x1000x64xf32> to vector<1000x64xf32>
    %swap3A_564 = vector.shape_cast %get3A_558 : vector<1000x64xf32> to vector<1x1000x64xf32>
    tpu.vector_store %arg5[%swap3A_559, %swap3A_560, %swap3A_561], %swap3A_564 {strides = array<i32>} : memref<16x1000x64xf32, #tpu.memory_space<vmem>>, vector<1x1000x64xf32>,
    %get3A_565 = arith.constant 0 : index
    %get3A_566 = arith.constant 0 : index
    %get3A_567 = vector.load %arg0[%get3A_565, %get3A_566] : memref<1000x64xf32, #tpu.memory_space<vmem>>, vector<1000x64xf32>
    %swap3A_568 = arith.constant 15 : index
    %swap3A_569 = arith.constant 0 : index
    %swap3A_570 = arith.constant 0 : index
    %swap3A_571 = vector.load %arg5[%swap3A_568, %swap3A_569, %swap3A_570] : memref<16x1000x64xf32, #tpu.memory_space<vmem>>, vector<1x1000x64xf32>
    %swap3A_572 = vector.shape_cast %swap3A_571 : vector<1x1000x64xf32> to vector<1000x64xf32>
    %swap3A_573 = vector.shape_cast %get3A_567 : vector<1000x64xf32> to vector<1x1000x64xf32>
    tpu.vector_store %arg5[%swap3A_568, %swap3A_569, %swap3A_570], %swap3A_573 {strides = array<i32>} : memref<16x1000x64xf32, #tpu.memory_space<vmem>>, vector<1x1000x64xf32>,
    %dma_start3A = arith.constant 0 : i32
    %dma_start3A_574 = tpu.memref_slice %arg6[%dma_start3A] : memref<4x!tpu.dma_semaphore, #tpu.memory_space<semaphore_mem>> -> memref<1x!tpu.dma_semaphore, #tpu.memory_space<semaphore_mem>>
    %dma_start3A_575 = tpu.memref_squeeze %dma_start3A_574 : memref<1x!tpu.dma_semaphore, #tpu.memory_space<semaphore_mem>> -> memref<!tpu.dma_semaphore, #tpu.memory_space<semaphore_mem>>
    %dma_start3A_576 = arith.constant 0 : i32
    %dma_start3A_577 = arith.constant 0 : i32
    %dma_start3A_578 = arith.constant 0 : i32
    %dma_start3A_579 = tpu.memref_slice %arg1[%dma_start3A_576, %dma_start3A_577, %dma_start3A_578] : memref<1024x1000x64xf32, #tpu.memory_space<any>> -> memref<16x1000x64xf32, #tpu.memory_space<any>>
    tpu.enqueue_dma source(%arg2 : memref<16x1000x64xf32, #tpu.memory_space<vmem>>) target(%dma_start3A_579 : memref<16x1000x64xf32, #tpu.memory_space<any>>) target_semaphore(%dma_start3A_575 : memref<!tpu.dma_semaphore, #tpu.memory_space<semaphore_mem>>)
    %dma_start3A_580 = arith.constant 1 : i32
    %dma_start3A_581 = tpu.memref_slice %arg6[%dma_start3A_580] : memref<4x!tpu.dma_semaphore, #tpu.memory_space<semaphore_mem>> -> memref<1x!tpu.dma_semaphore, #tpu.memory_space<semaphore_mem>>
    %dma_start3A_582 = tpu.memref_squeeze %dma_start3A_581 : memref<1x!tpu.dma_semaphore, #tpu.memory_space<semaphore_mem>> -> memref<!tpu.dma_semaphore, #tpu.memory_space<semaphore_mem>>
    %dma_start3A_583 = arith.constant 16 : i32
    %dma_start3A_584 = arith.constant 0 : i32
    %dma_start3A_585 = arith.constant 0 : i32
    %dma_start3A_586 = tpu.memref_slice %arg1[%dma_start3A_583, %dma_start3A_584, %dma_start3A_585] : memref<1024x1000x64xf32, #tpu.memory_space<any>> -> memref<16x1000x64xf32, #tpu.memory_space<any>>
    tpu.enqueue_dma source(%arg3 : memref<16x1000x64xf32, #tpu.memory_space<vmem>>) target(%dma_start3A_586 : memref<16x1000x64xf32, #tpu.memory_space<any>>) target_semaphore(%dma_start3A_582 : memref<!tpu.dma_semaphore, #tpu.memory_space<semaphore_mem>>)
    %dma_start3A_587 = arith.constant 2 : i32
    %dma_start3A_588 = tpu.memref_slice %arg6[%dma_start3A_587] : memref<4x!tpu.dma_semaphore, #tpu.memory_space<semaphore_mem>> -> memref<1x!tpu.dma_semaphore, #tpu.memory_space<semaphore_mem>>
    %dma_start3A_589 = tpu.memref_squeeze %dma_start3A_588 : memref<1x!tpu.dma_semaphore, #tpu.memory_space<semaphore_mem>> -> memref<!tpu.dma_semaphore, #tpu.memory_space<semaphore_mem>>
    %dma_start3A_590 = arith.constant 32 : i32
    %dma_start3A_591 = arith.constant 0 : i32
    %dma_start3A_592 = arith.constant 0 : i32
    %dma_start3A_593 = tpu.memref_slice %arg1[%dma_start3A_590, %dma_start3A_591, %dma_start3A_592] : memref<1024x1000x64xf32, #tpu.memory_space<any>> -> memref<16x1000x64xf32, #tpu.memory_space<any>>
    tpu.enqueue_dma source(%arg4 : memref<16x1000x64xf32, #tpu.memory_space<vmem>>) target(%dma_start3A_593 : memref<16x1000x64xf32, #tpu.memory_space<any>>) target_semaphore(%dma_start3A_589 : memref<!tpu.dma_semaphore, #tpu.memory_space<semaphore_mem>>)
    %dma_start3A_594 = arith.constant 3 : i32
    %dma_start3A_595 = tpu.memref_slice %arg6[%dma_start3A_594] : memref<4x!tpu.dma_semaphore, #tpu.memory_space<semaphore_mem>> -> memref<1x!tpu.dma_semaphore, #tpu.memory_space<semaphore_mem>>
    %dma_start3A_596 = tpu.memref_squeeze %dma_start3A_595 : memref<1x!tpu.dma_semaphore, #tpu.memory_space<semaphore_mem>> -> memref<!tpu.dma_semaphore, #tpu.memory_space<semaphore_mem>>
    %dma_start3A_597 = arith.constant 48 : i32
    %dma_start3A_598 = arith.constant 0 : i32
    %dma_start3A_599 = arith.constant 0 : i32
    %dma_start3A_600 = tpu.memref_slice %arg1[%dma_start3A_597, %dma_start3A_598, %dma_start3A_599] : memref<1024x1000x64xf32, #tpu.memory_space<any>> -> memref<16x1000x64xf32, #tpu.memory_space<any>>
    tpu.enqueue_dma source(%arg5 : memref<16x1000x64xf32, #tpu.memory_space<vmem>>) target(%dma_start3A_600 : memref<16x1000x64xf32, #tpu.memory_space<any>>) target_semaphore(%dma_start3A_596 : memref<!tpu.dma_semaphore, #tpu.memory_space<semaphore_mem>>)
    %dma_wait3A = arith.constant 0 : i32
    %dma_wait3A_601 = tpu.memref_slice %arg6[%dma_wait3A] : memref<4x!tpu.dma_semaphore, #tpu.memory_space<semaphore_mem>> -> memref<1x!tpu.dma_semaphore, #tpu.memory_space<semaphore_mem>>
    %dma_wait3A_602 = tpu.memref_squeeze %dma_wait3A_601 : memref<1x!tpu.dma_semaphore, #tpu.memory_space<semaphore_mem>> -> memref<!tpu.dma_semaphore, #tpu.memory_space<semaphore_mem>>
    %dma_wait3A_603 = arith.constant 0 : i32
    %dma_wait3A_604 = arith.constant 0 : i32
    %dma_wait3A_605 = arith.constant 0 : i32
    %dma_wait3A_606 = tpu.memref_slice %arg1[%dma_wait3A_603, %dma_wait3A_604, %dma_wait3A_605] : memref<1024x1000x64xf32, #tpu.memory_space<any>> -> memref<16x1000x64xf32, #tpu.memory_space<any>>
    tpu.wait_dma2 semaphore(%dma_wait3A_602 : memref<!tpu.dma_semaphore, #tpu.memory_space<semaphore_mem>>) src(%arg2 : memref<16x1000x64xf32, #tpu.memory_space<vmem>>) dst(%dma_wait3A_606 : memref<16x1000x64xf32, #tpu.memory_space<any>>)
    %dma_start3A_607 = arith.constant 0 : i32
    %dma_start3A_608 = tpu.memref_slice %arg6[%dma_start3A_607] : memref<4x!tpu.dma_semaphore, #tpu.memory_space<semaphore_mem>> -> memref<1x!tpu.dma_semaphore, #tpu.memory_space<semaphore_mem>>
    %dma_start3A_609 = tpu.memref_squeeze %dma_start3A_608 : memref<1x!tpu.dma_semaphore, #tpu.memory_space<semaphore_mem>> -> memref<!tpu.dma_semaphore, #tpu.memory_space<semaphore_mem>>
    %dma_start3A_610 = arith.constant 64 : i32
    %dma_start3A_611 = arith.constant 0 : i32
    %dma_start3A_612 = arith.constant 0 : i32
    %dma_start3A_613 = tpu.memref_slice %arg1[%dma_start3A_610, %dma_start3A_611, %dma_start3A_612] : memref<1024x1000x64xf32, #tpu.memory_space<any>> -> memref<16x1000x64xf32, #tpu.memory_space<any>>
    tpu.enqueue_dma source(%arg2 : memref<16x1000x64xf32, #tpu.memory_space<vmem>>) target(%dma_start3A_613 : memref<16x1000x64xf32, #tpu.memory_space<any>>) target_semaphore(%dma_start3A_609 : memref<!tpu.dma_semaphore, #tpu.memory_space<semaphore_mem>>)
    %dma_wait3A_614 = arith.constant 1 : i32
    %dma_wait3A_615 = tpu.memref_slice %arg6[%dma_wait3A_614] : memref<4x!tpu.dma_semaphore, #tpu.memory_space<semaphore_mem>> -> memref<1x!tpu.dma_semaphore, #tpu.memory_space<semaphore_mem>>
    %dma_wait3A_616 = tpu.memref_squeeze %dma_wait3A_615 : memref<1x!tpu.dma_semaphore, #tpu.memory_space<semaphore_mem>> -> memref<!tpu.dma_semaphore, #tpu.memory_space<semaphore_mem>>
    %dma_wait3A_617 = arith.constant 16 : i32
    %dma_wait3A_618 = arith.constant 0 : i32
    %dma_wait3A_619 = arith.constant 0 : i32
    %dma_wait3A_620 = tpu.memref_slice %arg1[%dma_wait3A_617, %dma_wait3A_618, %dma_wait3A_619] : memref<1024x1000x64xf32, #tpu.memory_space<any>> -> memref<16x1000x64xf32, #tpu.memory_space<any>>
    tpu.wait_dma2 semaphore(%dma_wait3A_616 : memref<!tpu.dma_semaphore, #tpu.memory_space<semaphore_mem>>) src(%arg3 : memref<16x1000x64xf32, #tpu.memory_space<vmem>>) dst(%dma_wait3A_620 : memref<16x1000x64xf32, #tpu.memory_space<any>>)
    %dma_start3A_621 = arith.constant 1 : i32
    %dma_start3A_622 = tpu.memref_slice %arg6[%dma_start3A_621] : memref<4x!tpu.dma_semaphore, #tpu.memory_space<semaphore_mem>> -> memref<1x!tpu.dma_semaphore, #tpu.memory_space<semaphore_mem>>
    %dma_start3A_623 = tpu.memref_squeeze %dma_start3A_622 : memref<1x!tpu.dma_semaphore, #tpu.memory_space<semaphore_mem>> -> memref<!tpu.dma_semaphore, #tpu.memory_space<semaphore_mem>>
    %dma_start3A_624 = arith.constant 80 : i32
    %dma_start3A_625 = arith.constant 0 : i32
    %dma_start3A_626 = arith.constant 0 : i32
    %dma_start3A_627 = tpu.memref_slice %arg1[%dma_start3A_624, %dma_start3A_625, %dma_start3A_626] : memref<1024x1000x64xf32, #tpu.memory_space<any>> -> memref<16x1000x64xf32, #tpu.memory_space<any>>
    tpu.enqueue_dma source(%arg3 : memref<16x1000x64xf32, #tpu.memory_space<vmem>>) target(%dma_start3A_627 : memref<16x1000x64xf32, #tpu.memory_space<any>>) target_semaphore(%dma_start3A_623 : memref<!tpu.dma_semaphore, #tpu.memory_space<semaphore_mem>>)
    %dma_wait3A_628 = arith.constant 2 : i32
    %dma_wait3A_629 = tpu.memref_slice %arg6[%dma_wait3A_628] : memref<4x!tpu.dma_semaphore, #tpu.memory_space<semaphore_mem>> -> memref<1x!tpu.dma_semaphore, #tpu.memory_space<semaphore_mem>>
    %dma_wait3A_630 = tpu.memref_squeeze %dma_wait3A_629 : memref<1x!tpu.dma_semaphore, #tpu.memory_space<semaphore_mem>> -> memref<!tpu.dma_semaphore, #tpu.memory_space<semaphore_mem>>
    %dma_wait3A_631 = arith.constant 32 : i32
    %dma_wait3A_632 = arith.constant 0 : i32
    %dma_wait3A_633 = arith.constant 0 : i32
    %dma_wait3A_634 = tpu.memref_slice %arg1[%dma_wait3A_631, %dma_wait3A_632, %dma_wait3A_633] : memref<1024x1000x64xf32, #tpu.memory_space<any>> -> memref<16x1000x64xf32, #tpu.memory_space<any>>
    tpu.wait_dma2 semaphore(%dma_wait3A_630 : memref<!tpu.dma_semaphore, #tpu.memory_space<semaphore_mem>>) src(%arg4 : memref<16x1000x64xf32, #tpu.memory_space<vmem>>) dst(%dma_wait3A_634 : memref<16x1000x64xf32, #tpu.memory_space<any>>)
    %dma_start3A_635 = arith.constant 2 : i32
    %dma_start3A_636 = tpu.memref_slice %arg6[%dma_start3A_635] : memref<4x!tpu.dma_semaphore, #tpu.memory_space<semaphore_mem>> -> memref<1x!tpu.dma_semaphore, #tpu.memory_space<semaphore_mem>>
    %dma_start3A_637 = tpu.memref_squeeze %dma_start3A_636 : memref<1x!tpu.dma_semaphore, #tpu.memory_space<semaphore_mem>> -> memref<!tpu.dma_semaphore, #tpu.memory_space<semaphore_mem>>
    %dma_start3A_638 = arith.constant 96 : i32
    %dma_start3A_639 = arith.constant 0 : i32
    %dma_start3A_640 = arith.constant 0 : i32
    %dma_start3A_641 = tpu.memref_slice %arg1[%dma_start3A_638, %dma_start3A_639, %dma_start3A_640] : memref<1024x1000x64xf32, #tpu.memory_space<any>> -> memref<16x1000x64xf32, #tpu.memory_space<any>>
    tpu.enqueue_dma source(%arg4 : memref<16x1000x64xf32, #tpu.memory_space<vmem>>) target(%dma_start3A_641 : memref<16x1000x64xf32, #tpu.memory_space<any>>) target_semaphore(%dma_start3A_637 : memref<!tpu.dma_semaphore, #tpu.memory_space<semaphore_mem>>)
    %dma_wait3A_642 = arith.constant 3 : i32
    %dma_wait3A_643 = tpu.memref_slice %arg6[%dma_wait3A_642] : memref<4x!tpu.dma_semaphore, #tpu.memory_space<semaphore_mem>> -> memref<1x!tpu.dma_semaphore, #tpu.memory_space<semaphore_mem>>
    %dma_wait3A_644 = tpu.memref_squeeze %dma_wait3A_643 : memref<1x!tpu.dma_semaphore, #tpu.memory_space<semaphore_mem>> -> memref<!tpu.dma_semaphore, #tpu.memory_space<semaphore_mem>>
    %dma_wait3A_645 = arith.constant 48 : i32
    %dma_wait3A_646 = arith.constant 0 : i32
    %dma_wait3A_647 = arith.constant 0 : i32
    %dma_wait3A_648 = tpu.memref_slice %arg1[%dma_wait3A_645, %dma_wait3A_646, %dma_wait3A_647] : memref<1024x1000x64xf32, #tpu.memory_space<any>> -> memref<16x1000x64xf32, #tpu.memory_space<any>>
    tpu.wait_dma2 semaphore(%dma_wait3A_644 : memref<!tpu.dma_semaphore, #tpu.memory_space<semaphore_mem>>) src(%arg5 : memref<16x1000x64xf32, #tpu.memory_space<vmem>>) dst(%dma_wait3A_648 : memref<16x1000x64xf32, #tpu.memory_space<any>>)
    %dma_start3A_649 = arith.constant 3 : i32
    %dma_start3A_650 = tpu.memref_slice %arg6[%dma_start3A_649] : memref<4x!tpu.dma_semaphore, #tpu.memory_space<semaphore_mem>> -> memref<1x!tpu.dma_semaphore, #tpu.memory_space<semaphore_mem>>
    %dma_start3A_651 = tpu.memref_squeeze %dma_start3A_650 : memref<1x!tpu.dma_semaphore, #tpu.memory_space<semaphore_mem>> -> memref<!tpu.dma_semaphore, #tpu.memory_space<semaphore_mem>>
    %dma_start3A_652 = arith.constant 112 : i32
    %dma_start3A_653 = arith.constant 0 : i32
    %dma_start3A_654 = arith.constant 0 : i32
    %dma_start3A_655 = tpu.memref_slice %arg1[%dma_start3A_652, %dma_start3A_653, %dma_start3A_654] : memref<1024x1000x64xf32, #tpu.memory_space<any>> -> memref<16x1000x64xf32, #tpu.memory_space<any>>
    tpu.enqueue_dma source(%arg5 : memref<16x1000x64xf32, #tpu.memory_space<vmem>>) target(%dma_start3A_655 : memref<16x1000x64xf32, #tpu.memory_space<any>>) target_semaphore(%dma_start3A_651 : memref<!tpu.dma_semaphore, #tpu.memory_space<semaphore_mem>>)
    %dma_wait3A_656 = arith.constant 0 : i32
    %dma_wait3A_657 = tpu.memref_slice %arg6[%dma_wait3A_656] : memref<4x!tpu.dma_semaphore, #tpu.memory_space<semaphore_mem>> -> memref<1x!tpu.dma_semaphore, #tpu.memory_space<semaphore_mem>>
    %dma_wait3A_658 = tpu.memref_squeeze %dma_wait3A_657 : memref<1x!tpu.dma_semaphore, #tpu.memory_space<semaphore_mem>> -> memref<!tpu.dma_semaphore, #tpu.memory_space<semaphore_mem>>
    %dma_wait3A_659 = arith.constant 64 : i32
    %dma_wait3A_660 = arith.constant 0 : i32
    %dma_wait3A_661 = arith.constant 0 : i32
    %dma_wait3A_662 = tpu.memref_slice %arg1[%dma_wait3A_659, %dma_wait3A_660, %dma_wait3A_661] : memref<1024x1000x64xf32, #tpu.memory_space<any>> -> memref<16x1000x64xf32, #tpu.memory_space<any>>
    tpu.wait_dma2 semaphore(%dma_wait3A_658 : memref<!tpu.dma_semaphore, #tpu.memory_space<semaphore_mem>>) src(%arg2 : memref<16x1000x64xf32, #tpu.memory_space<vmem>>) dst(%dma_wait3A_662 : memref<16x1000x64xf32, #tpu.memory_space<any>>)
    %dma_start3A_663 = arith.constant 0 : i32
    %dma_start3A_664 = tpu.memref_slice %arg6[%dma_start3A_663] : memref<4x!tpu.dma_semaphore, #tpu.memory_space<semaphore_mem>> -> memref<1x!tpu.dma_semaphore, #tpu.memory_space<semaphore_mem>>
    %dma_start3A_665 = tpu.memref_squeeze %dma_start3A_664 : memref<1x!tpu.dma_semaphore, #tpu.memory_space<semaphore_mem>> -> memref<!tpu.dma_semaphore, #tpu.memory_space<semaphore_mem>>
    %dma_start3A_666 = arith.constant 128 : i32
    %dma_start3A_667 = arith.constant 0 : i32
    %dma_start3A_668 = arith.constant 0 : i32
    %dma_start3A_669 = tpu.memref_slice %arg1[%dma_start3A_666, %dma_start3A_667, %dma_start3A_668] : memref<1024x1000x64xf32, #tpu.memory_space<any>> -> memref<16x1000x64xf32, #tpu.memory_space<any>>
    tpu.enqueue_dma source(%arg2 : memref<16x1000x64xf32, #tpu.memory_space<vmem>>) target(%dma_start3A_669 : memref<16x1000x64xf32, #tpu.memory_space<any>>) target_semaphore(%dma_start3A_665 : memref<!tpu.dma_semaphore, #tpu.memory_space<semaphore_mem>>)
    %dma_wait3A_670 = arith.constant 1 : i32
    %dma_wait3A_671 = tpu.memref_slice %arg6[%dma_wait3A_670] : memref<4x!tpu.dma_semaphore, #tpu.memory_space<semaphore_mem>> -> memref<1x!tpu.dma_semaphore, #tpu.memory_space<semaphore_mem>>
    %dma_wait3A_672 = tpu.memref_squeeze %dma_wait3A_671 : memref<1x!tpu.dma_semaphore, #tpu.memory_space<semaphore_mem>> -> memref<!tpu.dma_semaphore, #tpu.memory_space<semaphore_mem>>
    %dma_wait3A_673 = arith.constant 80 : i32
    %dma_wait3A_674 = arith.constant 0 : i32
    %dma_wait3A_675 = arith.constant 0 : i32
    %dma_wait3A_676 = tpu.memref_slice %arg1[%dma_wait3A_673, %dma_wait3A_674, %dma_wait3A_675] : memref<1024x1000x64xf32, #tpu.memory_space<any>> -> memref<16x1000x64xf32, #tpu.memory_space<any>>
    tpu.wait_dma2 semaphore(%dma_wait3A_672 : memref<!tpu.dma_semaphore, #tpu.memory_space<semaphore_mem>>) src(%arg3 : memref<16x1000x64xf32, #tpu.memory_space<vmem>>) dst(%dma_wait3A_676 : memref<16x1000x64xf32, #tpu.memory_space<any>>)
    %dma_start3A_677 = arith.constant 1 : i32
    %dma_start3A_678 = tpu.memref_slice %arg6[%dma_start3A_677] : memref<4x!tpu.dma_semaphore, #tpu.memory_space<semaphore_mem>> -> memref<1x!tpu.dma_semaphore, #tpu.memory_space<semaphore_mem>>
    %dma_start3A_679 = tpu.memref_squeeze %dma_start3A_678 : memref<1x!tpu.dma_semaphore, #tpu.memory_space<semaphore_mem>> -> memref<!tpu.dma_semaphore, #tpu.memory_space<semaphore_mem>>
    %dma_start3A_680 = arith.constant 144 : i32
    %dma_start3A_681 = arith.constant 0 : i32
    %dma_start3A_682 = arith.constant 0 : i32
    %dma_start3A_683 = tpu.memref_slice %arg1[%dma_start3A_680, %dma_start3A_681, %dma_start3A_682] : memref<1024x1000x64xf32, #tpu.memory_space<any>> -> memref<16x1000x64xf32, #tpu.memory_space<any>>
    tpu.enqueue_dma source(%arg3 : memref<16x1000x64xf32, #tpu.memory_space<vmem>>) target(%dma_start3A_683 : memref<16x1000x64xf32, #tpu.memory_space<any>>) target_semaphore(%dma_start3A_679 : memref<!tpu.dma_semaphore, #tpu.memory_space<semaphore_mem>>)
    %dma_wait3A_684 = arith.constant 2 : i32
    %dma_wait3A_685 = tpu.memref_slice %arg6[%dma_wait3A_684] : memref<4x!tpu.dma_semaphore, #tpu.memory_space<semaphore_mem>> -> memref<1x!tpu.dma_semaphore, #tpu.memory_space<semaphore_mem>>
    %dma_wait3A_686 = tpu.memref_squeeze %dma_wait3A_685 : memref<1x!tpu.dma_semaphore, #tpu.memory_space<semaphore_mem>> -> memref<!tpu.dma_semaphore, #tpu.memory_space<semaphore_mem>>
    %dma_wait3A_687 = arith.constant 96 : i32
    %dma_wait3A_688 = arith.constant 0 : i32
    %dma_wait3A_689 = arith.constant 0 : i32
    %dma_wait3A_690 = tpu.memref_slice %arg1[%dma_wait3A_687, %dma_wait3A_688, %dma_wait3A_689] : memref<1024x1000x64xf32, #tpu.memory_space<any>> -> memref<16x1000x64xf32, #tpu.memory_space<any>>
    tpu.wait_dma2 semaphore(%dma_wait3A_686 : memref<!tpu.dma_semaphore, #tpu.memory_space<semaphore_mem>>) src(%arg4 : memref<16x1000x64xf32, #tpu.memory_space<vmem>>) dst(%dma_wait3A_690 : memref<16x1000x64xf32, #tpu.memory_space<any>>)
    %dma_start3A_691 = arith.constant 2 : i32
    %dma_start3A_692 = tpu.memref_slice %arg6[%dma_start3A_691] : memref<4x!tpu.dma_semaphore, #tpu.memory_space<semaphore_mem>> -> memref<1x!tpu.dma_semaphore, #tpu.memory_space<semaphore_mem>>
    %dma_start3A_693 = tpu.memref_squeeze %dma_start3A_692 : memref<1x!tpu.dma_semaphore, #tpu.memory_space<semaphore_mem>> -> memref<!tpu.dma_semaphore, #tpu.memory_space<semaphore_mem>>
    %dma_start3A_694 = arith.constant 160 : i32
    %dma_start3A_695 = arith.constant 0 : i32
    %dma_start3A_696 = arith.constant 0 : i32
    %dma_start3A_697 = tpu.memref_slice %arg1[%dma_start3A_694, %dma_start3A_695, %dma_start3A_696] : memref<1024x1000x64xf32, #tpu.memory_space<any>> -> memref<16x1000x64xf32, #tpu.memory_space<any>>
    tpu.enqueue_dma source(%arg4 : memref<16x1000x64xf32, #tpu.memory_space<vmem>>) target(%dma_start3A_697 : memref<16x1000x64xf32, #tpu.memory_space<any>>) target_semaphore(%dma_start3A_693 : memref<!tpu.dma_semaphore, #tpu.memory_space<semaphore_mem>>)
    %dma_wait3A_698 = arith.constant 3 : i32
    %dma_wait3A_699 = tpu.memref_slice %arg6[%dma_wait3A_698] : memref<4x!tpu.dma_semaphore, #tpu.memory_space<semaphore_mem>> -> memref<1x!tpu.dma_semaphore, #tpu.memory_space<semaphore_mem>>
    %dma_wait3A_700 = tpu.memref_squeeze %dma_wait3A_699 : memref<1x!tpu.dma_semaphore, #tpu.memory_space<semaphore_mem>> -> memref<!tpu.dma_semaphore, #tpu.memory_space<semaphore_mem>>
    %dma_wait3A_701 = arith.constant 112 : i32
    %dma_wait3A_702 = arith.constant 0 : i32
    %dma_wait3A_703 = arith.constant 0 : i32
    %dma_wait3A_704 = tpu.memref_slice %arg1[%dma_wait3A_701, %dma_wait3A_702, %dma_wait3A_703] : memref<1024x1000x64xf32, #tpu.memory_space<any>> -> memref<16x1000x64xf32, #tpu.memory_space<any>>
    tpu.wait_dma2 semaphore(%dma_wait3A_700 : memref<!tpu.dma_semaphore, #tpu.memory_space<semaphore_mem>>) src(%arg5 : memref<16x1000x64xf32, #tpu.memory_space<vmem>>) dst(%dma_wait3A_704 : memref<16x1000x64xf32, #tpu.memory_space<any>>)
    %dma_start3A_705 = arith.constant 3 : i32
    %dma_start3A_706 = tpu.memref_slice %arg6[%dma_start3A_705] : memref<4x!tpu.dma_semaphore, #tpu.memory_space<semaphore_mem>> -> memref<1x!tpu.dma_semaphore, #tpu.memory_space<semaphore_mem>>
    %dma_start3A_707 = tpu.memref_squeeze %dma_start3A_706 : memref<1x!tpu.dma_semaphore, #tpu.memory_space<semaphore_mem>> -> memref<!tpu.dma_semaphore, #tpu.memory_space<semaphore_mem>>
    %dma_start3A_708 = arith.constant 176 : i32
    %dma_start3A_709 = arith.constant 0 : i32
    %dma_start3A_710 = arith.constant 0 : i32
    %dma_start3A_711 = tpu.memref_slice %arg1[%dma_start3A_708, %dma_start3A_709, %dma_start3A_710] : memref<1024x1000x64xf32, #tpu.memory_space<any>> -> memref<16x1000x64xf32, #tpu.memory_space<any>>
    tpu.enqueue_dma source(%arg5 : memref<16x1000x64xf32, #tpu.memory_space<vmem>>) target(%dma_start3A_711 : memref<16x1000x64xf32, #tpu.memory_space<any>>) target_semaphore(%dma_start3A_707 : memref<!tpu.dma_semaphore, #tpu.memory_space<semaphore_mem>>)
    %dma_wait3A_712 = arith.constant 0 : i32
    %dma_wait3A_713 = tpu.memref_slice %arg6[%dma_wait3A_712] : memref<4x!tpu.dma_semaphore, #tpu.memory_space<semaphore_mem>> -> memref<1x!tpu.dma_semaphore, #tpu.memory_space<semaphore_mem>>
    %dma_wait3A_714 = tpu.memref_squeeze %dma_wait3A_713 : memref<1x!tpu.dma_semaphore, #tpu.memory_space<semaphore_mem>> -> memref<!tpu.dma_semaphore, #tpu.memory_space<semaphore_mem>>
    %dma_wait3A_715 = arith.constant 128 : i32
    %dma_wait3A_716 = arith.constant 0 : i32
    %dma_wait3A_717 = arith.constant 0 : i32
    %dma_wait3A_718 = tpu.memref_slice %arg1[%dma_wait3A_715, %dma_wait3A_716, %dma_wait3A_717] : memref<1024x1000x64xf32, #tpu.memory_space<any>> -> memref<16x1000x64xf32, #tpu.memory_space<any>>
    tpu.wait_dma2 semaphore(%dma_wait3A_714 : memref<!tpu.dma_semaphore, #tpu.memory_space<semaphore_mem>>) src(%arg2 : memref<16x1000x64xf32, #tpu.memory_space<vmem>>) dst(%dma_wait3A_718 : memref<16x1000x64xf32, #tpu.memory_space<any>>)
    %dma_start3A_719 = arith.constant 0 : i32
    %dma_start3A_720 = tpu.memref_slice %arg6[%dma_start3A_719] : memref<4x!tpu.dma_semaphore, #tpu.memory_space<semaphore_mem>> -> memref<1x!tpu.dma_semaphore, #tpu.memory_space<semaphore_mem>>
    %dma_start3A_721 = tpu.memref_squeeze %dma_start3A_720 : memref<1x!tpu.dma_semaphore, #tpu.memory_space<semaphore_mem>> -> memref<!tpu.dma_semaphore, #tpu.memory_space<semaphore_mem>>
    %dma_start3A_722 = arith.constant 192 : i32
    %dma_start3A_723 = arith.constant 0 : i32
    %dma_start3A_724 = arith.constant 0 : i32
    %dma_start3A_725 = tpu.memref_slice %arg1[%dma_start3A_722, %dma_start3A_723, %dma_start3A_724] : memref<1024x1000x64xf32, #tpu.memory_space<any>> -> memref<16x1000x64xf32, #tpu.memory_space<any>>
    tpu.enqueue_dma source(%arg2 : memref<16x1000x64xf32, #tpu.memory_space<vmem>>) target(%dma_start3A_725 : memref<16x1000x64xf32, #tpu.memory_space<any>>) target_semaphore(%dma_start3A_721 : memref<!tpu.dma_semaphore, #tpu.memory_space<semaphore_mem>>)
    %dma_wait3A_726 = arith.constant 1 : i32
    %dma_wait3A_727 = tpu.memref_slice %arg6[%dma_wait3A_726] : memref<4x!tpu.dma_semaphore, #tpu.memory_space<semaphore_mem>> -> memref<1x!tpu.dma_semaphore, #tpu.memory_space<semaphore_mem>>
    %dma_wait3A_728 = tpu.memref_squeeze %dma_wait3A_727 : memref<1x!tpu.dma_semaphore, #tpu.memory_space<semaphore_mem>> -> memref<!tpu.dma_semaphore, #tpu.memory_space<semaphore_mem>>
    %dma_wait3A_729 = arith.constant 144 : i32
    %dma_wait3A_730 = arith.constant 0 : i32
    %dma_wait3A_731 = arith.constant 0 : i32
    %dma_wait3A_732 = tpu.memref_slice %arg1[%dma_wait3A_729, %dma_wait3A_730, %dma_wait3A_731] : memref<1024x1000x64xf32, #tpu.memory_space<any>> -> memref<16x1000x64xf32, #tpu.memory_space<any>>
    tpu.wait_dma2 semaphore(%dma_wait3A_728 : memref<!tpu.dma_semaphore, #tpu.memory_space<semaphore_mem>>) src(%arg3 : memref<16x1000x64xf32, #tpu.memory_space<vmem>>) dst(%dma_wait3A_732 : memref<16x1000x64xf32, #tpu.memory_space<any>>)
    %dma_start3A_733 = arith.constant 1 : i32
    %dma_start3A_734 = tpu.memref_slice %arg6[%dma_start3A_733] : memref<4x!tpu.dma_semaphore, #tpu.memory_space<semaphore_mem>> -> memref<1x!tpu.dma_semaphore, #tpu.memory_space<semaphore_mem>>
    %dma_start3A_735 = tpu.memref_squeeze %dma_start3A_734 : memref<1x!tpu.dma_semaphore, #tpu.memory_space<semaphore_mem>> -> memref<!tpu.dma_semaphore, #tpu.memory_space<semaphore_mem>>
    %dma_start3A_736 = arith.constant 208 : i32
    %dma_start3A_737 = arith.constant 0 : i32
    %dma_start3A_738 = arith.constant 0 : i32
    %dma_start3A_739 = tpu.memref_slice %arg1[%dma_start3A_736, %dma_start3A_737, %dma_start3A_738] : memref<1024x1000x64xf32, #tpu.memory_space<any>> -> memref<16x1000x64xf32, #tpu.memory_space<any>>
    tpu.enqueue_dma source(%arg3 : memref<16x1000x64xf32, #tpu.memory_space<vmem>>) target(%dma_start3A_739 : memref<16x1000x64xf32, #tpu.memory_space<any>>) target_semaphore(%dma_start3A_735 : memref<!tpu.dma_semaphore, #tpu.memory_space<semaphore_mem>>)
    %dma_wait3A_740 = arith.constant 2 : i32
    %dma_wait3A_741 = tpu.memref_slice %arg6[%dma_wait3A_740] : memref<4x!tpu.dma_semaphore, #tpu.memory_space<semaphore_mem>> -> memref<1x!tpu.dma_semaphore, #tpu.memory_space<semaphore_mem>>
    %dma_wait3A_742 = tpu.memref_squeeze %dma_wait3A_741 : memref<1x!tpu.dma_semaphore, #tpu.memory_space<semaphore_mem>> -> memref<!tpu.dma_semaphore, #tpu.memory_space<semaphore_mem>>
    %dma_wait3A_743 = arith.constant 160 : i32
    %dma_wait3A_744 = arith.constant 0 : i32
    %dma_wait3A_745 = arith.constant 0 : i32
    %dma_wait3A_746 = tpu.memref_slice %arg1[%dma_wait3A_743, %dma_wait3A_744, %dma_wait3A_745] : memref<1024x1000x64xf32, #tpu.memory_space<any>> -> memref<16x1000x64xf32, #tpu.memory_space<any>>
    tpu.wait_dma2 semaphore(%dma_wait3A_742 : memref<!tpu.dma_semaphore, #tpu.memory_space<semaphore_mem>>) src(%arg4 : memref<16x1000x64xf32, #tpu.memory_space<vmem>>) dst(%dma_wait3A_746 : memref<16x1000x64xf32, #tpu.memory_space<any>>)
    %dma_start3A_747 = arith.constant 2 : i32
    %dma_start3A_748 = tpu.memref_slice %arg6[%dma_start3A_747] : memref<4x!tpu.dma_semaphore, #tpu.memory_space<semaphore_mem>> -> memref<1x!tpu.dma_semaphore, #tpu.memory_space<semaphore_mem>>
    %dma_start3A_749 = tpu.memref_squeeze %dma_start3A_748 : memref<1x!tpu.dma_semaphore, #tpu.memory_space<semaphore_mem>> -> memref<!tpu.dma_semaphore, #tpu.memory_space<semaphore_mem>>
    %dma_start3A_750 = arith.constant 224 : i32
    %dma_start3A_751 = arith.constant 0 : i32
    %dma_start3A_752 = arith.constant 0 : i32
    %dma_start3A_753 = tpu.memref_slice %arg1[%dma_start3A_750, %dma_start3A_751, %dma_start3A_752] : memref<1024x1000x64xf32, #tpu.memory_space<any>> -> memref<16x1000x64xf32, #tpu.memory_space<any>>
    tpu.enqueue_dma source(%arg4 : memref<16x1000x64xf32, #tpu.memory_space<vmem>>) target(%dma_start3A_753 : memref<16x1000x64xf32, #tpu.memory_space<any>>) target_semaphore(%dma_start3A_749 : memref<!tpu.dma_semaphore, #tpu.memory_space<semaphore_mem>>)
    %dma_wait3A_754 = arith.constant 3 : i32
    %dma_wait3A_755 = tpu.memref_slice %arg6[%dma_wait3A_754] : memref<4x!tpu.dma_semaphore, #tpu.memory_space<semaphore_mem>> -> memref<1x!tpu.dma_semaphore, #tpu.memory_space<semaphore_mem>>
    %dma_wait3A_756 = tpu.memref_squeeze %dma_wait3A_755 : memref<1x!tpu.dma_semaphore, #tpu.memory_space<semaphore_mem>> -> memref<!tpu.dma_semaphore, #tpu.memory_space<semaphore_mem>>
    %dma_wait3A_757 = arith.constant 176 : i32
    %dma_wait3A_758 = arith.constant 0 : i32
    %dma_wait3A_759 = arith.constant 0 : i32
    %dma_wait3A_760 = tpu.memref_slice %arg1[%dma_wait3A_757, %dma_wait3A_758, %dma_wait3A_759] : memref<1024x1000x64xf32, #tpu.memory_space<any>> -> memref<16x1000x64xf32, #tpu.memory_space<any>>
    tpu.wait_dma2 semaphore(%dma_wait3A_756 : memref<!tpu.dma_semaphore, #tpu.memory_space<semaphore_mem>>) src(%arg5 : memref<16x1000x64xf32, #tpu.memory_space<vmem>>) dst(%dma_wait3A_760 : memref<16x1000x64xf32, #tpu.memory_space<any>>)
    %dma_start3A_761 = arith.constant 3 : i32
    %dma_start3A_762 = tpu.memref_slice %arg6[%dma_start3A_761] : memref<4x!tpu.dma_semaphore, #tpu.memory_space<semaphore_mem>> -> memref<1x!tpu.dma_semaphore, #tpu.memory_space<semaphore_mem>>
    %dma_start3A_763 = tpu.memref_squeeze %dma_start3A_762 : memref<1x!tpu.dma_semaphore, #tpu.memory_space<semaphore_mem>> -> memref<!tpu.dma_semaphore, #tpu.memory_space<semaphore_mem>>
    %dma_start3A_764 = arith.constant 240 : i32
    %dma_start3A_765 = arith.constant 0 : i32
    %dma_start3A_766 = arith.constant 0 : i32
    %dma_start3A_767 = tpu.memref_slice %arg1[%dma_start3A_764, %dma_start3A_765, %dma_start3A_766] : memref<1024x1000x64xf32, #tpu.memory_space<any>> -> memref<16x1000x64xf32, #tpu.memory_space<any>>
    tpu.enqueue_dma source(%arg5 : memref<16x1000x64xf32, #tpu.memory_space<vmem>>) target(%dma_start3A_767 : memref<16x1000x64xf32, #tpu.memory_space<any>>) target_semaphore(%dma_start3A_763 : memref<!tpu.dma_semaphore, #tpu.memory_space<semaphore_mem>>)
    %dma_wait3A_768 = arith.constant 0 : i32
    %dma_wait3A_769 = tpu.memref_slice %arg6[%dma_wait3A_768] : memref<4x!tpu.dma_semaphore, #tpu.memory_space<semaphore_mem>> -> memref<1x!tpu.dma_semaphore, #tpu.memory_space<semaphore_mem>>
    %dma_wait3A_770 = tpu.memref_squeeze %dma_wait3A_769 : memref<1x!tpu.dma_semaphore, #tpu.memory_space<semaphore_mem>> -> memref<!tpu.dma_semaphore, #tpu.memory_space<semaphore_mem>>
    %dma_wait3A_771 = arith.constant 192 : i32
    %dma_wait3A_772 = arith.constant 0 : i32
    %dma_wait3A_773 = arith.constant 0 : i32
    %dma_wait3A_774 = tpu.memref_slice %arg1[%dma_wait3A_771, %dma_wait3A_772, %dma_wait3A_773] : memref<1024x1000x64xf32, #tpu.memory_space<any>> -> memref<16x1000x64xf32, #tpu.memory_space<any>>
    tpu.wait_dma2 semaphore(%dma_wait3A_770 : memref<!tpu.dma_semaphore, #tpu.memory_space<semaphore_mem>>) src(%arg2 : memref<16x1000x64xf32, #tpu.memory_space<vmem>>) dst(%dma_wait3A_774 : memref<16x1000x64xf32, #tpu.memory_space<any>>)
    %dma_start3A_775 = arith.constant 0 : i32
    %dma_start3A_776 = tpu.memref_slice %arg6[%dma_start3A_775] : memref<4x!tpu.dma_semaphore, #tpu.memory_space<semaphore_mem>> -> memref<1x!tpu.dma_semaphore, #tpu.memory_space<semaphore_mem>>
    %dma_start3A_777 = tpu.memref_squeeze %dma_start3A_776 : memref<1x!tpu.dma_semaphore, #tpu.memory_space<semaphore_mem>> -> memref<!tpu.dma_semaphore, #tpu.memory_space<semaphore_mem>>
    %dma_start3A_778 = arith.constant 256 : i32
    %dma_start3A_779 = arith.constant 0 : i32
    %dma_start3A_780 = arith.constant 0 : i32
    %dma_start3A_781 = tpu.memref_slice %arg1[%dma_start3A_778, %dma_start3A_779, %dma_start3A_780] : memref<1024x1000x64xf32, #tpu.memory_space<any>> -> memref<16x1000x64xf32, #tpu.memory_space<any>>
    tpu.enqueue_dma source(%arg2 : memref<16x1000x64xf32, #tpu.memory_space<vmem>>) target(%dma_start3A_781 : memref<16x1000x64xf32, #tpu.memory_space<any>>) target_semaphore(%dma_start3A_777 : memref<!tpu.dma_semaphore, #tpu.memory_space<semaphore_mem>>)
    %dma_wait3A_782 = arith.constant 1 : i32
    %dma_wait3A_783 = tpu.memref_slice %arg6[%dma_wait3A_782] : memref<4x!tpu.dma_semaphore, #tpu.memory_space<semaphore_mem>> -> memref<1x!tpu.dma_semaphore, #tpu.memory_space<semaphore_mem>>
    %dma_wait3A_784 = tpu.memref_squeeze %dma_wait3A_783 : memref<1x!tpu.dma_semaphore, #tpu.memory_space<semaphore_mem>> -> memref<!tpu.dma_semaphore, #tpu.memory_space<semaphore_mem>>
    %dma_wait3A_785 = arith.constant 208 : i32
    %dma_wait3A_786 = arith.constant 0 : i32
    %dma_wait3A_787 = arith.constant 0 : i32
    %dma_wait3A_788 = tpu.memref_slice %arg1[%dma_wait3A_785, %dma_wait3A_786, %dma_wait3A_787] : memref<1024x1000x64xf32, #tpu.memory_space<any>> -> memref<16x1000x64xf32, #tpu.memory_space<any>>
    tpu.wait_dma2 semaphore(%dma_wait3A_784 : memref<!tpu.dma_semaphore, #tpu.memory_space<semaphore_mem>>) src(%arg3 : memref<16x1000x64xf32, #tpu.memory_space<vmem>>) dst(%dma_wait3A_788 : memref<16x1000x64xf32, #tpu.memory_space<any>>)
    %dma_start3A_789 = arith.constant 1 : i32
    %dma_start3A_790 = tpu.memref_slice %arg6[%dma_start3A_789] : memref<4x!tpu.dma_semaphore, #tpu.memory_space<semaphore_mem>> -> memref<1x!tpu.dma_semaphore, #tpu.memory_space<semaphore_mem>>
    %dma_start3A_791 = tpu.memref_squeeze %dma_start3A_790 : memref<1x!tpu.dma_semaphore, #tpu.memory_space<semaphore_mem>> -> memref<!tpu.dma_semaphore, #tpu.memory_space<semaphore_mem>>
    %dma_start3A_792 = arith.constant 272 : i32
    %dma_start3A_793 = arith.constant 0 : i32
    %dma_start3A_794 = arith.constant 0 : i32
    %dma_start3A_795 = tpu.memref_slice %arg1[%dma_start3A_792, %dma_start3A_793, %dma_start3A_794] : memref<1024x1000x64xf32, #tpu.memory_space<any>> -> memref<16x1000x64xf32, #tpu.memory_space<any>>
    tpu.enqueue_dma source(%arg3 : memref<16x1000x64xf32, #tpu.memory_space<vmem>>) target(%dma_start3A_795 : memref<16x1000x64xf32, #tpu.memory_space<any>>) target_semaphore(%dma_start3A_791 : memref<!tpu.dma_semaphore, #tpu.memory_space<semaphore_mem>>)
    %dma_wait3A_796 = arith.constant 2 : i32
    %dma_wait3A_797 = tpu.memref_slice %arg6[%dma_wait3A_796] : memref<4x!tpu.dma_semaphore, #tpu.memory_space<semaphore_mem>> -> memref<1x!tpu.dma_semaphore, #tpu.memory_space<semaphore_mem>>
    %dma_wait3A_798 = tpu.memref_squeeze %dma_wait3A_797 : memref<1x!tpu.dma_semaphore, #tpu.memory_space<semaphore_mem>> -> memref<!tpu.dma_semaphore, #tpu.memory_space<semaphore_mem>>
    %dma_wait3A_799 = arith.constant 224 : i32
    %dma_wait3A_800 = arith.constant 0 : i32
    %dma_wait3A_801 = arith.constant 0 : i32
    %dma_wait3A_802 = tpu.memref_slice %arg1[%dma_wait3A_799, %dma_wait3A_800, %dma_wait3A_801] : memref<1024x1000x64xf32, #tpu.memory_space<any>> -> memref<16x1000x64xf32, #tpu.memory_space<any>>
    tpu.wait_dma2 semaphore(%dma_wait3A_798 : memref<!tpu.dma_semaphore, #tpu.memory_space<semaphore_mem>>) src(%arg4 : memref<16x1000x64xf32, #tpu.memory_space<vmem>>) dst(%dma_wait3A_802 : memref<16x1000x64xf32, #tpu.memory_space<any>>)
    %dma_start3A_803 = arith.constant 2 : i32
    %dma_start3A_804 = tpu.memref_slice %arg6[%dma_start3A_803] : memref<4x!tpu.dma_semaphore, #tpu.memory_space<semaphore_mem>> -> memref<1x!tpu.dma_semaphore, #tpu.memory_space<semaphore_mem>>
    %dma_start3A_805 = tpu.memref_squeeze %dma_start3A_804 : memref<1x!tpu.dma_semaphore, #tpu.memory_space<semaphore_mem>> -> memref<!tpu.dma_semaphore, #tpu.memory_space<semaphore_mem>>
    %dma_start3A_806 = arith.constant 288 : i32
    %dma_start3A_807 = arith.constant 0 : i32
    %dma_start3A_808 = arith.constant 0 : i32
    %dma_start3A_809 = tpu.memref_slice %arg1[%dma_start3A_806, %dma_start3A_807, %dma_start3A_808] : memref<1024x1000x64xf32, #tpu.memory_space<any>> -> memref<16x1000x64xf32, #tpu.memory_space<any>>
    tpu.enqueue_dma source(%arg4 : memref<16x1000x64xf32, #tpu.memory_space<vmem>>) target(%dma_start3A_809 : memref<16x1000x64xf32, #tpu.memory_space<any>>) target_semaphore(%dma_start3A_805 : memref<!tpu.dma_semaphore, #tpu.memory_space<semaphore_mem>>)
    %dma_wait3A_810 = arith.constant 3 : i32
    %dma_wait3A_811 = tpu.memref_slice %arg6[%dma_wait3A_810] : memref<4x!tpu.dma_semaphore, #tpu.memory_space<semaphore_mem>> -> memref<1x!tpu.dma_semaphore, #tpu.memory_space<semaphore_mem>>
    %dma_wait3A_812 = tpu.memref_squeeze %dma_wait3A_811 : memref<1x!tpu.dma_semaphore, #tpu.memory_space<semaphore_mem>> -> memref<!tpu.dma_semaphore, #tpu.memory_space<semaphore_mem>>
    %dma_wait3A_813 = arith.constant 240 : i32
    %dma_wait3A_814 = arith.constant 0 : i32
    %dma_wait3A_815 = arith.constant 0 : i32
    %dma_wait3A_816 = tpu.memref_slice %arg1[%dma_wait3A_813, %dma_wait3A_814, %dma_wait3A_815] : memref<1024x1000x64xf32, #tpu.memory_space<any>> -> memref<16x1000x64xf32, #tpu.memory_space<any>>
    tpu.wait_dma2 semaphore(%dma_wait3A_812 : memref<!tpu.dma_semaphore, #tpu.memory_space<semaphore_mem>>) src(%arg5 : memref<16x1000x64xf32, #tpu.memory_space<vmem>>) dst(%dma_wait3A_816 : memref<16x1000x64xf32, #tpu.memory_space<any>>)
    %dma_start3A_817 = arith.constant 3 : i32
    %dma_start3A_818 = tpu.memref_slice %arg6[%dma_start3A_817] : memref<4x!tpu.dma_semaphore, #tpu.memory_space<semaphore_mem>> -> memref<1x!tpu.dma_semaphore, #tpu.memory_space<semaphore_mem>>
    %dma_start3A_819 = tpu.memref_squeeze %dma_start3A_818 : memref<1x!tpu.dma_semaphore, #tpu.memory_space<semaphore_mem>> -> memref<!tpu.dma_semaphore, #tpu.memory_space<semaphore_mem>>
    %dma_start3A_820 = arith.constant 304 : i32
    %dma_start3A_821 = arith.constant 0 : i32
    %dma_start3A_822 = arith.constant 0 : i32
    %dma_start3A_823 = tpu.memref_slice %arg1[%dma_start3A_820, %dma_start3A_821, %dma_start3A_822] : memref<1024x1000x64xf32, #tpu.memory_space<any>> -> memref<16x1000x64xf32, #tpu.memory_space<any>>
    tpu.enqueue_dma source(%arg5 : memref<16x1000x64xf32, #tpu.memory_space<vmem>>) target(%dma_start3A_823 : memref<16x1000x64xf32, #tpu.memory_space<any>>) target_semaphore(%dma_start3A_819 : memref<!tpu.dma_semaphore, #tpu.memory_space<semaphore_mem>>)
    %dma_wait3A_824 = arith.constant 0 : i32
    %dma_wait3A_825 = tpu.memref_slice %arg6[%dma_wait3A_824] : memref<4x!tpu.dma_semaphore, #tpu.memory_space<semaphore_mem>> -> memref<1x!tpu.dma_semaphore, #tpu.memory_space<semaphore_mem>>
    %dma_wait3A_826 = tpu.memref_squeeze %dma_wait3A_825 : memref<1x!tpu.dma_semaphore, #tpu.memory_space<semaphore_mem>> -> memref<!tpu.dma_semaphore, #tpu.memory_space<semaphore_mem>>
    %dma_wait3A_827 = arith.constant 256 : i32
    %dma_wait3A_828 = arith.constant 0 : i32
    %dma_wait3A_829 = arith.constant 0 : i32
    %dma_wait3A_830 = tpu.memref_slice %arg1[%dma_wait3A_827, %dma_wait3A_828, %dma_wait3A_829] : memref<1024x1000x64xf32, #tpu.memory_space<any>> -> memref<16x1000x64xf32, #tpu.memory_space<any>>
    tpu.wait_dma2 semaphore(%dma_wait3A_826 : memref<!tpu.dma_semaphore, #tpu.memory_space<semaphore_mem>>) src(%arg2 : memref<16x1000x64xf32, #tpu.memory_space<vmem>>) dst(%dma_wait3A_830 : memref<16x1000x64xf32, #tpu.memory_space<any>>)
    %dma_start3A_831 = arith.constant 0 : i32
    %dma_start3A_832 = tpu.memref_slice %arg6[%dma_start3A_831] : memref<4x!tpu.dma_semaphore, #tpu.memory_space<semaphore_mem>> -> memref<1x!tpu.dma_semaphore, #tpu.memory_space<semaphore_mem>>
    %dma_start3A_833 = tpu.memref_squeeze %dma_start3A_832 : memref<1x!tpu.dma_semaphore, #tpu.memory_space<semaphore_mem>> -> memref<!tpu.dma_semaphore, #tpu.memory_space<semaphore_mem>>
    %dma_start3A_834 = arith.constant 320 : i32
    %dma_start3A_835 = arith.constant 0 : i32
    %dma_start3A_836 = arith.constant 0 : i32
    %dma_start3A_837 = tpu.memref_slice %arg1[%dma_start3A_834, %dma_start3A_835, %dma_start3A_836] : memref<1024x1000x64xf32, #tpu.memory_space<any>> -> memref<16x1000x64xf32, #tpu.memory_space<any>>
    tpu.enqueue_dma source(%arg2 : memref<16x1000x64xf32, #tpu.memory_space<vmem>>) target(%dma_start3A_837 : memref<16x1000x64xf32, #tpu.memory_space<any>>) target_semaphore(%dma_start3A_833 : memref<!tpu.dma_semaphore, #tpu.memory_space<semaphore_mem>>)
    %dma_wait3A_838 = arith.constant 1 : i32
    %dma_wait3A_839 = tpu.memref_slice %arg6[%dma_wait3A_838] : memref<4x!tpu.dma_semaphore, #tpu.memory_space<semaphore_mem>> -> memref<1x!tpu.dma_semaphore, #tpu.memory_space<semaphore_mem>>
    %dma_wait3A_840 = tpu.memref_squeeze %dma_wait3A_839 : memref<1x!tpu.dma_semaphore, #tpu.memory_space<semaphore_mem>> -> memref<!tpu.dma_semaphore, #tpu.memory_space<semaphore_mem>>
    %dma_wait3A_841 = arith.constant 272 : i32
    %dma_wait3A_842 = arith.constant 0 : i32
    %dma_wait3A_843 = arith.constant 0 : i32
    %dma_wait3A_844 = tpu.memref_slice %arg1[%dma_wait3A_841, %dma_wait3A_842, %dma_wait3A_843] : memref<1024x1000x64xf32, #tpu.memory_space<any>> -> memref<16x1000x64xf32, #tpu.memory_space<any>>
    tpu.wait_dma2 semaphore(%dma_wait3A_840 : memref<!tpu.dma_semaphore, #tpu.memory_space<semaphore_mem>>) src(%arg3 : memref<16x1000x64xf32, #tpu.memory_space<vmem>>) dst(%dma_wait3A_844 : memref<16x1000x64xf32, #tpu.memory_space<any>>)
    %dma_start3A_845 = arith.constant 1 : i32
    %dma_start3A_846 = tpu.memref_slice %arg6[%dma_start3A_845] : memref<4x!tpu.dma_semaphore, #tpu.memory_space<semaphore_mem>> -> memref<1x!tpu.dma_semaphore, #tpu.memory_space<semaphore_mem>>
    %dma_start3A_847 = tpu.memref_squeeze %dma_start3A_846 : memref<1x!tpu.dma_semaphore, #tpu.memory_space<semaphore_mem>> -> memref<!tpu.dma_semaphore, #tpu.memory_space<semaphore_mem>>
    %dma_start3A_848 = arith.constant 336 : i32
    %dma_start3A_849 = arith.constant 0 : i32
    %dma_start3A_850 = arith.constant 0 : i32
    %dma_start3A_851 = tpu.memref_slice %arg1[%dma_start3A_848, %dma_start3A_849, %dma_start3A_850] : memref<1024x1000x64xf32, #tpu.memory_space<any>> -> memref<16x1000x64xf32, #tpu.memory_space<any>>
    tpu.enqueue_dma source(%arg3 : memref<16x1000x64xf32, #tpu.memory_space<vmem>>) target(%dma_start3A_851 : memref<16x1000x64xf32, #tpu.memory_space<any>>) target_semaphore(%dma_start3A_847 : memref<!tpu.dma_semaphore, #tpu.memory_space<semaphore_mem>>)
    %dma_wait3A_852 = arith.constant 2 : i32
    %dma_wait3A_853 = tpu.memref_slice %arg6[%dma_wait3A_852] : memref<4x!tpu.dma_semaphore, #tpu.memory_space<semaphore_mem>> -> memref<1x!tpu.dma_semaphore, #tpu.memory_space<semaphore_mem>>
    %dma_wait3A_854 = tpu.memref_squeeze %dma_wait3A_853 : memref<1x!tpu.dma_semaphore, #tpu.memory_space<semaphore_mem>> -> memref<!tpu.dma_semaphore, #tpu.memory_space<semaphore_mem>>
    %dma_wait3A_855 = arith.constant 288 : i32
    %dma_wait3A_856 = arith.constant 0 : i32
    %dma_wait3A_857 = arith.constant 0 : i32
    %dma_wait3A_858 = tpu.memref_slice %arg1[%dma_wait3A_855, %dma_wait3A_856, %dma_wait3A_857] : memref<1024x1000x64xf32, #tpu.memory_space<any>> -> memref<16x1000x64xf32, #tpu.memory_space<any>>
    tpu.wait_dma2 semaphore(%dma_wait3A_854 : memref<!tpu.dma_semaphore, #tpu.memory_space<semaphore_mem>>) src(%arg4 : memref<16x1000x64xf32, #tpu.memory_space<vmem>>) dst(%dma_wait3A_858 : memref<16x1000x64xf32, #tpu.memory_space<any>>)
    %dma_start3A_859 = arith.constant 2 : i32
    %dma_start3A_860 = tpu.memref_slice %arg6[%dma_start3A_859] : memref<4x!tpu.dma_semaphore, #tpu.memory_space<semaphore_mem>> -> memref<1x!tpu.dma_semaphore, #tpu.memory_space<semaphore_mem>>
    %dma_start3A_861 = tpu.memref_squeeze %dma_start3A_860 : memref<1x!tpu.dma_semaphore, #tpu.memory_space<semaphore_mem>> -> memref<!tpu.dma_semaphore, #tpu.memory_space<semaphore_mem>>
    %dma_start3A_862 = arith.constant 352 : i32
    %dma_start3A_863 = arith.constant 0 : i32
    %dma_start3A_864 = arith.constant 0 : i32
    %dma_start3A_865 = tpu.memref_slice %arg1[%dma_start3A_862, %dma_start3A_863, %dma_start3A_864] : memref<1024x1000x64xf32, #tpu.memory_space<any>> -> memref<16x1000x64xf32, #tpu.memory_space<any>>
    tpu.enqueue_dma source(%arg4 : memref<16x1000x64xf32, #tpu.memory_space<vmem>>) target(%dma_start3A_865 : memref<16x1000x64xf32, #tpu.memory_space<any>>) target_semaphore(%dma_start3A_861 : memref<!tpu.dma_semaphore, #tpu.memory_space<semaphore_mem>>)
    %dma_wait3A_866 = arith.constant 3 : i32
    %dma_wait3A_867 = tpu.memref_slice %arg6[%dma_wait3A_866] : memref<4x!tpu.dma_semaphore, #tpu.memory_space<semaphore_mem>> -> memref<1x!tpu.dma_semaphore, #tpu.memory_space<semaphore_mem>>
    %dma_wait3A_868 = tpu.memref_squeeze %dma_wait3A_867 : memref<1x!tpu.dma_semaphore, #tpu.memory_space<semaphore_mem>> -> memref<!tpu.dma_semaphore, #tpu.memory_space<semaphore_mem>>
    %dma_wait3A_869 = arith.constant 304 : i32
    %dma_wait3A_870 = arith.constant 0 : i32
    %dma_wait3A_871 = arith.constant 0 : i32
    %dma_wait3A_872 = tpu.memref_slice %arg1[%dma_wait3A_869, %dma_wait3A_870, %dma_wait3A_871] : memref<1024x1000x64xf32, #tpu.memory_space<any>> -> memref<16x1000x64xf32, #tpu.memory_space<any>>
    tpu.wait_dma2 semaphore(%dma_wait3A_868 : memref<!tpu.dma_semaphore, #tpu.memory_space<semaphore_mem>>) src(%arg5 : memref<16x1000x64xf32, #tpu.memory_space<vmem>>) dst(%dma_wait3A_872 : memref<16x1000x64xf32, #tpu.memory_space<any>>)
    %dma_start3A_873 = arith.constant 3 : i32
    %dma_start3A_874 = tpu.memref_slice %arg6[%dma_start3A_873] : memref<4x!tpu.dma_semaphore, #tpu.memory_space<semaphore_mem>> -> memref<1x!tpu.dma_semaphore, #tpu.memory_space<semaphore_mem>>
    %dma_start3A_875 = tpu.memref_squeeze %dma_start3A_874 : memref<1x!tpu.dma_semaphore, #tpu.memory_space<semaphore_mem>> -> memref<!tpu.dma_semaphore, #tpu.memory_space<semaphore_mem>>
    %dma_start3A_876 = arith.constant 368 : i32
    %dma_start3A_877 = arith.constant 0 : i32
    %dma_start3A_878 = arith.constant 0 : i32
    %dma_start3A_879 = tpu.memref_slice %arg1[%dma_start3A_876, %dma_start3A_877, %dma_start3A_878] : memref<1024x1000x64xf32, #tpu.memory_space<any>> -> memref<16x1000x64xf32, #tpu.memory_space<any>>
    tpu.enqueue_dma source(%arg5 : memref<16x1000x64xf32, #tpu.memory_space<vmem>>) target(%dma_start3A_879 : memref<16x1000x64xf32, #tpu.memory_space<any>>) target_semaphore(%dma_start3A_875 : memref<!tpu.dma_semaphore, #tpu.memory_space<semaphore_mem>>)
    %dma_wait3A_880 = arith.constant 0 : i32
    %dma_wait3A_881 = tpu.memref_slice %arg6[%dma_wait3A_880] : memref<4x!tpu.dma_semaphore, #tpu.memory_space<semaphore_mem>> -> memref<1x!tpu.dma_semaphore, #tpu.memory_space<semaphore_mem>>
    %dma_wait3A_882 = tpu.memref_squeeze %dma_wait3A_881 : memref<1x!tpu.dma_semaphore, #tpu.memory_space<semaphore_mem>> -> memref<!tpu.dma_semaphore, #tpu.memory_space<semaphore_mem>>
    %dma_wait3A_883 = arith.constant 320 : i32
    %dma_wait3A_884 = arith.constant 0 : i32
    %dma_wait3A_885 = arith.constant 0 : i32
    %dma_wait3A_886 = tpu.memref_slice %arg1[%dma_wait3A_883, %dma_wait3A_884, %dma_wait3A_885] : memref<1024x1000x64xf32, #tpu.memory_space<any>> -> memref<16x1000x64xf32, #tpu.memory_space<any>>
    tpu.wait_dma2 semaphore(%dma_wait3A_882 : memref<!tpu.dma_semaphore, #tpu.memory_space<semaphore_mem>>) src(%arg2 : memref<16x1000x64xf32, #tpu.memory_space<vmem>>) dst(%dma_wait3A_886 : memref<16x1000x64xf32, #tpu.memory_space<any>>)
    %dma_start3A_887 = arith.constant 0 : i32
    %dma_start3A_888 = tpu.memref_slice %arg6[%dma_start3A_887] : memref<4x!tpu.dma_semaphore, #tpu.memory_space<semaphore_mem>> -> memref<1x!tpu.dma_semaphore, #tpu.memory_space<semaphore_mem>>
    %dma_start3A_889 = tpu.memref_squeeze %dma_start3A_888 : memref<1x!tpu.dma_semaphore, #tpu.memory_space<semaphore_mem>> -> memref<!tpu.dma_semaphore, #tpu.memory_space<semaphore_mem>>
    %dma_start3A_890 = arith.constant 384 : i32
    %dma_start3A_891 = arith.constant 0 : i32
    %dma_start3A_892 = arith.constant 0 : i32
    %dma_start3A_893 = tpu.memref_slice %arg1[%dma_start3A_890, %dma_start3A_891, %dma_start3A_892] : memref<1024x1000x64xf32, #tpu.memory_space<any>> -> memref<16x1000x64xf32, #tpu.memory_space<any>>
    tpu.enqueue_dma source(%arg2 : memref<16x1000x64xf32, #tpu.memory_space<vmem>>) target(%dma_start3A_893 : memref<16x1000x64xf32, #tpu.memory_space<any>>) target_semaphore(%dma_start3A_889 : memref<!tpu.dma_semaphore, #tpu.memory_space<semaphore_mem>>)
    %dma_wait3A_894 = arith.constant 1 : i32
    %dma_wait3A_895 = tpu.memref_slice %arg6[%dma_wait3A_894] : memref<4x!tpu.dma_semaphore, #tpu.memory_space<semaphore_mem>> -> memref<1x!tpu.dma_semaphore, #tpu.memory_space<semaphore_mem>>
    %dma_wait3A_896 = tpu.memref_squeeze %dma_wait3A_895 : memref<1x!tpu.dma_semaphore, #tpu.memory_space<semaphore_mem>> -> memref<!tpu.dma_semaphore, #tpu.memory_space<semaphore_mem>>
    %dma_wait3A_897 = arith.constant 336 : i32
    %dma_wait3A_898 = arith.constant 0 : i32
    %dma_wait3A_899 = arith.constant 0 : i32
    %dma_wait3A_900 = tpu.memref_slice %arg1[%dma_wait3A_897, %dma_wait3A_898, %dma_wait3A_899] : memref<1024x1000x64xf32, #tpu.memory_space<any>> -> memref<16x1000x64xf32, #tpu.memory_space<any>>
    tpu.wait_dma2 semaphore(%dma_wait3A_896 : memref<!tpu.dma_semaphore, #tpu.memory_space<semaphore_mem>>) src(%arg3 : memref<16x1000x64xf32, #tpu.memory_space<vmem>>) dst(%dma_wait3A_900 : memref<16x1000x64xf32, #tpu.memory_space<any>>)
    %dma_start3A_901 = arith.constant 1 : i32
    %dma_start3A_902 = tpu.memref_slice %arg6[%dma_start3A_901] : memref<4x!tpu.dma_semaphore, #tpu.memory_space<semaphore_mem>> -> memref<1x!tpu.dma_semaphore, #tpu.memory_space<semaphore_mem>>
    %dma_start3A_903 = tpu.memref_squeeze %dma_start3A_902 : memref<1x!tpu.dma_semaphore, #tpu.memory_space<semaphore_mem>> -> memref<!tpu.dma_semaphore, #tpu.memory_space<semaphore_mem>>
    %dma_start3A_904 = arith.constant 400 : i32
    %dma_start3A_905 = arith.constant 0 : i32
    %dma_start3A_906 = arith.constant 0 : i32
    %dma_start3A_907 = tpu.memref_slice %arg1[%dma_start3A_904, %dma_start3A_905, %dma_start3A_906] : memref<1024x1000x64xf32, #tpu.memory_space<any>> -> memref<16x1000x64xf32, #tpu.memory_space<any>>
    tpu.enqueue_dma source(%arg3 : memref<16x1000x64xf32, #tpu.memory_space<vmem>>) target(%dma_start3A_907 : memref<16x1000x64xf32, #tpu.memory_space<any>>) target_semaphore(%dma_start3A_903 : memref<!tpu.dma_semaphore, #tpu.memory_space<semaphore_mem>>)
    %dma_wait3A_908 = arith.constant 2 : i32
    %dma_wait3A_909 = tpu.memref_slice %arg6[%dma_wait3A_908] : memref<4x!tpu.dma_semaphore, #tpu.memory_space<semaphore_mem>> -> memref<1x!tpu.dma_semaphore, #tpu.memory_space<semaphore_mem>>
    %dma_wait3A_910 = tpu.memref_squeeze %dma_wait3A_909 : memref<1x!tpu.dma_semaphore, #tpu.memory_space<semaphore_mem>> -> memref<!tpu.dma_semaphore, #tpu.memory_space<semaphore_mem>>
    %dma_wait3A_911 = arith.constant 352 : i32
    %dma_wait3A_912 = arith.constant 0 : i32
    %dma_wait3A_913 = arith.constant 0 : i32
    %dma_wait3A_914 = tpu.memref_slice %arg1[%dma_wait3A_911, %dma_wait3A_912, %dma_wait3A_913] : memref<1024x1000x64xf32, #tpu.memory_space<any>> -> memref<16x1000x64xf32, #tpu.memory_space<any>>
    tpu.wait_dma2 semaphore(%dma_wait3A_910 : memref<!tpu.dma_semaphore, #tpu.memory_space<semaphore_mem>>) src(%arg4 : memref<16x1000x64xf32, #tpu.memory_space<vmem>>) dst(%dma_wait3A_914 : memref<16x1000x64xf32, #tpu.memory_space<any>>)
    %dma_start3A_915 = arith.constant 2 : i32
    %dma_start3A_916 = tpu.memref_slice %arg6[%dma_start3A_915] : memref<4x!tpu.dma_semaphore, #tpu.memory_space<semaphore_mem>> -> memref<1x!tpu.dma_semaphore, #tpu.memory_space<semaphore_mem>>
    %dma_start3A_917 = tpu.memref_squeeze %dma_start3A_916 : memref<1x!tpu.dma_semaphore, #tpu.memory_space<semaphore_mem>> -> memref<!tpu.dma_semaphore, #tpu.memory_space<semaphore_mem>>
    %dma_start3A_918 = arith.constant 416 : i32
    %dma_start3A_919 = arith.constant 0 : i32
    %dma_start3A_920 = arith.constant 0 : i32
    %dma_start3A_921 = tpu.memref_slice %arg1[%dma_start3A_918, %dma_start3A_919, %dma_start3A_920] : memref<1024x1000x64xf32, #tpu.memory_space<any>> -> memref<16x1000x64xf32, #tpu.memory_space<any>>
    tpu.enqueue_dma source(%arg4 : memref<16x1000x64xf32, #tpu.memory_space<vmem>>) target(%dma_start3A_921 : memref<16x1000x64xf32, #tpu.memory_space<any>>) target_semaphore(%dma_start3A_917 : memref<!tpu.dma_semaphore, #tpu.memory_space<semaphore_mem>>)
    %dma_wait3A_922 = arith.constant 3 : i32
    %dma_wait3A_923 = tpu.memref_slice %arg6[%dma_wait3A_922] : memref<4x!tpu.dma_semaphore, #tpu.memory_space<semaphore_mem>> -> memref<1x!tpu.dma_semaphore, #tpu.memory_space<semaphore_mem>>
    %dma_wait3A_924 = tpu.memref_squeeze %dma_wait3A_923 : memref<1x!tpu.dma_semaphore, #tpu.memory_space<semaphore_mem>> -> memref<!tpu.dma_semaphore, #tpu.memory_space<semaphore_mem>>
    %dma_wait3A_925 = arith.constant 368 : i32
    %dma_wait3A_926 = arith.constant 0 : i32
    %dma_wait3A_927 = arith.constant 0 : i32
    %dma_wait3A_928 = tpu.memref_slice %arg1[%dma_wait3A_925, %dma_wait3A_926, %dma_wait3A_927] : memref<1024x1000x64xf32, #tpu.memory_space<any>> -> memref<16x1000x64xf32, #tpu.memory_space<any>>
    tpu.wait_dma2 semaphore(%dma_wait3A_924 : memref<!tpu.dma_semaphore, #tpu.memory_space<semaphore_mem>>) src(%arg5 : memref<16x1000x64xf32, #tpu.memory_space<vmem>>) dst(%dma_wait3A_928 : memref<16x1000x64xf32, #tpu.memory_space<any>>)
    %dma_start3A_929 = arith.constant 3 : i32
    %dma_start3A_930 = tpu.memref_slice %arg6[%dma_start3A_929] : memref<4x!tpu.dma_semaphore, #tpu.memory_space<semaphore_mem>> -> memref<1x!tpu.dma_semaphore, #tpu.memory_space<semaphore_mem>>
    %dma_start3A_931 = tpu.memref_squeeze %dma_start3A_930 : memref<1x!tpu.dma_semaphore, #tpu.memory_space<semaphore_mem>> -> memref<!tpu.dma_semaphore, #tpu.memory_space<semaphore_mem>>
    %dma_start3A_932 = arith.constant 432 : i32
    %dma_start3A_933 = arith.constant 0 : i32
    %dma_start3A_934 = arith.constant 0 : i32
    %dma_start3A_935 = tpu.memref_slice %arg1[%dma_start3A_932, %dma_start3A_933, %dma_start3A_934] : memref<1024x1000x64xf32, #tpu.memory_space<any>> -> memref<16x1000x64xf32, #tpu.memory_space<any>>
    tpu.enqueue_dma source(%arg5 : memref<16x1000x64xf32, #tpu.memory_space<vmem>>) target(%dma_start3A_935 : memref<16x1000x64xf32, #tpu.memory_space<any>>) target_semaphore(%dma_start3A_931 : memref<!tpu.dma_semaphore, #tpu.memory_space<semaphore_mem>>)
    %dma_wait3A_936 = arith.constant 0 : i32
    %dma_wait3A_937 = tpu.memref_slice %arg6[%dma_wait3A_936] : memref<4x!tpu.dma_semaphore, #tpu.memory_space<semaphore_mem>> -> memref<1x!tpu.dma_semaphore, #tpu.memory_space<semaphore_mem>>
    %dma_wait3A_938 = tpu.memref_squeeze %dma_wait3A_937 : memref<1x!tpu.dma_semaphore, #tpu.memory_space<semaphore_mem>> -> memref<!tpu.dma_semaphore, #tpu.memory_space<semaphore_mem>>
    %dma_wait3A_939 = arith.constant 384 : i32
    %dma_wait3A_940 = arith.constant 0 : i32
    %dma_wait3A_941 = arith.constant 0 : i32
    %dma_wait3A_942 = tpu.memref_slice %arg1[%dma_wait3A_939, %dma_wait3A_940, %dma_wait3A_941] : memref<1024x1000x64xf32, #tpu.memory_space<any>> -> memref<16x1000x64xf32, #tpu.memory_space<any>>
    tpu.wait_dma2 semaphore(%dma_wait3A_938 : memref<!tpu.dma_semaphore, #tpu.memory_space<semaphore_mem>>) src(%arg2 : memref<16x1000x64xf32, #tpu.memory_space<vmem>>) dst(%dma_wait3A_942 : memref<16x1000x64xf32, #tpu.memory_space<any>>)
    %dma_start3A_943 = arith.constant 0 : i32
    %dma_start3A_944 = tpu.memref_slice %arg6[%dma_start3A_943] : memref<4x!tpu.dma_semaphore, #tpu.memory_space<semaphore_mem>> -> memref<1x!tpu.dma_semaphore, #tpu.memory_space<semaphore_mem>>
    %dma_start3A_945 = tpu.memref_squeeze %dma_start3A_944 : memref<1x!tpu.dma_semaphore, #tpu.memory_space<semaphore_mem>> -> memref<!tpu.dma_semaphore, #tpu.memory_space<semaphore_mem>>
    %dma_start3A_946 = arith.constant 448 : i32
    %dma_start3A_947 = arith.constant 0 : i32
    %dma_start3A_948 = arith.constant 0 : i32
    %dma_start3A_949 = tpu.memref_slice %arg1[%dma_start3A_946, %dma_start3A_947, %dma_start3A_948] : memref<1024x1000x64xf32, #tpu.memory_space<any>> -> memref<16x1000x64xf32, #tpu.memory_space<any>>
    tpu.enqueue_dma source(%arg2 : memref<16x1000x64xf32, #tpu.memory_space<vmem>>) target(%dma_start3A_949 : memref<16x1000x64xf32, #tpu.memory_space<any>>) target_semaphore(%dma_start3A_945 : memref<!tpu.dma_semaphore, #tpu.memory_space<semaphore_mem>>)
    %dma_wait3A_950 = arith.constant 1 : i32
    %dma_wait3A_951 = tpu.memref_slice %arg6[%dma_wait3A_950] : memref<4x!tpu.dma_semaphore, #tpu.memory_space<semaphore_mem>> -> memref<1x!tpu.dma_semaphore, #tpu.memory_space<semaphore_mem>>
    %dma_wait3A_952 = tpu.memref_squeeze %dma_wait3A_951 : memref<1x!tpu.dma_semaphore, #tpu.memory_space<semaphore_mem>> -> memref<!tpu.dma_semaphore, #tpu.memory_space<semaphore_mem>>
    %dma_wait3A_953 = arith.constant 400 : i32
    %dma_wait3A_954 = arith.constant 0 : i32
    %dma_wait3A_955 = arith.constant 0 : i32
    %dma_wait3A_956 = tpu.memref_slice %arg1[%dma_wait3A_953, %dma_wait3A_954, %dma_wait3A_955] : memref<1024x1000x64xf32, #tpu.memory_space<any>> -> memref<16x1000x64xf32, #tpu.memory_space<any>>
    tpu.wait_dma2 semaphore(%dma_wait3A_952 : memref<!tpu.dma_semaphore, #tpu.memory_space<semaphore_mem>>) src(%arg3 : memref<16x1000x64xf32, #tpu.memory_space<vmem>>) dst(%dma_wait3A_956 : memref<16x1000x64xf32, #tpu.memory_space<any>>)
    %dma_start3A_957 = arith.constant 1 : i32
    %dma_start3A_958 = tpu.memref_slice %arg6[%dma_start3A_957] : memref<4x!tpu.dma_semaphore, #tpu.memory_space<semaphore_mem>> -> memref<1x!tpu.dma_semaphore, #tpu.memory_space<semaphore_mem>>
    %dma_start3A_959 = tpu.memref_squeeze %dma_start3A_958 : memref<1x!tpu.dma_semaphore, #tpu.memory_space<semaphore_mem>> -> memref<!tpu.dma_semaphore, #tpu.memory_space<semaphore_mem>>
    %dma_start3A_960 = arith.constant 464 : i32
    %dma_start3A_961 = arith.constant 0 : i32
    %dma_start3A_962 = arith.constant 0 : i32
    %dma_start3A_963 = tpu.memref_slice %arg1[%dma_start3A_960, %dma_start3A_961, %dma_start3A_962] : memref<1024x1000x64xf32, #tpu.memory_space<any>> -> memref<16x1000x64xf32, #tpu.memory_space<any>>
    tpu.enqueue_dma source(%arg3 : memref<16x1000x64xf32, #tpu.memory_space<vmem>>) target(%dma_start3A_963 : memref<16x1000x64xf32, #tpu.memory_space<any>>) target_semaphore(%dma_start3A_959 : memref<!tpu.dma_semaphore, #tpu.memory_space<semaphore_mem>>)
    %dma_wait3A_964 = arith.constant 2 : i32
    %dma_wait3A_965 = tpu.memref_slice %arg6[%dma_wait3A_964] : memref<4x!tpu.dma_semaphore, #tpu.memory_space<semaphore_mem>> -> memref<1x!tpu.dma_semaphore, #tpu.memory_space<semaphore_mem>>
    %dma_wait3A_966 = tpu.memref_squeeze %dma_wait3A_965 : memref<1x!tpu.dma_semaphore, #tpu.memory_space<semaphore_mem>> -> memref<!tpu.dma_semaphore, #tpu.memory_space<semaphore_mem>>
    %dma_wait3A_967 = arith.constant 416 : i32
    %dma_wait3A_968 = arith.constant 0 : i32
    %dma_wait3A_969 = arith.constant 0 : i32
    %dma_wait3A_970 = tpu.memref_slice %arg1[%dma_wait3A_967, %dma_wait3A_968, %dma_wait3A_969] : memref<1024x1000x64xf32, #tpu.memory_space<any>> -> memref<16x1000x64xf32, #tpu.memory_space<any>>
    tpu.wait_dma2 semaphore(%dma_wait3A_966 : memref<!tpu.dma_semaphore, #tpu.memory_space<semaphore_mem>>) src(%arg4 : memref<16x1000x64xf32, #tpu.memory_space<vmem>>) dst(%dma_wait3A_970 : memref<16x1000x64xf32, #tpu.memory_space<any>>)
    %dma_start3A_971 = arith.constant 2 : i32
    %dma_start3A_972 = tpu.memref_slice %arg6[%dma_start3A_971] : memref<4x!tpu.dma_semaphore, #tpu.memory_space<semaphore_mem>> -> memref<1x!tpu.dma_semaphore, #tpu.memory_space<semaphore_mem>>
    %dma_start3A_973 = tpu.memref_squeeze %dma_start3A_972 : memref<1x!tpu.dma_semaphore, #tpu.memory_space<semaphore_mem>> -> memref<!tpu.dma_semaphore, #tpu.memory_space<semaphore_mem>>
    %dma_start3A_974 = arith.constant 480 : i32
    %dma_start3A_975 = arith.constant 0 : i32
    %dma_start3A_976 = arith.constant 0 : i32
    %dma_start3A_977 = tpu.memref_slice %arg1[%dma_start3A_974, %dma_start3A_975, %dma_start3A_976] : memref<1024x1000x64xf32, #tpu.memory_space<any>> -> memref<16x1000x64xf32, #tpu.memory_space<any>>
    tpu.enqueue_dma source(%arg4 : memref<16x1000x64xf32, #tpu.memory_space<vmem>>) target(%dma_start3A_977 : memref<16x1000x64xf32, #tpu.memory_space<any>>) target_semaphore(%dma_start3A_973 : memref<!tpu.dma_semaphore, #tpu.memory_space<semaphore_mem>>)
    %dma_wait3A_978 = arith.constant 3 : i32
    %dma_wait3A_979 = tpu.memref_slice %arg6[%dma_wait3A_978] : memref<4x!tpu.dma_semaphore, #tpu.memory_space<semaphore_mem>> -> memref<1x!tpu.dma_semaphore, #tpu.memory_space<semaphore_mem>>
    %dma_wait3A_980 = tpu.memref_squeeze %dma_wait3A_979 : memref<1x!tpu.dma_semaphore, #tpu.memory_space<semaphore_mem>> -> memref<!tpu.dma_semaphore, #tpu.memory_space<semaphore_mem>>
    %dma_wait3A_981 = arith.constant 432 : i32
    %dma_wait3A_982 = arith.constant 0 : i32
    %dma_wait3A_983 = arith.constant 0 : i32
    %dma_wait3A_984 = tpu.memref_slice %arg1[%dma_wait3A_981, %dma_wait3A_982, %dma_wait3A_983] : memref<1024x1000x64xf32, #tpu.memory_space<any>> -> memref<16x1000x64xf32, #tpu.memory_space<any>>
    tpu.wait_dma2 semaphore(%dma_wait3A_980 : memref<!tpu.dma_semaphore, #tpu.memory_space<semaphore_mem>>) src(%arg5 : memref<16x1000x64xf32, #tpu.memory_space<vmem>>) dst(%dma_wait3A_984 : memref<16x1000x64xf32, #tpu.memory_space<any>>)
    %dma_start3A_985 = arith.constant 3 : i32
    %dma_start3A_986 = tpu.memref_slice %arg6[%dma_start3A_985] : memref<4x!tpu.dma_semaphore, #tpu.memory_space<semaphore_mem>> -> memref<1x!tpu.dma_semaphore, #tpu.memory_space<semaphore_mem>>
    %dma_start3A_987 = tpu.memref_squeeze %dma_start3A_986 : memref<1x!tpu.dma_semaphore, #tpu.memory_space<semaphore_mem>> -> memref<!tpu.dma_semaphore, #tpu.memory_space<semaphore_mem>>
    %dma_start3A_988 = arith.constant 496 : i32
    %dma_start3A_989 = arith.constant 0 : i32
    %dma_start3A_990 = arith.constant 0 : i32
    %dma_start3A_991 = tpu.memref_slice %arg1[%dma_start3A_988, %dma_start3A_989, %dma_start3A_990] : memref<1024x1000x64xf32, #tpu.memory_space<any>> -> memref<16x1000x64xf32, #tpu.memory_space<any>>
    tpu.enqueue_dma source(%arg5 : memref<16x1000x64xf32, #tpu.memory_space<vmem>>) target(%dma_start3A_991 : memref<16x1000x64xf32, #tpu.memory_space<any>>) target_semaphore(%dma_start3A_987 : memref<!tpu.dma_semaphore, #tpu.memory_space<semaphore_mem>>)
    %dma_wait3A_992 = arith.constant 0 : i32
    %dma_wait3A_993 = tpu.memref_slice %arg6[%dma_wait3A_992] : memref<4x!tpu.dma_semaphore, #tpu.memory_space<semaphore_mem>> -> memref<1x!tpu.dma_semaphore, #tpu.memory_space<semaphore_mem>>
    %dma_wait3A_994 = tpu.memref_squeeze %dma_wait3A_993 : memref<1x!tpu.dma_semaphore, #tpu.memory_space<semaphore_mem>> -> memref<!tpu.dma_semaphore, #tpu.memory_space<semaphore_mem>>
    %dma_wait3A_995 = arith.constant 448 : i32
    %dma_wait3A_996 = arith.constant 0 : i32
    %dma_wait3A_997 = arith.constant 0 : i32
    %dma_wait3A_998 = tpu.memref_slice %arg1[%dma_wait3A_995, %dma_wait3A_996, %dma_wait3A_997] : memref<1024x1000x64xf32, #tpu.memory_space<any>> -> memref<16x1000x64xf32, #tpu.memory_space<any>>
    tpu.wait_dma2 semaphore(%dma_wait3A_994 : memref<!tpu.dma_semaphore, #tpu.memory_space<semaphore_mem>>) src(%arg2 : memref<16x1000x64xf32, #tpu.memory_space<vmem>>) dst(%dma_wait3A_998 : memref<16x1000x64xf32, #tpu.memory_space<any>>)
    %dma_start3A_999 = arith.constant 0 : i32
    %dma_start3A_1000 = tpu.memref_slice %arg6[%dma_start3A_999] : memref<4x!tpu.dma_semaphore, #tpu.memory_space<semaphore_mem>> -> memref<1x!tpu.dma_semaphore, #tpu.memory_space<semaphore_mem>>
    %dma_start3A_1001 = tpu.memref_squeeze %dma_start3A_1000 : memref<1x!tpu.dma_semaphore, #tpu.memory_space<semaphore_mem>> -> memref<!tpu.dma_semaphore, #tpu.memory_space<semaphore_mem>>
    %dma_start3A_1002 = arith.constant 512 : i32
    %dma_start3A_1003 = arith.constant 0 : i32
    %dma_start3A_1004 = arith.constant 0 : i32
    %dma_start3A_1005 = tpu.memref_slice %arg1[%dma_start3A_1002, %dma_start3A_1003, %dma_start3A_1004] : memref<1024x1000x64xf32, #tpu.memory_space<any>> -> memref<16x1000x64xf32, #tpu.memory_space<any>>
    tpu.enqueue_dma source(%arg2 : memref<16x1000x64xf32, #tpu.memory_space<vmem>>) target(%dma_start3A_1005 : memref<16x1000x64xf32, #tpu.memory_space<any>>) target_semaphore(%dma_start3A_1001 : memref<!tpu.dma_semaphore, #tpu.memory_space<semaphore_mem>>)
    %dma_wait3A_1006 = arith.constant 1 : i32
    %dma_wait3A_1007 = tpu.memref_slice %arg6[%dma_wait3A_1006] : memref<4x!tpu.dma_semaphore, #tpu.memory_space<semaphore_mem>> -> memref<1x!tpu.dma_semaphore, #tpu.memory_space<semaphore_mem>>
    %dma_wait3A_1008 = tpu.memref_squeeze %dma_wait3A_1007 : memref<1x!tpu.dma_semaphore, #tpu.memory_space<semaphore_mem>> -> memref<!tpu.dma_semaphore, #tpu.memory_space<semaphore_mem>>
    %dma_wait3A_1009 = arith.constant 464 : i32
    %dma_wait3A_1010 = arith.constant 0 : i32
    %dma_wait3A_1011 = arith.constant 0 : i32
    %dma_wait3A_1012 = tpu.memref_slice %arg1[%dma_wait3A_1009, %dma_wait3A_1010, %dma_wait3A_1011] : memref<1024x1000x64xf32, #tpu.memory_space<any>> -> memref<16x1000x64xf32, #tpu.memory_space<any>>
    tpu.wait_dma2 semaphore(%dma_wait3A_1008 : memref<!tpu.dma_semaphore, #tpu.memory_space<semaphore_mem>>) src(%arg3 : memref<16x1000x64xf32, #tpu.memory_space<vmem>>) dst(%dma_wait3A_1012 : memref<16x1000x64xf32, #tpu.memory_space<any>>)
    %dma_start3A_1013 = arith.constant 1 : i32
    %dma_start3A_1014 = tpu.memref_slice %arg6[%dma_start3A_1013] : memref<4x!tpu.dma_semaphore, #tpu.memory_space<semaphore_mem>> -> memref<1x!tpu.dma_semaphore, #tpu.memory_space<semaphore_mem>>
    %dma_start3A_1015 = tpu.memref_squeeze %dma_start3A_1014 : memref<1x!tpu.dma_semaphore, #tpu.memory_space<semaphore_mem>> -> memref<!tpu.dma_semaphore, #tpu.memory_space<semaphore_mem>>
    %dma_start3A_1016 = arith.constant 528 : i32
    %dma_start3A_1017 = arith.constant 0 : i32
    %dma_start3A_1018 = arith.constant 0 : i32
    %dma_start3A_1019 = tpu.memref_slice %arg1[%dma_start3A_1016, %dma_start3A_1017, %dma_start3A_1018] : memref<1024x1000x64xf32, #tpu.memory_space<any>> -> memref<16x1000x64xf32, #tpu.memory_space<any>>
    tpu.enqueue_dma source(%arg3 : memref<16x1000x64xf32, #tpu.memory_space<vmem>>) target(%dma_start3A_1019 : memref<16x1000x64xf32, #tpu.memory_space<any>>) target_semaphore(%dma_start3A_1015 : memref<!tpu.dma_semaphore, #tpu.memory_space<semaphore_mem>>)
    %dma_wait3A_1020 = arith.constant 2 : i32
    %dma_wait3A_1021 = tpu.memref_slice %arg6[%dma_wait3A_1020] : memref<4x!tpu.dma_semaphore, #tpu.memory_space<semaphore_mem>> -> memref<1x!tpu.dma_semaphore, #tpu.memory_space<semaphore_mem>>
    %dma_wait3A_1022 = tpu.memref_squeeze %dma_wait3A_1021 : memref<1x!tpu.dma_semaphore, #tpu.memory_space<semaphore_mem>> -> memref<!tpu.dma_semaphore, #tpu.memory_space<semaphore_mem>>
    %dma_wait3A_1023 = arith.constant 480 : i32
    %dma_wait3A_1024 = arith.constant 0 : i32
    %dma_wait3A_1025 = arith.constant 0 : i32
    %dma_wait3A_1026 = tpu.memref_slice %arg1[%dma_wait3A_1023, %dma_wait3A_1024, %dma_wait3A_1025] : memref<1024x1000x64xf32, #tpu.memory_space<any>> -> memref<16x1000x64xf32, #tpu.memory_space<any>>
    tpu.wait_dma2 semaphore(%dma_wait3A_1022 : memref<!tpu.dma_semaphore, #tpu.memory_space<semaphore_mem>>) src(%arg4 : memref<16x1000x64xf32, #tpu.memory_space<vmem>>) dst(%dma_wait3A_1026 : memref<16x1000x64xf32, #tpu.memory_space<any>>)
    %dma_start3A_1027 = arith.constant 2 : i32
    %dma_start3A_1028 = tpu.memref_slice %arg6[%dma_start3A_1027] : memref<4x!tpu.dma_semaphore, #tpu.memory_space<semaphore_mem>> -> memref<1x!tpu.dma_semaphore, #tpu.memory_space<semaphore_mem>>
    %dma_start3A_1029 = tpu.memref_squeeze %dma_start3A_1028 : memref<1x!tpu.dma_semaphore, #tpu.memory_space<semaphore_mem>> -> memref<!tpu.dma_semaphore, #tpu.memory_space<semaphore_mem>>
    %dma_start3A_1030 = arith.constant 544 : i32
    %dma_start3A_1031 = arith.constant 0 : i32
    %dma_start3A_1032 = arith.constant 0 : i32
    %dma_start3A_1033 = tpu.memref_slice %arg1[%dma_start3A_1030, %dma_start3A_1031, %dma_start3A_1032] : memref<1024x1000x64xf32, #tpu.memory_space<any>> -> memref<16x1000x64xf32, #tpu.memory_space<any>>
    tpu.enqueue_dma source(%arg4 : memref<16x1000x64xf32, #tpu.memory_space<vmem>>) target(%dma_start3A_1033 : memref<16x1000x64xf32, #tpu.memory_space<any>>) target_semaphore(%dma_start3A_1029 : memref<!tpu.dma_semaphore, #tpu.memory_space<semaphore_mem>>)
    %dma_wait3A_1034 = arith.constant 3 : i32
    %dma_wait3A_1035 = tpu.memref_slice %arg6[%dma_wait3A_1034] : memref<4x!tpu.dma_semaphore, #tpu.memory_space<semaphore_mem>> -> memref<1x!tpu.dma_semaphore, #tpu.memory_space<semaphore_mem>>
    %dma_wait3A_1036 = tpu.memref_squeeze %dma_wait3A_1035 : memref<1x!tpu.dma_semaphore, #tpu.memory_space<semaphore_mem>> -> memref<!tpu.dma_semaphore, #tpu.memory_space<semaphore_mem>>
    %dma_wait3A_1037 = arith.constant 496 : i32
    %dma_wait3A_1038 = arith.constant 0 : i32
    %dma_wait3A_1039 = arith.constant 0 : i32
    %dma_wait3A_1040 = tpu.memref_slice %arg1[%dma_wait3A_1037, %dma_wait3A_1038, %dma_wait3A_1039] : memref<1024x1000x64xf32, #tpu.memory_space<any>> -> memref<16x1000x64xf32, #tpu.memory_space<any>>
    tpu.wait_dma2 semaphore(%dma_wait3A_1036 : memref<!tpu.dma_semaphore, #tpu.memory_space<semaphore_mem>>) src(%arg5 : memref<16x1000x64xf32, #tpu.memory_space<vmem>>) dst(%dma_wait3A_1040 : memref<16x1000x64xf32, #tpu.memory_space<any>>)
    %dma_start3A_1041 = arith.constant 3 : i32
    %dma_start3A_1042 = tpu.memref_slice %arg6[%dma_start3A_1041] : memref<4x!tpu.dma_semaphore, #tpu.memory_space<semaphore_mem>> -> memref<1x!tpu.dma_semaphore, #tpu.memory_space<semaphore_mem>>
    %dma_start3A_1043 = tpu.memref_squeeze %dma_start3A_1042 : memref<1x!tpu.dma_semaphore, #tpu.memory_space<semaphore_mem>> -> memref<!tpu.dma_semaphore, #tpu.memory_space<semaphore_mem>>
    %dma_start3A_1044 = arith.constant 560 : i32
    %dma_start3A_1045 = arith.constant 0 : i32
    %dma_start3A_1046 = arith.constant 0 : i32
    %dma_start3A_1047 = tpu.memref_slice %arg1[%dma_start3A_1044, %dma_start3A_1045, %dma_start3A_1046] : memref<1024x1000x64xf32, #tpu.memory_space<any>> -> memref<16x1000x64xf32, #tpu.memory_space<any>>
    tpu.enqueue_dma source(%arg5 : memref<16x1000x64xf32, #tpu.memory_space<vmem>>) target(%dma_start3A_1047 : memref<16x1000x64xf32, #tpu.memory_space<any>>) target_semaphore(%dma_start3A_1043 : memref<!tpu.dma_semaphore, #tpu.memory_space<semaphore_mem>>)
    %dma_wait3A_1048 = arith.constant 0 : i32
    %dma_wait3A_1049 = tpu.memref_slice %arg6[%dma_wait3A_1048] : memref<4x!tpu.dma_semaphore, #tpu.memory_space<semaphore_mem>> -> memref<1x!tpu.dma_semaphore, #tpu.memory_space<semaphore_mem>>
    %dma_wait3A_1050 = tpu.memref_squeeze %dma_wait3A_1049 : memref<1x!tpu.dma_semaphore, #tpu.memory_space<semaphore_mem>> -> memref<!tpu.dma_semaphore, #tpu.memory_space<semaphore_mem>>
    %dma_wait3A_1051 = arith.constant 512 : i32
    %dma_wait3A_1052 = arith.constant 0 : i32
    %dma_wait3A_1053 = arith.constant 0 : i32
    %dma_wait3A_1054 = tpu.memref_slice %arg1[%dma_wait3A_1051, %dma_wait3A_1052, %dma_wait3A_1053] : memref<1024x1000x64xf32, #tpu.memory_space<any>> -> memref<16x1000x64xf32, #tpu.memory_space<any>>
    tpu.wait_dma2 semaphore(%dma_wait3A_1050 : memref<!tpu.dma_semaphore, #tpu.memory_space<semaphore_mem>>) src(%arg2 : memref<16x1000x64xf32, #tpu.memory_space<vmem>>) dst(%dma_wait3A_1054 : memref<16x1000x64xf32, #tpu.memory_space<any>>)
    %dma_start3A_1055 = arith.constant 0 : i32
    %dma_start3A_1056 = tpu.memref_slice %arg6[%dma_start3A_1055] : memref<4x!tpu.dma_semaphore, #tpu.memory_space<semaphore_mem>> -> memref<1x!tpu.dma_semaphore, #tpu.memory_space<semaphore_mem>>
    %dma_start3A_1057 = tpu.memref_squeeze %dma_start3A_1056 : memref<1x!tpu.dma_semaphore, #tpu.memory_space<semaphore_mem>> -> memref<!tpu.dma_semaphore, #tpu.memory_space<semaphore_mem>>
    %dma_start3A_1058 = arith.constant 576 : i32
    %dma_start3A_1059 = arith.constant 0 : i32
    %dma_start3A_1060 = arith.constant 0 : i32
    %dma_start3A_1061 = tpu.memref_slice %arg1[%dma_start3A_1058, %dma_start3A_1059, %dma_start3A_1060] : memref<1024x1000x64xf32, #tpu.memory_space<any>> -> memref<16x1000x64xf32, #tpu.memory_space<any>>
    tpu.enqueue_dma source(%arg2 : memref<16x1000x64xf32, #tpu.memory_space<vmem>>) target(%dma_start3A_1061 : memref<16x1000x64xf32, #tpu.memory_space<any>>) target_semaphore(%dma_start3A_1057 : memref<!tpu.dma_semaphore, #tpu.memory_space<semaphore_mem>>)
    %dma_wait3A_1062 = arith.constant 1 : i32
    %dma_wait3A_1063 = tpu.memref_slice %arg6[%dma_wait3A_1062] : memref<4x!tpu.dma_semaphore, #tpu.memory_space<semaphore_mem>> -> memref<1x!tpu.dma_semaphore, #tpu.memory_space<semaphore_mem>>
    %dma_wait3A_1064 = tpu.memref_squeeze %dma_wait3A_1063 : memref<1x!tpu.dma_semaphore, #tpu.memory_space<semaphore_mem>> -> memref<!tpu.dma_semaphore, #tpu.memory_space<semaphore_mem>>
    %dma_wait3A_1065 = arith.constant 528 : i32
    %dma_wait3A_1066 = arith.constant 0 : i32
    %dma_wait3A_1067 = arith.constant 0 : i32
    %dma_wait3A_1068 = tpu.memref_slice %arg1[%dma_wait3A_1065, %dma_wait3A_1066, %dma_wait3A_1067] : memref<1024x1000x64xf32, #tpu.memory_space<any>> -> memref<16x1000x64xf32, #tpu.memory_space<any>>
    tpu.wait_dma2 semaphore(%dma_wait3A_1064 : memref<!tpu.dma_semaphore, #tpu.memory_space<semaphore_mem>>) src(%arg3 : memref<16x1000x64xf32, #tpu.memory_space<vmem>>) dst(%dma_wait3A_1068 : memref<16x1000x64xf32, #tpu.memory_space<any>>)
    %dma_start3A_1069 = arith.constant 1 : i32
    %dma_start3A_1070 = tpu.memref_slice %arg6[%dma_start3A_1069] : memref<4x!tpu.dma_semaphore, #tpu.memory_space<semaphore_mem>> -> memref<1x!tpu.dma_semaphore, #tpu.memory_space<semaphore_mem>>
    %dma_start3A_1071 = tpu.memref_squeeze %dma_start3A_1070 : memref<1x!tpu.dma_semaphore, #tpu.memory_space<semaphore_mem>> -> memref<!tpu.dma_semaphore, #tpu.memory_space<semaphore_mem>>
    %dma_start3A_1072 = arith.constant 592 : i32
    %dma_start3A_1073 = arith.constant 0 : i32
    %dma_start3A_1074 = arith.constant 0 : i32
    %dma_start3A_1075 = tpu.memref_slice %arg1[%dma_start3A_1072, %dma_start3A_1073, %dma_start3A_1074] : memref<1024x1000x64xf32, #tpu.memory_space<any>> -> memref<16x1000x64xf32, #tpu.memory_space<any>>
    tpu.enqueue_dma source(%arg3 : memref<16x1000x64xf32, #tpu.memory_space<vmem>>) target(%dma_start3A_1075 : memref<16x1000x64xf32, #tpu.memory_space<any>>) target_semaphore(%dma_start3A_1071 : memref<!tpu.dma_semaphore, #tpu.memory_space<semaphore_mem>>)
    %dma_wait3A_1076 = arith.constant 2 : i32
    %dma_wait3A_1077 = tpu.memref_slice %arg6[%dma_wait3A_1076] : memref<4x!tpu.dma_semaphore, #tpu.memory_space<semaphore_mem>> -> memref<1x!tpu.dma_semaphore, #tpu.memory_space<semaphore_mem>>
    %dma_wait3A_1078 = tpu.memref_squeeze %dma_wait3A_1077 : memref<1x!tpu.dma_semaphore, #tpu.memory_space<semaphore_mem>> -> memref<!tpu.dma_semaphore, #tpu.memory_space<semaphore_mem>>
    %dma_wait3A_1079 = arith.constant 544 : i32
    %dma_wait3A_1080 = arith.constant 0 : i32
    %dma_wait3A_1081 = arith.constant 0 : i32
    %dma_wait3A_1082 = tpu.memref_slice %arg1[%dma_wait3A_1079, %dma_wait3A_1080, %dma_wait3A_1081] : memref<1024x1000x64xf32, #tpu.memory_space<any>> -> memref<16x1000x64xf32, #tpu.memory_space<any>>
    tpu.wait_dma2 semaphore(%dma_wait3A_1078 : memref<!tpu.dma_semaphore, #tpu.memory_space<semaphore_mem>>) src(%arg4 : memref<16x1000x64xf32, #tpu.memory_space<vmem>>) dst(%dma_wait3A_1082 : memref<16x1000x64xf32, #tpu.memory_space<any>>)
    %dma_start3A_1083 = arith.constant 2 : i32
    %dma_start3A_1084 = tpu.memref_slice %arg6[%dma_start3A_1083] : memref<4x!tpu.dma_semaphore, #tpu.memory_space<semaphore_mem>> -> memref<1x!tpu.dma_semaphore, #tpu.memory_space<semaphore_mem>>
    %dma_start3A_1085 = tpu.memref_squeeze %dma_start3A_1084 : memref<1x!tpu.dma_semaphore, #tpu.memory_space<semaphore_mem>> -> memref<!tpu.dma_semaphore, #tpu.memory_space<semaphore_mem>>
    %dma_start3A_1086 = arith.constant 608 : i32
    %dma_start3A_1087 = arith.constant 0 : i32
    %dma_start3A_1088 = arith.constant 0 : i32
    %dma_start3A_1089 = tpu.memref_slice %arg1[%dma_start3A_1086, %dma_start3A_1087, %dma_start3A_1088] : memref<1024x1000x64xf32, #tpu.memory_space<any>> -> memref<16x1000x64xf32, #tpu.memory_space<any>>
    tpu.enqueue_dma source(%arg4 : memref<16x1000x64xf32, #tpu.memory_space<vmem>>) target(%dma_start3A_1089 : memref<16x1000x64xf32, #tpu.memory_space<any>>) target_semaphore(%dma_start3A_1085 : memref<!tpu.dma_semaphore, #tpu.memory_space<semaphore_mem>>)
    %dma_wait3A_1090 = arith.constant 3 : i32
    %dma_wait3A_1091 = tpu.memref_slice %arg6[%dma_wait3A_1090] : memref<4x!tpu.dma_semaphore, #tpu.memory_space<semaphore_mem>> -> memref<1x!tpu.dma_semaphore, #tpu.memory_space<semaphore_mem>>
    %dma_wait3A_1092 = tpu.memref_squeeze %dma_wait3A_1091 : memref<1x!tpu.dma_semaphore, #tpu.memory_space<semaphore_mem>> -> memref<!tpu.dma_semaphore, #tpu.memory_space<semaphore_mem>>
    %dma_wait3A_1093 = arith.constant 560 : i32
    %dma_wait3A_1094 = arith.constant 0 : i32
    %dma_wait3A_1095 = arith.constant 0 : i32
    %dma_wait3A_1096 = tpu.memref_slice %arg1[%dma_wait3A_1093, %dma_wait3A_1094, %dma_wait3A_1095] : memref<1024x1000x64xf32, #tpu.memory_space<any>> -> memref<16x1000x64xf32, #tpu.memory_space<any>>
    tpu.wait_dma2 semaphore(%dma_wait3A_1092 : memref<!tpu.dma_semaphore, #tpu.memory_space<semaphore_mem>>) src(%arg5 : memref<16x1000x64xf32, #tpu.memory_space<vmem>>) dst(%dma_wait3A_1096 : memref<16x1000x64xf32, #tpu.memory_space<any>>)
    %dma_start3A_1097 = arith.constant 3 : i32
    %dma_start3A_1098 = tpu.memref_slice %arg6[%dma_start3A_1097] : memref<4x!tpu.dma_semaphore, #tpu.memory_space<semaphore_mem>> -> memref<1x!tpu.dma_semaphore, #tpu.memory_space<semaphore_mem>>
    %dma_start3A_1099 = tpu.memref_squeeze %dma_start3A_1098 : memref<1x!tpu.dma_semaphore, #tpu.memory_space<semaphore_mem>> -> memref<!tpu.dma_semaphore, #tpu.memory_space<semaphore_mem>>
    %dma_start3A_1100 = arith.constant 624 : i32
    %dma_start3A_1101 = arith.constant 0 : i32
    %dma_start3A_1102 = arith.constant 0 : i32
    %dma_start3A_1103 = tpu.memref_slice %arg1[%dma_start3A_1100, %dma_start3A_1101, %dma_start3A_1102] : memref<1024x1000x64xf32, #tpu.memory_space<any>> -> memref<16x1000x64xf32, #tpu.memory_space<any>>
    tpu.enqueue_dma source(%arg5 : memref<16x1000x64xf32, #tpu.memory_space<vmem>>) target(%dma_start3A_1103 : memref<16x1000x64xf32, #tpu.memory_space<any>>) target_semaphore(%dma_start3A_1099 : memref<!tpu.dma_semaphore, #tpu.memory_space<semaphore_mem>>)
    %dma_wait3A_1104 = arith.constant 0 : i32
    %dma_wait3A_1105 = tpu.memref_slice %arg6[%dma_wait3A_1104] : memref<4x!tpu.dma_semaphore, #tpu.memory_space<semaphore_mem>> -> memref<1x!tpu.dma_semaphore, #tpu.memory_space<semaphore_mem>>
    %dma_wait3A_1106 = tpu.memref_squeeze %dma_wait3A_1105 : memref<1x!tpu.dma_semaphore, #tpu.memory_space<semaphore_mem>> -> memref<!tpu.dma_semaphore, #tpu.memory_space<semaphore_mem>>
    %dma_wait3A_1107 = arith.constant 576 : i32
    %dma_wait3A_1108 = arith.constant 0 : i32
    %dma_wait3A_1109 = arith.constant 0 : i32
    %dma_wait3A_1110 = tpu.memref_slice %arg1[%dma_wait3A_1107, %dma_wait3A_1108, %dma_wait3A_1109] : memref<1024x1000x64xf32, #tpu.memory_space<any>> -> memref<16x1000x64xf32, #tpu.memory_space<any>>
    tpu.wait_dma2 semaphore(%dma_wait3A_1106 : memref<!tpu.dma_semaphore, #tpu.memory_space<semaphore_mem>>) src(%arg2 : memref<16x1000x64xf32, #tpu.memory_space<vmem>>) dst(%dma_wait3A_1110 : memref<16x1000x64xf32, #tpu.memory_space<any>>)
    %dma_start3A_1111 = arith.constant 0 : i32
    %dma_start3A_1112 = tpu.memref_slice %arg6[%dma_start3A_1111] : memref<4x!tpu.dma_semaphore, #tpu.memory_space<semaphore_mem>> -> memref<1x!tpu.dma_semaphore, #tpu.memory_space<semaphore_mem>>
    %dma_start3A_1113 = tpu.memref_squeeze %dma_start3A_1112 : memref<1x!tpu.dma_semaphore, #tpu.memory_space<semaphore_mem>> -> memref<!tpu.dma_semaphore, #tpu.memory_space<semaphore_mem>>
    %dma_start3A_1114 = arith.constant 640 : i32
    %dma_start3A_1115 = arith.constant 0 : i32
    %dma_start3A_1116 = arith.constant 0 : i32
    %dma_start3A_1117 = tpu.memref_slice %arg1[%dma_start3A_1114, %dma_start3A_1115, %dma_start3A_1116] : memref<1024x1000x64xf32, #tpu.memory_space<any>> -> memref<16x1000x64xf32, #tpu.memory_space<any>>
    tpu.enqueue_dma source(%arg2 : memref<16x1000x64xf32, #tpu.memory_space<vmem>>) target(%dma_start3A_1117 : memref<16x1000x64xf32, #tpu.memory_space<any>>) target_semaphore(%dma_start3A_1113 : memref<!tpu.dma_semaphore, #tpu.memory_space<semaphore_mem>>)
    %dma_wait3A_1118 = arith.constant 1 : i32
    %dma_wait3A_1119 = tpu.memref_slice %arg6[%dma_wait3A_1118] : memref<4x!tpu.dma_semaphore, #tpu.memory_space<semaphore_mem>> -> memref<1x!tpu.dma_semaphore, #tpu.memory_space<semaphore_mem>>
    %dma_wait3A_1120 = tpu.memref_squeeze %dma_wait3A_1119 : memref<1x!tpu.dma_semaphore, #tpu.memory_space<semaphore_mem>> -> memref<!tpu.dma_semaphore, #tpu.memory_space<semaphore_mem>>
    %dma_wait3A_1121 = arith.constant 592 : i32
    %dma_wait3A_1122 = arith.constant 0 : i32
    %dma_wait3A_1123 = arith.constant 0 : i32
    %dma_wait3A_1124 = tpu.memref_slice %arg1[%dma_wait3A_1121, %dma_wait3A_1122, %dma_wait3A_1123] : memref<1024x1000x64xf32, #tpu.memory_space<any>> -> memref<16x1000x64xf32, #tpu.memory_space<any>>
    tpu.wait_dma2 semaphore(%dma_wait3A_1120 : memref<!tpu.dma_semaphore, #tpu.memory_space<semaphore_mem>>) src(%arg3 : memref<16x1000x64xf32, #tpu.memory_space<vmem>>) dst(%dma_wait3A_1124 : memref<16x1000x64xf32, #tpu.memory_space<any>>)
    %dma_start3A_1125 = arith.constant 1 : i32
    %dma_start3A_1126 = tpu.memref_slice %arg6[%dma_start3A_1125] : memref<4x!tpu.dma_semaphore, #tpu.memory_space<semaphore_mem>> -> memref<1x!tpu.dma_semaphore, #tpu.memory_space<semaphore_mem>>
    %dma_start3A_1127 = tpu.memref_squeeze %dma_start3A_1126 : memref<1x!tpu.dma_semaphore, #tpu.memory_space<semaphore_mem>> -> memref<!tpu.dma_semaphore, #tpu.memory_space<semaphore_mem>>
    %dma_start3A_1128 = arith.constant 656 : i32
    %dma_start3A_1129 = arith.constant 0 : i32
    %dma_start3A_1130 = arith.constant 0 : i32
    %dma_start3A_1131 = tpu.memref_slice %arg1[%dma_start3A_1128, %dma_start3A_1129, %dma_start3A_1130] : memref<1024x1000x64xf32, #tpu.memory_space<any>> -> memref<16x1000x64xf32, #tpu.memory_space<any>>
    tpu.enqueue_dma source(%arg3 : memref<16x1000x64xf32, #tpu.memory_space<vmem>>) target(%dma_start3A_1131 : memref<16x1000x64xf32, #tpu.memory_space<any>>) target_semaphore(%dma_start3A_1127 : memref<!tpu.dma_semaphore, #tpu.memory_space<semaphore_mem>>)
    %dma_wait3A_1132 = arith.constant 2 : i32
    %dma_wait3A_1133 = tpu.memref_slice %arg6[%dma_wait3A_1132] : memref<4x!tpu.dma_semaphore, #tpu.memory_space<semaphore_mem>> -> memref<1x!tpu.dma_semaphore, #tpu.memory_space<semaphore_mem>>
    %dma_wait3A_1134 = tpu.memref_squeeze %dma_wait3A_1133 : memref<1x!tpu.dma_semaphore, #tpu.memory_space<semaphore_mem>> -> memref<!tpu.dma_semaphore, #tpu.memory_space<semaphore_mem>>
    %dma_wait3A_1135 = arith.constant 608 : i32
    %dma_wait3A_1136 = arith.constant 0 : i32
    %dma_wait3A_1137 = arith.constant 0 : i32
    %dma_wait3A_1138 = tpu.memref_slice %arg1[%dma_wait3A_1135, %dma_wait3A_1136, %dma_wait3A_1137] : memref<1024x1000x64xf32, #tpu.memory_space<any>> -> memref<16x1000x64xf32, #tpu.memory_space<any>>
    tpu.wait_dma2 semaphore(%dma_wait3A_1134 : memref<!tpu.dma_semaphore, #tpu.memory_space<semaphore_mem>>) src(%arg4 : memref<16x1000x64xf32, #tpu.memory_space<vmem>>) dst(%dma_wait3A_1138 : memref<16x1000x64xf32, #tpu.memory_space<any>>)
    %dma_start3A_1139 = arith.constant 2 : i32
    %dma_start3A_1140 = tpu.memref_slice %arg6[%dma_start3A_1139] : memref<4x!tpu.dma_semaphore, #tpu.memory_space<semaphore_mem>> -> memref<1x!tpu.dma_semaphore, #tpu.memory_space<semaphore_mem>>
    %dma_start3A_1141 = tpu.memref_squeeze %dma_start3A_1140 : memref<1x!tpu.dma_semaphore, #tpu.memory_space<semaphore_mem>> -> memref<!tpu.dma_semaphore, #tpu.memory_space<semaphore_mem>>
    %dma_start3A_1142 = arith.constant 672 : i32
    %dma_start3A_1143 = arith.constant 0 : i32
    %dma_start3A_1144 = arith.constant 0 : i32
    %dma_start3A_1145 = tpu.memref_slice %arg1[%dma_start3A_1142, %dma_start3A_1143, %dma_start3A_1144] : memref<1024x1000x64xf32, #tpu.memory_space<any>> -> memref<16x1000x64xf32, #tpu.memory_space<any>>
    tpu.enqueue_dma source(%arg4 : memref<16x1000x64xf32, #tpu.memory_space<vmem>>) target(%dma_start3A_1145 : memref<16x1000x64xf32, #tpu.memory_space<any>>) target_semaphore(%dma_start3A_1141 : memref<!tpu.dma_semaphore, #tpu.memory_space<semaphore_mem>>)
    %dma_wait3A_1146 = arith.constant 3 : i32
    %dma_wait3A_1147 = tpu.memref_slice %arg6[%dma_wait3A_1146] : memref<4x!tpu.dma_semaphore, #tpu.memory_space<semaphore_mem>> -> memref<1x!tpu.dma_semaphore, #tpu.memory_space<semaphore_mem>>
    %dma_wait3A_1148 = tpu.memref_squeeze %dma_wait3A_1147 : memref<1x!tpu.dma_semaphore, #tpu.memory_space<semaphore_mem>> -> memref<!tpu.dma_semaphore, #tpu.memory_space<semaphore_mem>>
    %dma_wait3A_1149 = arith.constant 624 : i32
    %dma_wait3A_1150 = arith.constant 0 : i32
    %dma_wait3A_1151 = arith.constant 0 : i32
    %dma_wait3A_1152 = tpu.memref_slice %arg1[%dma_wait3A_1149, %dma_wait3A_1150, %dma_wait3A_1151] : memref<1024x1000x64xf32, #tpu.memory_space<any>> -> memref<16x1000x64xf32, #tpu.memory_space<any>>
    tpu.wait_dma2 semaphore(%dma_wait3A_1148 : memref<!tpu.dma_semaphore, #tpu.memory_space<semaphore_mem>>) src(%arg5 : memref<16x1000x64xf32, #tpu.memory_space<vmem>>) dst(%dma_wait3A_1152 : memref<16x1000x64xf32, #tpu.memory_space<any>>)
    %dma_start3A_1153 = arith.constant 3 : i32
    %dma_start3A_1154 = tpu.memref_slice %arg6[%dma_start3A_1153] : memref<4x!tpu.dma_semaphore, #tpu.memory_space<semaphore_mem>> -> memref<1x!tpu.dma_semaphore, #tpu.memory_space<semaphore_mem>>
    %dma_start3A_1155 = tpu.memref_squeeze %dma_start3A_1154 : memref<1x!tpu.dma_semaphore, #tpu.memory_space<semaphore_mem>> -> memref<!tpu.dma_semaphore, #tpu.memory_space<semaphore_mem>>
    %dma_start3A_1156 = arith.constant 688 : i32
    %dma_start3A_1157 = arith.constant 0 : i32
    %dma_start3A_1158 = arith.constant 0 : i32
    %dma_start3A_1159 = tpu.memref_slice %arg1[%dma_start3A_1156, %dma_start3A_1157, %dma_start3A_1158] : memref<1024x1000x64xf32, #tpu.memory_space<any>> -> memref<16x1000x64xf32, #tpu.memory_space<any>>
    tpu.enqueue_dma source(%arg5 : memref<16x1000x64xf32, #tpu.memory_space<vmem>>) target(%dma_start3A_1159 : memref<16x1000x64xf32, #tpu.memory_space<any>>) target_semaphore(%dma_start3A_1155 : memref<!tpu.dma_semaphore, #tpu.memory_space<semaphore_mem>>)
    %dma_wait3A_1160 = arith.constant 0 : i32
    %dma_wait3A_1161 = tpu.memref_slice %arg6[%dma_wait3A_1160] : memref<4x!tpu.dma_semaphore, #tpu.memory_space<semaphore_mem>> -> memref<1x!tpu.dma_semaphore, #tpu.memory_space<semaphore_mem>>
    %dma_wait3A_1162 = tpu.memref_squeeze %dma_wait3A_1161 : memref<1x!tpu.dma_semaphore, #tpu.memory_space<semaphore_mem>> -> memref<!tpu.dma_semaphore, #tpu.memory_space<semaphore_mem>>
    %dma_wait3A_1163 = arith.constant 640 : i32
    %dma_wait3A_1164 = arith.constant 0 : i32
    %dma_wait3A_1165 = arith.constant 0 : i32
    %dma_wait3A_1166 = tpu.memref_slice %arg1[%dma_wait3A_1163, %dma_wait3A_1164, %dma_wait3A_1165] : memref<1024x1000x64xf32, #tpu.memory_space<any>> -> memref<16x1000x64xf32, #tpu.memory_space<any>>
    tpu.wait_dma2 semaphore(%dma_wait3A_1162 : memref<!tpu.dma_semaphore, #tpu.memory_space<semaphore_mem>>) src(%arg2 : memref<16x1000x64xf32, #tpu.memory_space<vmem>>) dst(%dma_wait3A_1166 : memref<16x1000x64xf32, #tpu.memory_space<any>>)
    %dma_start3A_1167 = arith.constant 0 : i32
    %dma_start3A_1168 = tpu.memref_slice %arg6[%dma_start3A_1167] : memref<4x!tpu.dma_semaphore, #tpu.memory_space<semaphore_mem>> -> memref<1x!tpu.dma_semaphore, #tpu.memory_space<semaphore_mem>>
    %dma_start3A_1169 = tpu.memref_squeeze %dma_start3A_1168 : memref<1x!tpu.dma_semaphore, #tpu.memory_space<semaphore_mem>> -> memref<!tpu.dma_semaphore, #tpu.memory_space<semaphore_mem>>
    %dma_start3A_1170 = arith.constant 704 : i32
    %dma_start3A_1171 = arith.constant 0 : i32
    %dma_start3A_1172 = arith.constant 0 : i32
    %dma_start3A_1173 = tpu.memref_slice %arg1[%dma_start3A_1170, %dma_start3A_1171, %dma_start3A_1172] : memref<1024x1000x64xf32, #tpu.memory_space<any>> -> memref<16x1000x64xf32, #tpu.memory_space<any>>
    tpu.enqueue_dma source(%arg2 : memref<16x1000x64xf32, #tpu.memory_space<vmem>>) target(%dma_start3A_1173 : memref<16x1000x64xf32, #tpu.memory_space<any>>) target_semaphore(%dma_start3A_1169 : memref<!tpu.dma_semaphore, #tpu.memory_space<semaphore_mem>>)
    %dma_wait3A_1174 = arith.constant 1 : i32
    %dma_wait3A_1175 = tpu.memref_slice %arg6[%dma_wait3A_1174] : memref<4x!tpu.dma_semaphore, #tpu.memory_space<semaphore_mem>> -> memref<1x!tpu.dma_semaphore, #tpu.memory_space<semaphore_mem>>
    %dma_wait3A_1176 = tpu.memref_squeeze %dma_wait3A_1175 : memref<1x!tpu.dma_semaphore, #tpu.memory_space<semaphore_mem>> -> memref<!tpu.dma_semaphore, #tpu.memory_space<semaphore_mem>>
    %dma_wait3A_1177 = arith.constant 656 : i32
    %dma_wait3A_1178 = arith.constant 0 : i32
    %dma_wait3A_1179 = arith.constant 0 : i32
    %dma_wait3A_1180 = tpu.memref_slice %arg1[%dma_wait3A_1177, %dma_wait3A_1178, %dma_wait3A_1179] : memref<1024x1000x64xf32, #tpu.memory_space<any>> -> memref<16x1000x64xf32, #tpu.memory_space<any>>
    tpu.wait_dma2 semaphore(%dma_wait3A_1176 : memref<!tpu.dma_semaphore, #tpu.memory_space<semaphore_mem>>) src(%arg3 : memref<16x1000x64xf32, #tpu.memory_space<vmem>>) dst(%dma_wait3A_1180 : memref<16x1000x64xf32, #tpu.memory_space<any>>)
    %dma_start3A_1181 = arith.constant 1 : i32
    %dma_start3A_1182 = tpu.memref_slice %arg6[%dma_start3A_1181] : memref<4x!tpu.dma_semaphore, #tpu.memory_space<semaphore_mem>> -> memref<1x!tpu.dma_semaphore, #tpu.memory_space<semaphore_mem>>
    %dma_start3A_1183 = tpu.memref_squeeze %dma_start3A_1182 : memref<1x!tpu.dma_semaphore, #tpu.memory_space<semaphore_mem>> -> memref<!tpu.dma_semaphore, #tpu.memory_space<semaphore_mem>>
    %dma_start3A_1184 = arith.constant 720 : i32
    %dma_start3A_1185 = arith.constant 0 : i32
    %dma_start3A_1186 = arith.constant 0 : i32
    %dma_start3A_1187 = tpu.memref_slice %arg1[%dma_start3A_1184, %dma_start3A_1185, %dma_start3A_1186] : memref<1024x1000x64xf32, #tpu.memory_space<any>> -> memref<16x1000x64xf32, #tpu.memory_space<any>>
    tpu.enqueue_dma source(%arg3 : memref<16x1000x64xf32, #tpu.memory_space<vmem>>) target(%dma_start3A_1187 : memref<16x1000x64xf32, #tpu.memory_space<any>>) target_semaphore(%dma_start3A_1183 : memref<!tpu.dma_semaphore, #tpu.memory_space<semaphore_mem>>)
    %dma_wait3A_1188 = arith.constant 2 : i32
    %dma_wait3A_1189 = tpu.memref_slice %arg6[%dma_wait3A_1188] : memref<4x!tpu.dma_semaphore, #tpu.memory_space<semaphore_mem>> -> memref<1x!tpu.dma_semaphore, #tpu.memory_space<semaphore_mem>>
    %dma_wait3A_1190 = tpu.memref_squeeze %dma_wait3A_1189 : memref<1x!tpu.dma_semaphore, #tpu.memory_space<semaphore_mem>> -> memref<!tpu.dma_semaphore, #tpu.memory_space<semaphore_mem>>
    %dma_wait3A_1191 = arith.constant 672 : i32
    %dma_wait3A_1192 = arith.constant 0 : i32
    %dma_wait3A_1193 = arith.constant 0 : i32
    %dma_wait3A_1194 = tpu.memref_slice %arg1[%dma_wait3A_1191, %dma_wait3A_1192, %dma_wait3A_1193] : memref<1024x1000x64xf32, #tpu.memory_space<any>> -> memref<16x1000x64xf32, #tpu.memory_space<any>>
    tpu.wait_dma2 semaphore(%dma_wait3A_1190 : memref<!tpu.dma_semaphore, #tpu.memory_space<semaphore_mem>>) src(%arg4 : memref<16x1000x64xf32, #tpu.memory_space<vmem>>) dst(%dma_wait3A_1194 : memref<16x1000x64xf32, #tpu.memory_space<any>>)
    %dma_start3A_1195 = arith.constant 2 : i32
    %dma_start3A_1196 = tpu.memref_slice %arg6[%dma_start3A_1195] : memref<4x!tpu.dma_semaphore, #tpu.memory_space<semaphore_mem>> -> memref<1x!tpu.dma_semaphore, #tpu.memory_space<semaphore_mem>>
    %dma_start3A_1197 = tpu.memref_squeeze %dma_start3A_1196 : memref<1x!tpu.dma_semaphore, #tpu.memory_space<semaphore_mem>> -> memref<!tpu.dma_semaphore, #tpu.memory_space<semaphore_mem>>
    %dma_start3A_1198 = arith.constant 736 : i32
    %dma_start3A_1199 = arith.constant 0 : i32
    %dma_start3A_1200 = arith.constant 0 : i32
    %dma_start3A_1201 = tpu.memref_slice %arg1[%dma_start3A_1198, %dma_start3A_1199, %dma_start3A_1200] : memref<1024x1000x64xf32, #tpu.memory_space<any>> -> memref<16x1000x64xf32, #tpu.memory_space<any>>
    tpu.enqueue_dma source(%arg4 : memref<16x1000x64xf32, #tpu.memory_space<vmem>>) target(%dma_start3A_1201 : memref<16x1000x64xf32, #tpu.memory_space<any>>) target_semaphore(%dma_start3A_1197 : memref<!tpu.dma_semaphore, #tpu.memory_space<semaphore_mem>>)
    %dma_wait3A_1202 = arith.constant 3 : i32
    %dma_wait3A_1203 = tpu.memref_slice %arg6[%dma_wait3A_1202] : memref<4x!tpu.dma_semaphore, #tpu.memory_space<semaphore_mem>> -> memref<1x!tpu.dma_semaphore, #tpu.memory_space<semaphore_mem>>
    %dma_wait3A_1204 = tpu.memref_squeeze %dma_wait3A_1203 : memref<1x!tpu.dma_semaphore, #tpu.memory_space<semaphore_mem>> -> memref<!tpu.dma_semaphore, #tpu.memory_space<semaphore_mem>>
    %dma_wait3A_1205 = arith.constant 688 : i32
    %dma_wait3A_1206 = arith.constant 0 : i32
    %dma_wait3A_1207 = arith.constant 0 : i32
    %dma_wait3A_1208 = tpu.memref_slice %arg1[%dma_wait3A_1205, %dma_wait3A_1206, %dma_wait3A_1207] : memref<1024x1000x64xf32, #tpu.memory_space<any>> -> memref<16x1000x64xf32, #tpu.memory_space<any>>
    tpu.wait_dma2 semaphore(%dma_wait3A_1204 : memref<!tpu.dma_semaphore, #tpu.memory_space<semaphore_mem>>) src(%arg5 : memref<16x1000x64xf32, #tpu.memory_space<vmem>>) dst(%dma_wait3A_1208 : memref<16x1000x64xf32, #tpu.memory_space<any>>)
    %dma_start3A_1209 = arith.constant 3 : i32
    %dma_start3A_1210 = tpu.memref_slice %arg6[%dma_start3A_1209] : memref<4x!tpu.dma_semaphore, #tpu.memory_space<semaphore_mem>> -> memref<1x!tpu.dma_semaphore, #tpu.memory_space<semaphore_mem>>
    %dma_start3A_1211 = tpu.memref_squeeze %dma_start3A_1210 : memref<1x!tpu.dma_semaphore, #tpu.memory_space<semaphore_mem>> -> memref<!tpu.dma_semaphore, #tpu.memory_space<semaphore_mem>>
    %dma_start3A_1212 = arith.constant 752 : i32
    %dma_start3A_1213 = arith.constant 0 : i32
    %dma_start3A_1214 = arith.constant 0 : i32
    %dma_start3A_1215 = tpu.memref_slice %arg1[%dma_start3A_1212, %dma_start3A_1213, %dma_start3A_1214] : memref<1024x1000x64xf32, #tpu.memory_space<any>> -> memref<16x1000x64xf32, #tpu.memory_space<any>>
    tpu.enqueue_dma source(%arg5 : memref<16x1000x64xf32, #tpu.memory_space<vmem>>) target(%dma_start3A_1215 : memref<16x1000x64xf32, #tpu.memory_space<any>>) target_semaphore(%dma_start3A_1211 : memref<!tpu.dma_semaphore, #tpu.memory_space<semaphore_mem>>)
    %dma_wait3A_1216 = arith.constant 0 : i32
    %dma_wait3A_1217 = tpu.memref_slice %arg6[%dma_wait3A_1216] : memref<4x!tpu.dma_semaphore, #tpu.memory_space<semaphore_mem>> -> memref<1x!tpu.dma_semaphore, #tpu.memory_space<semaphore_mem>>
    %dma_wait3A_1218 = tpu.memref_squeeze %dma_wait3A_1217 : memref<1x!tpu.dma_semaphore, #tpu.memory_space<semaphore_mem>> -> memref<!tpu.dma_semaphore, #tpu.memory_space<semaphore_mem>>
    %dma_wait3A_1219 = arith.constant 704 : i32
    %dma_wait3A_1220 = arith.constant 0 : i32
    %dma_wait3A_1221 = arith.constant 0 : i32
    %dma_wait3A_1222 = tpu.memref_slice %arg1[%dma_wait3A_1219, %dma_wait3A_1220, %dma_wait3A_1221] : memref<1024x1000x64xf32, #tpu.memory_space<any>> -> memref<16x1000x64xf32, #tpu.memory_space<any>>
    tpu.wait_dma2 semaphore(%dma_wait3A_1218 : memref<!tpu.dma_semaphore, #tpu.memory_space<semaphore_mem>>) src(%arg2 : memref<16x1000x64xf32, #tpu.memory_space<vmem>>) dst(%dma_wait3A_1222 : memref<16x1000x64xf32, #tpu.memory_space<any>>)
    %dma_start3A_1223 = arith.constant 0 : i32
    %dma_start3A_1224 = tpu.memref_slice %arg6[%dma_start3A_1223] : memref<4x!tpu.dma_semaphore, #tpu.memory_space<semaphore_mem>> -> memref<1x!tpu.dma_semaphore, #tpu.memory_space<semaphore_mem>>
    %dma_start3A_1225 = tpu.memref_squeeze %dma_start3A_1224 : memref<1x!tpu.dma_semaphore, #tpu.memory_space<semaphore_mem>> -> memref<!tpu.dma_semaphore, #tpu.memory_space<semaphore_mem>>
    %dma_start3A_1226 = arith.constant 768 : i32
    %dma_start3A_1227 = arith.constant 0 : i32
    %dma_start3A_1228 = arith.constant 0 : i32
    %dma_start3A_1229 = tpu.memref_slice %arg1[%dma_start3A_1226, %dma_start3A_1227, %dma_start3A_1228] : memref<1024x1000x64xf32, #tpu.memory_space<any>> -> memref<16x1000x64xf32, #tpu.memory_space<any>>
    tpu.enqueue_dma source(%arg2 : memref<16x1000x64xf32, #tpu.memory_space<vmem>>) target(%dma_start3A_1229 : memref<16x1000x64xf32, #tpu.memory_space<any>>) target_semaphore(%dma_start3A_1225 : memref<!tpu.dma_semaphore, #tpu.memory_space<semaphore_mem>>)
    %dma_wait3A_1230 = arith.constant 1 : i32
    %dma_wait3A_1231 = tpu.memref_slice %arg6[%dma_wait3A_1230] : memref<4x!tpu.dma_semaphore, #tpu.memory_space<semaphore_mem>> -> memref<1x!tpu.dma_semaphore, #tpu.memory_space<semaphore_mem>>
    %dma_wait3A_1232 = tpu.memref_squeeze %dma_wait3A_1231 : memref<1x!tpu.dma_semaphore, #tpu.memory_space<semaphore_mem>> -> memref<!tpu.dma_semaphore, #tpu.memory_space<semaphore_mem>>
    %dma_wait3A_1233 = arith.constant 720 : i32
    %dma_wait3A_1234 = arith.constant 0 : i32
    %dma_wait3A_1235 = arith.constant 0 : i32
    %dma_wait3A_1236 = tpu.memref_slice %arg1[%dma_wait3A_1233, %dma_wait3A_1234, %dma_wait3A_1235] : memref<1024x1000x64xf32, #tpu.memory_space<any>> -> memref<16x1000x64xf32, #tpu.memory_space<any>>
    tpu.wait_dma2 semaphore(%dma_wait3A_1232 : memref<!tpu.dma_semaphore, #tpu.memory_space<semaphore_mem>>) src(%arg3 : memref<16x1000x64xf32, #tpu.memory_space<vmem>>) dst(%dma_wait3A_1236 : memref<16x1000x64xf32, #tpu.memory_space<any>>)
    %dma_start3A_1237 = arith.constant 1 : i32
    %dma_start3A_1238 = tpu.memref_slice %arg6[%dma_start3A_1237] : memref<4x!tpu.dma_semaphore, #tpu.memory_space<semaphore_mem>> -> memref<1x!tpu.dma_semaphore, #tpu.memory_space<semaphore_mem>>
    %dma_start3A_1239 = tpu.memref_squeeze %dma_start3A_1238 : memref<1x!tpu.dma_semaphore, #tpu.memory_space<semaphore_mem>> -> memref<!tpu.dma_semaphore, #tpu.memory_space<semaphore_mem>>
    %dma_start3A_1240 = arith.constant 784 : i32
    %dma_start3A_1241 = arith.constant 0 : i32
    %dma_start3A_1242 = arith.constant 0 : i32
    %dma_start3A_1243 = tpu.memref_slice %arg1[%dma_start3A_1240, %dma_start3A_1241, %dma_start3A_1242] : memref<1024x1000x64xf32, #tpu.memory_space<any>> -> memref<16x1000x64xf32, #tpu.memory_space<any>>
    tpu.enqueue_dma source(%arg3 : memref<16x1000x64xf32, #tpu.memory_space<vmem>>) target(%dma_start3A_1243 : memref<16x1000x64xf32, #tpu.memory_space<any>>) target_semaphore(%dma_start3A_1239 : memref<!tpu.dma_semaphore, #tpu.memory_space<semaphore_mem>>)
    %dma_wait3A_1244 = arith.constant 2 : i32
    %dma_wait3A_1245 = tpu.memref_slice %arg6[%dma_wait3A_1244] : memref<4x!tpu.dma_semaphore, #tpu.memory_space<semaphore_mem>> -> memref<1x!tpu.dma_semaphore, #tpu.memory_space<semaphore_mem>>
    %dma_wait3A_1246 = tpu.memref_squeeze %dma_wait3A_1245 : memref<1x!tpu.dma_semaphore, #tpu.memory_space<semaphore_mem>> -> memref<!tpu.dma_semaphore, #tpu.memory_space<semaphore_mem>>
    %dma_wait3A_1247 = arith.constant 736 : i32
    %dma_wait3A_1248 = arith.constant 0 : i32
    %dma_wait3A_1249 = arith.constant 0 : i32
    %dma_wait3A_1250 = tpu.memref_slice %arg1[%dma_wait3A_1247, %dma_wait3A_1248, %dma_wait3A_1249] : memref<1024x1000x64xf32, #tpu.memory_space<any>> -> memref<16x1000x64xf32, #tpu.memory_space<any>>
    tpu.wait_dma2 semaphore(%dma_wait3A_1246 : memref<!tpu.dma_semaphore, #tpu.memory_space<semaphore_mem>>) src(%arg4 : memref<16x1000x64xf32, #tpu.memory_space<vmem>>) dst(%dma_wait3A_1250 : memref<16x1000x64xf32, #tpu.memory_space<any>>)
    %dma_start3A_1251 = arith.constant 2 : i32
    %dma_start3A_1252 = tpu.memref_slice %arg6[%dma_start3A_1251] : memref<4x!tpu.dma_semaphore, #tpu.memory_space<semaphore_mem>> -> memref<1x!tpu.dma_semaphore, #tpu.memory_space<semaphore_mem>>
    %dma_start3A_1253 = tpu.memref_squeeze %dma_start3A_1252 : memref<1x!tpu.dma_semaphore, #tpu.memory_space<semaphore_mem>> -> memref<!tpu.dma_semaphore, #tpu.memory_space<semaphore_mem>>
    %dma_start3A_1254 = arith.constant 800 : i32
    %dma_start3A_1255 = arith.constant 0 : i32
    %dma_start3A_1256 = arith.constant 0 : i32
    %dma_start3A_1257 = tpu.memref_slice %arg1[%dma_start3A_1254, %dma_start3A_1255, %dma_start3A_1256] : memref<1024x1000x64xf32, #tpu.memory_space<any>> -> memref<16x1000x64xf32, #tpu.memory_space<any>>
    tpu.enqueue_dma source(%arg4 : memref<16x1000x64xf32, #tpu.memory_space<vmem>>) target(%dma_start3A_1257 : memref<16x1000x64xf32, #tpu.memory_space<any>>) target_semaphore(%dma_start3A_1253 : memref<!tpu.dma_semaphore, #tpu.memory_space<semaphore_mem>>)
    %dma_wait3A_1258 = arith.constant 3 : i32
    %dma_wait3A_1259 = tpu.memref_slice %arg6[%dma_wait3A_1258] : memref<4x!tpu.dma_semaphore, #tpu.memory_space<semaphore_mem>> -> memref<1x!tpu.dma_semaphore, #tpu.memory_space<semaphore_mem>>
    %dma_wait3A_1260 = tpu.memref_squeeze %dma_wait3A_1259 : memref<1x!tpu.dma_semaphore, #tpu.memory_space<semaphore_mem>> -> memref<!tpu.dma_semaphore, #tpu.memory_space<semaphore_mem>>
    %dma_wait3A_1261 = arith.constant 752 : i32
    %dma_wait3A_1262 = arith.constant 0 : i32
    %dma_wait3A_1263 = arith.constant 0 : i32
    %dma_wait3A_1264 = tpu.memref_slice %arg1[%dma_wait3A_1261, %dma_wait3A_1262, %dma_wait3A_1263] : memref<1024x1000x64xf32, #tpu.memory_space<any>> -> memref<16x1000x64xf32, #tpu.memory_space<any>>
    tpu.wait_dma2 semaphore(%dma_wait3A_1260 : memref<!tpu.dma_semaphore, #tpu.memory_space<semaphore_mem>>) src(%arg5 : memref<16x1000x64xf32, #tpu.memory_space<vmem>>) dst(%dma_wait3A_1264 : memref<16x1000x64xf32, #tpu.memory_space<any>>)
    %dma_start3A_1265 = arith.constant 3 : i32
    %dma_start3A_1266 = tpu.memref_slice %arg6[%dma_start3A_1265] : memref<4x!tpu.dma_semaphore, #tpu.memory_space<semaphore_mem>> -> memref<1x!tpu.dma_semaphore, #tpu.memory_space<semaphore_mem>>
    %dma_start3A_1267 = tpu.memref_squeeze %dma_start3A_1266 : memref<1x!tpu.dma_semaphore, #tpu.memory_space<semaphore_mem>> -> memref<!tpu.dma_semaphore, #tpu.memory_space<semaphore_mem>>
    %dma_start3A_1268 = arith.constant 816 : i32
    %dma_start3A_1269 = arith.constant 0 : i32
    %dma_start3A_1270 = arith.constant 0 : i32
    %dma_start3A_1271 = tpu.memref_slice %arg1[%dma_start3A_1268, %dma_start3A_1269, %dma_start3A_1270] : memref<1024x1000x64xf32, #tpu.memory_space<any>> -> memref<16x1000x64xf32, #tpu.memory_space<any>>
    tpu.enqueue_dma source(%arg5 : memref<16x1000x64xf32, #tpu.memory_space<vmem>>) target(%dma_start3A_1271 : memref<16x1000x64xf32, #tpu.memory_space<any>>) target_semaphore(%dma_start3A_1267 : memref<!tpu.dma_semaphore, #tpu.memory_space<semaphore_mem>>)
    %dma_wait3A_1272 = arith.constant 0 : i32
    %dma_wait3A_1273 = tpu.memref_slice %arg6[%dma_wait3A_1272] : memref<4x!tpu.dma_semaphore, #tpu.memory_space<semaphore_mem>> -> memref<1x!tpu.dma_semaphore, #tpu.memory_space<semaphore_mem>>
    %dma_wait3A_1274 = tpu.memref_squeeze %dma_wait3A_1273 : memref<1x!tpu.dma_semaphore, #tpu.memory_space<semaphore_mem>> -> memref<!tpu.dma_semaphore, #tpu.memory_space<semaphore_mem>>
    %dma_wait3A_1275 = arith.constant 768 : i32
    %dma_wait3A_1276 = arith.constant 0 : i32
    %dma_wait3A_1277 = arith.constant 0 : i32
    %dma_wait3A_1278 = tpu.memref_slice %arg1[%dma_wait3A_1275, %dma_wait3A_1276, %dma_wait3A_1277] : memref<1024x1000x64xf32, #tpu.memory_space<any>> -> memref<16x1000x64xf32, #tpu.memory_space<any>>
    tpu.wait_dma2 semaphore(%dma_wait3A_1274 : memref<!tpu.dma_semaphore, #tpu.memory_space<semaphore_mem>>) src(%arg2 : memref<16x1000x64xf32, #tpu.memory_space<vmem>>) dst(%dma_wait3A_1278 : memref<16x1000x64xf32, #tpu.memory_space<any>>)
    %dma_start3A_1279 = arith.constant 0 : i32
    %dma_start3A_1280 = tpu.memref_slice %arg6[%dma_start3A_1279] : memref<4x!tpu.dma_semaphore, #tpu.memory_space<semaphore_mem>> -> memref<1x!tpu.dma_semaphore, #tpu.memory_space<semaphore_mem>>
    %dma_start3A_1281 = tpu.memref_squeeze %dma_start3A_1280 : memref<1x!tpu.dma_semaphore, #tpu.memory_space<semaphore_mem>> -> memref<!tpu.dma_semaphore, #tpu.memory_space<semaphore_mem>>
    %dma_start3A_1282 = arith.constant 832 : i32
    %dma_start3A_1283 = arith.constant 0 : i32
    %dma_start3A_1284 = arith.constant 0 : i32
    %dma_start3A_1285 = tpu.memref_slice %arg1[%dma_start3A_1282, %dma_start3A_1283, %dma_start3A_1284] : memref<1024x1000x64xf32, #tpu.memory_space<any>> -> memref<16x1000x64xf32, #tpu.memory_space<any>>
    tpu.enqueue_dma source(%arg2 : memref<16x1000x64xf32, #tpu.memory_space<vmem>>) target(%dma_start3A_1285 : memref<16x1000x64xf32, #tpu.memory_space<any>>) target_semaphore(%dma_start3A_1281 : memref<!tpu.dma_semaphore, #tpu.memory_space<semaphore_mem>>)
    %dma_wait3A_1286 = arith.constant 1 : i32
    %dma_wait3A_1287 = tpu.memref_slice %arg6[%dma_wait3A_1286] : memref<4x!tpu.dma_semaphore, #tpu.memory_space<semaphore_mem>> -> memref<1x!tpu.dma_semaphore, #tpu.memory_space<semaphore_mem>>
    %dma_wait3A_1288 = tpu.memref_squeeze %dma_wait3A_1287 : memref<1x!tpu.dma_semaphore, #tpu.memory_space<semaphore_mem>> -> memref<!tpu.dma_semaphore, #tpu.memory_space<semaphore_mem>>
    %dma_wait3A_1289 = arith.constant 784 : i32
    %dma_wait3A_1290 = arith.constant 0 : i32
    %dma_wait3A_1291 = arith.constant 0 : i32
    %dma_wait3A_1292 = tpu.memref_slice %arg1[%dma_wait3A_1289, %dma_wait3A_1290, %dma_wait3A_1291] : memref<1024x1000x64xf32, #tpu.memory_space<any>> -> memref<16x1000x64xf32, #tpu.memory_space<any>>
    tpu.wait_dma2 semaphore(%dma_wait3A_1288 : memref<!tpu.dma_semaphore, #tpu.memory_space<semaphore_mem>>) src(%arg3 : memref<16x1000x64xf32, #tpu.memory_space<vmem>>) dst(%dma_wait3A_1292 : memref<16x1000x64xf32, #tpu.memory_space<any>>)
    %dma_start3A_1293 = arith.constant 1 : i32
    %dma_start3A_1294 = tpu.memref_slice %arg6[%dma_start3A_1293] : memref<4x!tpu.dma_semaphore, #tpu.memory_space<semaphore_mem>> -> memref<1x!tpu.dma_semaphore, #tpu.memory_space<semaphore_mem>>
    %dma_start3A_1295 = tpu.memref_squeeze %dma_start3A_1294 : memref<1x!tpu.dma_semaphore, #tpu.memory_space<semaphore_mem>> -> memref<!tpu.dma_semaphore, #tpu.memory_space<semaphore_mem>>
    %dma_start3A_1296 = arith.constant 848 : i32
    %dma_start3A_1297 = arith.constant 0 : i32
    %dma_start3A_1298 = arith.constant 0 : i32
    %dma_start3A_1299 = tpu.memref_slice %arg1[%dma_start3A_1296, %dma_start3A_1297, %dma_start3A_1298] : memref<1024x1000x64xf32, #tpu.memory_space<any>> -> memref<16x1000x64xf32, #tpu.memory_space<any>>
    tpu.enqueue_dma source(%arg3 : memref<16x1000x64xf32, #tpu.memory_space<vmem>>) target(%dma_start3A_1299 : memref<16x1000x64xf32, #tpu.memory_space<any>>) target_semaphore(%dma_start3A_1295 : memref<!tpu.dma_semaphore, #tpu.memory_space<semaphore_mem>>)
    %dma_wait3A_1300 = arith.constant 2 : i32
    %dma_wait3A_1301 = tpu.memref_slice %arg6[%dma_wait3A_1300] : memref<4x!tpu.dma_semaphore, #tpu.memory_space<semaphore_mem>> -> memref<1x!tpu.dma_semaphore, #tpu.memory_space<semaphore_mem>>
    %dma_wait3A_1302 = tpu.memref_squeeze %dma_wait3A_1301 : memref<1x!tpu.dma_semaphore, #tpu.memory_space<semaphore_mem>> -> memref<!tpu.dma_semaphore, #tpu.memory_space<semaphore_mem>>
    %dma_wait3A_1303 = arith.constant 800 : i32
    %dma_wait3A_1304 = arith.constant 0 : i32
    %dma_wait3A_1305 = arith.constant 0 : i32
    %dma_wait3A_1306 = tpu.memref_slice %arg1[%dma_wait3A_1303, %dma_wait3A_1304, %dma_wait3A_1305] : memref<1024x1000x64xf32, #tpu.memory_space<any>> -> memref<16x1000x64xf32, #tpu.memory_space<any>>
    tpu.wait_dma2 semaphore(%dma_wait3A_1302 : memref<!tpu.dma_semaphore, #tpu.memory_space<semaphore_mem>>) src(%arg4 : memref<16x1000x64xf32, #tpu.memory_space<vmem>>) dst(%dma_wait3A_1306 : memref<16x1000x64xf32, #tpu.memory_space<any>>)
    %dma_start3A_1307 = arith.constant 2 : i32
    %dma_start3A_1308 = tpu.memref_slice %arg6[%dma_start3A_1307] : memref<4x!tpu.dma_semaphore, #tpu.memory_space<semaphore_mem>> -> memref<1x!tpu.dma_semaphore, #tpu.memory_space<semaphore_mem>>
    %dma_start3A_1309 = tpu.memref_squeeze %dma_start3A_1308 : memref<1x!tpu.dma_semaphore, #tpu.memory_space<semaphore_mem>> -> memref<!tpu.dma_semaphore, #tpu.memory_space<semaphore_mem>>
    %dma_start3A_1310 = arith.constant 864 : i32
    %dma_start3A_1311 = arith.constant 0 : i32
    %dma_start3A_1312 = arith.constant 0 : i32
    %dma_start3A_1313 = tpu.memref_slice %arg1[%dma_start3A_1310, %dma_start3A_1311, %dma_start3A_1312] : memref<1024x1000x64xf32, #tpu.memory_space<any>> -> memref<16x1000x64xf32, #tpu.memory_space<any>>
    tpu.enqueue_dma source(%arg4 : memref<16x1000x64xf32, #tpu.memory_space<vmem>>) target(%dma_start3A_1313 : memref<16x1000x64xf32, #tpu.memory_space<any>>) target_semaphore(%dma_start3A_1309 : memref<!tpu.dma_semaphore, #tpu.memory_space<semaphore_mem>>)
    %dma_wait3A_1314 = arith.constant 3 : i32
    %dma_wait3A_1315 = tpu.memref_slice %arg6[%dma_wait3A_1314] : memref<4x!tpu.dma_semaphore, #tpu.memory_space<semaphore_mem>> -> memref<1x!tpu.dma_semaphore, #tpu.memory_space<semaphore_mem>>
    %dma_wait3A_1316 = tpu.memref_squeeze %dma_wait3A_1315 : memref<1x!tpu.dma_semaphore, #tpu.memory_space<semaphore_mem>> -> memref<!tpu.dma_semaphore, #tpu.memory_space<semaphore_mem>>
    %dma_wait3A_1317 = arith.constant 816 : i32
    %dma_wait3A_1318 = arith.constant 0 : i32
    %dma_wait3A_1319 = arith.constant 0 : i32
    %dma_wait3A_1320 = tpu.memref_slice %arg1[%dma_wait3A_1317, %dma_wait3A_1318, %dma_wait3A_1319] : memref<1024x1000x64xf32, #tpu.memory_space<any>> -> memref<16x1000x64xf32, #tpu.memory_space<any>>
    tpu.wait_dma2 semaphore(%dma_wait3A_1316 : memref<!tpu.dma_semaphore, #tpu.memory_space<semaphore_mem>>) src(%arg5 : memref<16x1000x64xf32, #tpu.memory_space<vmem>>) dst(%dma_wait3A_1320 : memref<16x1000x64xf32, #tpu.memory_space<any>>)
    %dma_start3A_1321 = arith.constant 3 : i32
    %dma_start3A_1322 = tpu.memref_slice %arg6[%dma_start3A_1321] : memref<4x!tpu.dma_semaphore, #tpu.memory_space<semaphore_mem>> -> memref<1x!tpu.dma_semaphore, #tpu.memory_space<semaphore_mem>>
    %dma_start3A_1323 = tpu.memref_squeeze %dma_start3A_1322 : memref<1x!tpu.dma_semaphore, #tpu.memory_space<semaphore_mem>> -> memref<!tpu.dma_semaphore, #tpu.memory_space<semaphore_mem>>
    %dma_start3A_1324 = arith.constant 880 : i32
    %dma_start3A_1325 = arith.constant 0 : i32
    %dma_start3A_1326 = arith.constant 0 : i32
    %dma_start3A_1327 = tpu.memref_slice %arg1[%dma_start3A_1324, %dma_start3A_1325, %dma_start3A_1326] : memref<1024x1000x64xf32, #tpu.memory_space<any>> -> memref<16x1000x64xf32, #tpu.memory_space<any>>
    tpu.enqueue_dma source(%arg5 : memref<16x1000x64xf32, #tpu.memory_space<vmem>>) target(%dma_start3A_1327 : memref<16x1000x64xf32, #tpu.memory_space<any>>) target_semaphore(%dma_start3A_1323 : memref<!tpu.dma_semaphore, #tpu.memory_space<semaphore_mem>>)
    %dma_wait3A_1328 = arith.constant 0 : i32
    %dma_wait3A_1329 = tpu.memref_slice %arg6[%dma_wait3A_1328] : memref<4x!tpu.dma_semaphore, #tpu.memory_space<semaphore_mem>> -> memref<1x!tpu.dma_semaphore, #tpu.memory_space<semaphore_mem>>
    %dma_wait3A_1330 = tpu.memref_squeeze %dma_wait3A_1329 : memref<1x!tpu.dma_semaphore, #tpu.memory_space<semaphore_mem>> -> memref<!tpu.dma_semaphore, #tpu.memory_space<semaphore_mem>>
    %dma_wait3A_1331 = arith.constant 832 : i32
    %dma_wait3A_1332 = arith.constant 0 : i32
    %dma_wait3A_1333 = arith.constant 0 : i32
    %dma_wait3A_1334 = tpu.memref_slice %arg1[%dma_wait3A_1331, %dma_wait3A_1332, %dma_wait3A_1333] : memref<1024x1000x64xf32, #tpu.memory_space<any>> -> memref<16x1000x64xf32, #tpu.memory_space<any>>
    tpu.wait_dma2 semaphore(%dma_wait3A_1330 : memref<!tpu.dma_semaphore, #tpu.memory_space<semaphore_mem>>) src(%arg2 : memref<16x1000x64xf32, #tpu.memory_space<vmem>>) dst(%dma_wait3A_1334 : memref<16x1000x64xf32, #tpu.memory_space<any>>)
    %dma_start3A_1335 = arith.constant 0 : i32
    %dma_start3A_1336 = tpu.memref_slice %arg6[%dma_start3A_1335] : memref<4x!tpu.dma_semaphore, #tpu.memory_space<semaphore_mem>> -> memref<1x!tpu.dma_semaphore, #tpu.memory_space<semaphore_mem>>
    %dma_start3A_1337 = tpu.memref_squeeze %dma_start3A_1336 : memref<1x!tpu.dma_semaphore, #tpu.memory_space<semaphore_mem>> -> memref<!tpu.dma_semaphore, #tpu.memory_space<semaphore_mem>>
    %dma_start3A_1338 = arith.constant 896 : i32
    %dma_start3A_1339 = arith.constant 0 : i32
    %dma_start3A_1340 = arith.constant 0 : i32
    %dma_start3A_1341 = tpu.memref_slice %arg1[%dma_start3A_1338, %dma_start3A_1339, %dma_start3A_1340] : memref<1024x1000x64xf32, #tpu.memory_space<any>> -> memref<16x1000x64xf32, #tpu.memory_space<any>>
    tpu.enqueue_dma source(%arg2 : memref<16x1000x64xf32, #tpu.memory_space<vmem>>) target(%dma_start3A_1341 : memref<16x1000x64xf32, #tpu.memory_space<any>>) target_semaphore(%dma_start3A_1337 : memref<!tpu.dma_semaphore, #tpu.memory_space<semaphore_mem>>)
    %dma_wait3A_1342 = arith.constant 1 : i32
    %dma_wait3A_1343 = tpu.memref_slice %arg6[%dma_wait3A_1342] : memref<4x!tpu.dma_semaphore, #tpu.memory_space<semaphore_mem>> -> memref<1x!tpu.dma_semaphore, #tpu.memory_space<semaphore_mem>>
    %dma_wait3A_1344 = tpu.memref_squeeze %dma_wait3A_1343 : memref<1x!tpu.dma_semaphore, #tpu.memory_space<semaphore_mem>> -> memref<!tpu.dma_semaphore, #tpu.memory_space<semaphore_mem>>
    %dma_wait3A_1345 = arith.constant 848 : i32
    %dma_wait3A_1346 = arith.constant 0 : i32
    %dma_wait3A_1347 = arith.constant 0 : i32
    %dma_wait3A_1348 = tpu.memref_slice %arg1[%dma_wait3A_1345, %dma_wait3A_1346, %dma_wait3A_1347] : memref<1024x1000x64xf32, #tpu.memory_space<any>> -> memref<16x1000x64xf32, #tpu.memory_space<any>>
    tpu.wait_dma2 semaphore(%dma_wait3A_1344 : memref<!tpu.dma_semaphore, #tpu.memory_space<semaphore_mem>>) src(%arg3 : memref<16x1000x64xf32, #tpu.memory_space<vmem>>) dst(%dma_wait3A_1348 : memref<16x1000x64xf32, #tpu.memory_space<any>>)
    %dma_start3A_1349 = arith.constant 1 : i32
    %dma_start3A_1350 = tpu.memref_slice %arg6[%dma_start3A_1349] : memref<4x!tpu.dma_semaphore, #tpu.memory_space<semaphore_mem>> -> memref<1x!tpu.dma_semaphore, #tpu.memory_space<semaphore_mem>>
    %dma_start3A_1351 = tpu.memref_squeeze %dma_start3A_1350 : memref<1x!tpu.dma_semaphore, #tpu.memory_space<semaphore_mem>> -> memref<!tpu.dma_semaphore, #tpu.memory_space<semaphore_mem>>
    %dma_start3A_1352 = arith.constant 912 : i32
    %dma_start3A_1353 = arith.constant 0 : i32
    %dma_start3A_1354 = arith.constant 0 : i32
    %dma_start3A_1355 = tpu.memref_slice %arg1[%dma_start3A_1352, %dma_start3A_1353, %dma_start3A_1354] : memref<1024x1000x64xf32, #tpu.memory_space<any>> -> memref<16x1000x64xf32, #tpu.memory_space<any>>
    tpu.enqueue_dma source(%arg3 : memref<16x1000x64xf32, #tpu.memory_space<vmem>>) target(%dma_start3A_1355 : memref<16x1000x64xf32, #tpu.memory_space<any>>) target_semaphore(%dma_start3A_1351 : memref<!tpu.dma_semaphore, #tpu.memory_space<semaphore_mem>>)
    %dma_wait3A_1356 = arith.constant 2 : i32
    %dma_wait3A_1357 = tpu.memref_slice %arg6[%dma_wait3A_1356] : memref<4x!tpu.dma_semaphore, #tpu.memory_space<semaphore_mem>> -> memref<1x!tpu.dma_semaphore, #tpu.memory_space<semaphore_mem>>
    %dma_wait3A_1358 = tpu.memref_squeeze %dma_wait3A_1357 : memref<1x!tpu.dma_semaphore, #tpu.memory_space<semaphore_mem>> -> memref<!tpu.dma_semaphore, #tpu.memory_space<semaphore_mem>>
    %dma_wait3A_1359 = arith.constant 864 : i32
    %dma_wait3A_1360 = arith.constant 0 : i32
    %dma_wait3A_1361 = arith.constant 0 : i32
    %dma_wait3A_1362 = tpu.memref_slice %arg1[%dma_wait3A_1359, %dma_wait3A_1360, %dma_wait3A_1361] : memref<1024x1000x64xf32, #tpu.memory_space<any>> -> memref<16x1000x64xf32, #tpu.memory_space<any>>
    tpu.wait_dma2 semaphore(%dma_wait3A_1358 : memref<!tpu.dma_semaphore, #tpu.memory_space<semaphore_mem>>) src(%arg4 : memref<16x1000x64xf32, #tpu.memory_space<vmem>>) dst(%dma_wait3A_1362 : memref<16x1000x64xf32, #tpu.memory_space<any>>)
    %dma_start3A_1363 = arith.constant 2 : i32
    %dma_start3A_1364 = tpu.memref_slice %arg6[%dma_start3A_1363] : memref<4x!tpu.dma_semaphore, #tpu.memory_space<semaphore_mem>> -> memref<1x!tpu.dma_semaphore, #tpu.memory_space<semaphore_mem>>
    %dma_start3A_1365 = tpu.memref_squeeze %dma_start3A_1364 : memref<1x!tpu.dma_semaphore, #tpu.memory_space<semaphore_mem>> -> memref<!tpu.dma_semaphore, #tpu.memory_space<semaphore_mem>>
    %dma_start3A_1366 = arith.constant 928 : i32
    %dma_start3A_1367 = arith.constant 0 : i32
    %dma_start3A_1368 = arith.constant 0 : i32
    %dma_start3A_1369 = tpu.memref_slice %arg1[%dma_start3A_1366, %dma_start3A_1367, %dma_start3A_1368] : memref<1024x1000x64xf32, #tpu.memory_space<any>> -> memref<16x1000x64xf32, #tpu.memory_space<any>>
    tpu.enqueue_dma source(%arg4 : memref<16x1000x64xf32, #tpu.memory_space<vmem>>) target(%dma_start3A_1369 : memref<16x1000x64xf32, #tpu.memory_space<any>>) target_semaphore(%dma_start3A_1365 : memref<!tpu.dma_semaphore, #tpu.memory_space<semaphore_mem>>)
    %dma_wait3A_1370 = arith.constant 3 : i32
    %dma_wait3A_1371 = tpu.memref_slice %arg6[%dma_wait3A_1370] : memref<4x!tpu.dma_semaphore, #tpu.memory_space<semaphore_mem>> -> memref<1x!tpu.dma_semaphore, #tpu.memory_space<semaphore_mem>>
    %dma_wait3A_1372 = tpu.memref_squeeze %dma_wait3A_1371 : memref<1x!tpu.dma_semaphore, #tpu.memory_space<semaphore_mem>> -> memref<!tpu.dma_semaphore, #tpu.memory_space<semaphore_mem>>
    %dma_wait3A_1373 = arith.constant 880 : i32
    %dma_wait3A_1374 = arith.constant 0 : i32
    %dma_wait3A_1375 = arith.constant 0 : i32
    %dma_wait3A_1376 = tpu.memref_slice %arg1[%dma_wait3A_1373, %dma_wait3A_1374, %dma_wait3A_1375] : memref<1024x1000x64xf32, #tpu.memory_space<any>> -> memref<16x1000x64xf32, #tpu.memory_space<any>>
    tpu.wait_dma2 semaphore(%dma_wait3A_1372 : memref<!tpu.dma_semaphore, #tpu.memory_space<semaphore_mem>>) src(%arg5 : memref<16x1000x64xf32, #tpu.memory_space<vmem>>) dst(%dma_wait3A_1376 : memref<16x1000x64xf32, #tpu.memory_space<any>>)
    %dma_start3A_1377 = arith.constant 3 : i32
    %dma_start3A_1378 = tpu.memref_slice %arg6[%dma_start3A_1377] : memref<4x!tpu.dma_semaphore, #tpu.memory_space<semaphore_mem>> -> memref<1x!tpu.dma_semaphore, #tpu.memory_space<semaphore_mem>>
    %dma_start3A_1379 = tpu.memref_squeeze %dma_start3A_1378 : memref<1x!tpu.dma_semaphore, #tpu.memory_space<semaphore_mem>> -> memref<!tpu.dma_semaphore, #tpu.memory_space<semaphore_mem>>
    %dma_start3A_1380 = arith.constant 944 : i32
    %dma_start3A_1381 = arith.constant 0 : i32
    %dma_start3A_1382 = arith.constant 0 : i32
    %dma_start3A_1383 = tpu.memref_slice %arg1[%dma_start3A_1380, %dma_start3A_1381, %dma_start3A_1382] : memref<1024x1000x64xf32, #tpu.memory_space<any>> -> memref<16x1000x64xf32, #tpu.memory_space<any>>
    tpu.enqueue_dma source(%arg5 : memref<16x1000x64xf32, #tpu.memory_space<vmem>>) target(%dma_start3A_1383 : memref<16x1000x64xf32, #tpu.memory_space<any>>) target_semaphore(%dma_start3A_1379 : memref<!tpu.dma_semaphore, #tpu.memory_space<semaphore_mem>>)
    %dma_wait3A_1384 = arith.constant 0 : i32
    %dma_wait3A_1385 = tpu.memref_slice %arg6[%dma_wait3A_1384] : memref<4x!tpu.dma_semaphore, #tpu.memory_space<semaphore_mem>> -> memref<1x!tpu.dma_semaphore, #tpu.memory_space<semaphore_mem>>
    %dma_wait3A_1386 = tpu.memref_squeeze %dma_wait3A_1385 : memref<1x!tpu.dma_semaphore, #tpu.memory_space<semaphore_mem>> -> memref<!tpu.dma_semaphore, #tpu.memory_space<semaphore_mem>>
    %dma_wait3A_1387 = arith.constant 896 : i32
    %dma_wait3A_1388 = arith.constant 0 : i32
    %dma_wait3A_1389 = arith.constant 0 : i32
    %dma_wait3A_1390 = tpu.memref_slice %arg1[%dma_wait3A_1387, %dma_wait3A_1388, %dma_wait3A_1389] : memref<1024x1000x64xf32, #tpu.memory_space<any>> -> memref<16x1000x64xf32, #tpu.memory_space<any>>
    tpu.wait_dma2 semaphore(%dma_wait3A_1386 : memref<!tpu.dma_semaphore, #tpu.memory_space<semaphore_mem>>) src(%arg2 : memref<16x1000x64xf32, #tpu.memory_space<vmem>>) dst(%dma_wait3A_1390 : memref<16x1000x64xf32, #tpu.memory_space<any>>)
    %dma_start3A_1391 = arith.constant 0 : i32
    %dma_start3A_1392 = tpu.memref_slice %arg6[%dma_start3A_1391] : memref<4x!tpu.dma_semaphore, #tpu.memory_space<semaphore_mem>> -> memref<1x!tpu.dma_semaphore, #tpu.memory_space<semaphore_mem>>
    %dma_start3A_1393 = tpu.memref_squeeze %dma_start3A_1392 : memref<1x!tpu.dma_semaphore, #tpu.memory_space<semaphore_mem>> -> memref<!tpu.dma_semaphore, #tpu.memory_space<semaphore_mem>>
    %dma_start3A_1394 = arith.constant 960 : i32
    %dma_start3A_1395 = arith.constant 0 : i32
    %dma_start3A_1396 = arith.constant 0 : i32
    %dma_start3A_1397 = tpu.memref_slice %arg1[%dma_start3A_1394, %dma_start3A_1395, %dma_start3A_1396] : memref<1024x1000x64xf32, #tpu.memory_space<any>> -> memref<16x1000x64xf32, #tpu.memory_space<any>>
    tpu.enqueue_dma source(%arg2 : memref<16x1000x64xf32, #tpu.memory_space<vmem>>) target(%dma_start3A_1397 : memref<16x1000x64xf32, #tpu.memory_space<any>>) target_semaphore(%dma_start3A_1393 : memref<!tpu.dma_semaphore, #tpu.memory_space<semaphore_mem>>)
    %dma_wait3A_1398 = arith.constant 1 : i32
    %dma_wait3A_1399 = tpu.memref_slice %arg6[%dma_wait3A_1398] : memref<4x!tpu.dma_semaphore, #tpu.memory_space<semaphore_mem>> -> memref<1x!tpu.dma_semaphore, #tpu.memory_space<semaphore_mem>>
    %dma_wait3A_1400 = tpu.memref_squeeze %dma_wait3A_1399 : memref<1x!tpu.dma_semaphore, #tpu.memory_space<semaphore_mem>> -> memref<!tpu.dma_semaphore, #tpu.memory_space<semaphore_mem>>
    %dma_wait3A_1401 = arith.constant 912 : i32
    %dma_wait3A_1402 = arith.constant 0 : i32
    %dma_wait3A_1403 = arith.constant 0 : i32
    %dma_wait3A_1404 = tpu.memref_slice %arg1[%dma_wait3A_1401, %dma_wait3A_1402, %dma_wait3A_1403] : memref<1024x1000x64xf32, #tpu.memory_space<any>> -> memref<16x1000x64xf32, #tpu.memory_space<any>>
    tpu.wait_dma2 semaphore(%dma_wait3A_1400 : memref<!tpu.dma_semaphore, #tpu.memory_space<semaphore_mem>>) src(%arg3 : memref<16x1000x64xf32, #tpu.memory_space<vmem>>) dst(%dma_wait3A_1404 : memref<16x1000x64xf32, #tpu.memory_space<any>>)
    %dma_start3A_1405 = arith.constant 1 : i32
    %dma_start3A_1406 = tpu.memref_slice %arg6[%dma_start3A_1405] : memref<4x!tpu.dma_semaphore, #tpu.memory_space<semaphore_mem>> -> memref<1x!tpu.dma_semaphore, #tpu.memory_space<semaphore_mem>>
    %dma_start3A_1407 = tpu.memref_squeeze %dma_start3A_1406 : memref<1x!tpu.dma_semaphore, #tpu.memory_space<semaphore_mem>> -> memref<!tpu.dma_semaphore, #tpu.memory_space<semaphore_mem>>
    %dma_start3A_1408 = arith.constant 976 : i32
    %dma_start3A_1409 = arith.constant 0 : i32
    %dma_start3A_1410 = arith.constant 0 : i32
    %dma_start3A_1411 = tpu.memref_slice %arg1[%dma_start3A_1408, %dma_start3A_1409, %dma_start3A_1410] : memref<1024x1000x64xf32, #tpu.memory_space<any>> -> memref<16x1000x64xf32, #tpu.memory_space<any>>
    tpu.enqueue_dma source(%arg3 : memref<16x1000x64xf32, #tpu.memory_space<vmem>>) target(%dma_start3A_1411 : memref<16x1000x64xf32, #tpu.memory_space<any>>) target_semaphore(%dma_start3A_1407 : memref<!tpu.dma_semaphore, #tpu.memory_space<semaphore_mem>>)
    %dma_wait3A_1412 = arith.constant 2 : i32
    %dma_wait3A_1413 = tpu.memref_slice %arg6[%dma_wait3A_1412] : memref<4x!tpu.dma_semaphore, #tpu.memory_space<semaphore_mem>> -> memref<1x!tpu.dma_semaphore, #tpu.memory_space<semaphore_mem>>
    %dma_wait3A_1414 = tpu.memref_squeeze %dma_wait3A_1413 : memref<1x!tpu.dma_semaphore, #tpu.memory_space<semaphore_mem>> -> memref<!tpu.dma_semaphore, #tpu.memory_space<semaphore_mem>>
    %dma_wait3A_1415 = arith.constant 928 : i32
    %dma_wait3A_1416 = arith.constant 0 : i32
    %dma_wait3A_1417 = arith.constant 0 : i32
    %dma_wait3A_1418 = tpu.memref_slice %arg1[%dma_wait3A_1415, %dma_wait3A_1416, %dma_wait3A_1417] : memref<1024x1000x64xf32, #tpu.memory_space<any>> -> memref<16x1000x64xf32, #tpu.memory_space<any>>
    tpu.wait_dma2 semaphore(%dma_wait3A_1414 : memref<!tpu.dma_semaphore, #tpu.memory_space<semaphore_mem>>) src(%arg4 : memref<16x1000x64xf32, #tpu.memory_space<vmem>>) dst(%dma_wait3A_1418 : memref<16x1000x64xf32, #tpu.memory_space<any>>)
    %dma_start3A_1419 = arith.constant 2 : i32
    %dma_start3A_1420 = tpu.memref_slice %arg6[%dma_start3A_1419] : memref<4x!tpu.dma_semaphore, #tpu.memory_space<semaphore_mem>> -> memref<1x!tpu.dma_semaphore, #tpu.memory_space<semaphore_mem>>
    %dma_start3A_1421 = tpu.memref_squeeze %dma_start3A_1420 : memref<1x!tpu.dma_semaphore, #tpu.memory_space<semaphore_mem>> -> memref<!tpu.dma_semaphore, #tpu.memory_space<semaphore_mem>>
    %dma_start3A_1422 = arith.constant 992 : i32
    %dma_start3A_1423 = arith.constant 0 : i32
    %dma_start3A_1424 = arith.constant 0 : i32
    %dma_start3A_1425 = tpu.memref_slice %arg1[%dma_start3A_1422, %dma_start3A_1423, %dma_start3A_1424] : memref<1024x1000x64xf32, #tpu.memory_space<any>> -> memref<16x1000x64xf32, #tpu.memory_space<any>>
    tpu.enqueue_dma source(%arg4 : memref<16x1000x64xf32, #tpu.memory_space<vmem>>) target(%dma_start3A_1425 : memref<16x1000x64xf32, #tpu.memory_space<any>>) target_semaphore(%dma_start3A_1421 : memref<!tpu.dma_semaphore, #tpu.memory_space<semaphore_mem>>)
    %dma_wait3A_1426 = arith.constant 3 : i32
    %dma_wait3A_1427 = tpu.memref_slice %arg6[%dma_wait3A_1426] : memref<4x!tpu.dma_semaphore, #tpu.memory_space<semaphore_mem>> -> memref<1x!tpu.dma_semaphore, #tpu.memory_space<semaphore_mem>>
    %dma_wait3A_1428 = tpu.memref_squeeze %dma_wait3A_1427 : memref<1x!tpu.dma_semaphore, #tpu.memory_space<semaphore_mem>> -> memref<!tpu.dma_semaphore, #tpu.memory_space<semaphore_mem>>
    %dma_wait3A_1429 = arith.constant 944 : i32
    %dma_wait3A_1430 = arith.constant 0 : i32
    %dma_wait3A_1431 = arith.constant 0 : i32
    %dma_wait3A_1432 = tpu.memref_slice %arg1[%dma_wait3A_1429, %dma_wait3A_1430, %dma_wait3A_1431] : memref<1024x1000x64xf32, #tpu.memory_space<any>> -> memref<16x1000x64xf32, #tpu.memory_space<any>>
    tpu.wait_dma2 semaphore(%dma_wait3A_1428 : memref<!tpu.dma_semaphore, #tpu.memory_space<semaphore_mem>>) src(%arg5 : memref<16x1000x64xf32, #tpu.memory_space<vmem>>) dst(%dma_wait3A_1432 : memref<16x1000x64xf32, #tpu.memory_space<any>>)
    %dma_start3A_1433 = arith.constant 3 : i32
    %dma_start3A_1434 = tpu.memref_slice %arg6[%dma_start3A_1433] : memref<4x!tpu.dma_semaphore, #tpu.memory_space<semaphore_mem>> -> memref<1x!tpu.dma_semaphore, #tpu.memory_space<semaphore_mem>>
    %dma_start3A_1435 = tpu.memref_squeeze %dma_start3A_1434 : memref<1x!tpu.dma_semaphore, #tpu.memory_space<semaphore_mem>> -> memref<!tpu.dma_semaphore, #tpu.memory_space<semaphore_mem>>
    %dma_start3A_1436 = arith.constant 1008 : i32
    %dma_start3A_1437 = arith.constant 0 : i32
    %dma_start3A_1438 = arith.constant 0 : i32
    %dma_start3A_1439 = tpu.memref_slice %arg1[%dma_start3A_1436, %dma_start3A_1437, %dma_start3A_1438] : memref<1024x1000x64xf32, #tpu.memory_space<any>> -> memref<16x1000x64xf32, #tpu.memory_space<any>>
    tpu.enqueue_dma source(%arg5 : memref<16x1000x64xf32, #tpu.memory_space<vmem>>) target(%dma_start3A_1439 : memref<16x1000x64xf32, #tpu.memory_space<any>>) target_semaphore(%dma_start3A_1435 : memref<!tpu.dma_semaphore, #tpu.memory_space<semaphore_mem>>)
    %dma_wait3A_1440 = arith.constant 0 : i32
    %dma_wait3A_1441 = tpu.memref_slice %arg6[%dma_wait3A_1440] : memref<4x!tpu.dma_semaphore, #tpu.memory_space<semaphore_mem>> -> memref<1x!tpu.dma_semaphore, #tpu.memory_space<semaphore_mem>>
    %dma_wait3A_1442 = tpu.memref_squeeze %dma_wait3A_1441 : memref<1x!tpu.dma_semaphore, #tpu.memory_space<semaphore_mem>> -> memref<!tpu.dma_semaphore, #tpu.memory_space<semaphore_mem>>
    %dma_wait3A_1443 = arith.constant 960 : i32
    %dma_wait3A_1444 = arith.constant 0 : i32
    %dma_wait3A_1445 = arith.constant 0 : i32
    %dma_wait3A_1446 = tpu.memref_slice %arg1[%dma_wait3A_1443, %dma_wait3A_1444, %dma_wait3A_1445] : memref<1024x1000x64xf32, #tpu.memory_space<any>> -> memref<16x1000x64xf32, #tpu.memory_space<any>>
    tpu.wait_dma2 semaphore(%dma_wait3A_1442 : memref<!tpu.dma_semaphore, #tpu.memory_space<semaphore_mem>>) src(%arg2 : memref<16x1000x64xf32, #tpu.memory_space<vmem>>) dst(%dma_wait3A_1446 : memref<16x1000x64xf32, #tpu.memory_space<any>>)
    %dma_wait3A_1447 = arith.constant 1 : i32
    %dma_wait3A_1448 = tpu.memref_slice %arg6[%dma_wait3A_1447] : memref<4x!tpu.dma_semaphore, #tpu.memory_space<semaphore_mem>> -> memref<1x!tpu.dma_semaphore, #tpu.memory_space<semaphore_mem>>
    %dma_wait3A_1449 = tpu.memref_squeeze %dma_wait3A_1448 : memref<1x!tpu.dma_semaphore, #tpu.memory_space<semaphore_mem>> -> memref<!tpu.dma_semaphore, #tpu.memory_space<semaphore_mem>>
    %dma_wait3A_1450 = arith.constant 976 : i32
    %dma_wait3A_1451 = arith.constant 0 : i32
    %dma_wait3A_1452 = arith.constant 0 : i32
    %dma_wait3A_1453 = tpu.memref_slice %arg1[%dma_wait3A_1450, %dma_wait3A_1451, %dma_wait3A_1452] : memref<1024x1000x64xf32, #tpu.memory_space<any>> -> memref<16x1000x64xf32, #tpu.memory_space<any>>
    tpu.wait_dma2 semaphore(%dma_wait3A_1449 : memref<!tpu.dma_semaphore, #tpu.memory_space<semaphore_mem>>) src(%arg3 : memref<16x1000x64xf32, #tpu.memory_space<vmem>>) dst(%dma_wait3A_1453 : memref<16x1000x64xf32, #tpu.memory_space<any>>)
    %dma_wait3A_1454 = arith.constant 2 : i32
    %dma_wait3A_1455 = tpu.memref_slice %arg6[%dma_wait3A_1454] : memref<4x!tpu.dma_semaphore, #tpu.memory_space<semaphore_mem>> -> memref<1x!tpu.dma_semaphore, #tpu.memory_space<semaphore_mem>>
    %dma_wait3A_1456 = tpu.memref_squeeze %dma_wait3A_1455 : memref<1x!tpu.dma_semaphore, #tpu.memory_space<semaphore_mem>> -> memref<!tpu.dma_semaphore, #tpu.memory_space<semaphore_mem>>
    %dma_wait3A_1457 = arith.constant 992 : i32
    %dma_wait3A_1458 = arith.constant 0 : i32
    %dma_wait3A_1459 = arith.constant 0 : i32
    %dma_wait3A_1460 = tpu.memref_slice %arg1[%dma_wait3A_1457, %dma_wait3A_1458, %dma_wait3A_1459] : memref<1024x1000x64xf32, #tpu.memory_space<any>> -> memref<16x1000x64xf32, #tpu.memory_space<any>>
    tpu.wait_dma2 semaphore(%dma_wait3A_1456 : memref<!tpu.dma_semaphore, #tpu.memory_space<semaphore_mem>>) src(%arg4 : memref<16x1000x64xf32, #tpu.memory_space<vmem>>) dst(%dma_wait3A_1460 : memref<16x1000x64xf32, #tpu.memory_space<any>>)
    %dma_wait3A_1461 = arith.constant 3 : i32
    %dma_wait3A_1462 = tpu.memref_slice %arg6[%dma_wait3A_1461] : memref<4x!tpu.dma_semaphore, #tpu.memory_space<semaphore_mem>> -> memref<1x!tpu.dma_semaphore, #tpu.memory_space<semaphore_mem>>
    %dma_wait3A_1463 = tpu.memref_squeeze %dma_wait3A_1462 : memref<1x!tpu.dma_semaphore, #tpu.memory_space<semaphore_mem>> -> memref<!tpu.dma_semaphore, #tpu.memory_space<semaphore_mem>>
    %dma_wait3A_1464 = arith.constant 1008 : i32
    %dma_wait3A_1465 = arith.constant 0 : i32
    %dma_wait3A_1466 = arith.constant 0 : i32
    %dma_wait3A_1467 = tpu.memref_slice %arg1[%dma_wait3A_1464, %dma_wait3A_1465, %dma_wait3A_1466] : memref<1024x1000x64xf32, #tpu.memory_space<any>> -> memref<16x1000x64xf32, #tpu.memory_space<any>>
    tpu.wait_dma2 semaphore(%dma_wait3A_1463 : memref<!tpu.dma_semaphore, #tpu.memory_space<semaphore_mem>>) src(%arg5 : memref<16x1000x64xf32, #tpu.memory_space<vmem>>) dst(%dma_wait3A_1467 : memref<16x1000x64xf32, #tpu.memory_space<any>>)
    return
  }
}

</mosaic_0001>

<sc_bundles>
// kernel: kernel.4.cloned.1.call-start
scs
__scs_entry_jumppad:
0x0: {  	(pc) =	sbr.rel $0x88, $3  }
0x1: {  	(tag) =	ssettag $0x0;
	lr =	simm.s32 $0x1  }
0x2: {  	[smem:$0x3F9E] =	sst lr;
	_ =	strace $0xD0000000  }
0x3: {  	_ = 	snop  }
0x4: {  	_ = 	snop  }
0x5: {  	_ = 	snop  }
0x6: {  	_ = 	snop  }
0x7: {  	_ = 	snop  }
__scs_overlays_trampoline_lowered:
0x8: {  	[smem:$0x3FAD] =	sst s0  }
0x9: {  	[smem:$0x3FAE] =	sst s1  }
0xa: {  	[smem:$0x3FAF] =	sst s2  }
0xb: {  	[smem:$0x3FB0] =	sst s3  }
0xc: {  	[smem:$0x3FB1] =	sst s4  }
0xd: {  	[smem:$0x3FB2] =	sst s5  }
0xe: {  	[smem:$0x3FB3] =	sst s6  }
0xf: {  	[smem:$0x3FB4] =	sst s7  }
0x10: {  	[smem:$0x3FB5] =	sst s8  }
0x11: {  	[smem:$0x3FB6] =	sst s9;
	s0 =	simm.s32 @!p0 $0x0  }
0x12: {  	s1 =	sld [smem:$0x3F9C];
	s0 =	simm.s32 @p0 $0x1  }
0x13: {  	[smem:$0x3FB7] =	sst s0;
	s0 =	simm.s32 @!p1 $0x0  }
0x14: {  	s2 =	sld [smem:$0x3F9B];
	s0 =	simm.s32 @p1 $0x1  }
0x15: {  	[smem:$0x3FB8] =	sst s0;
	s0 =	simm.s32 @!p2 $0x0  }
0x16: {  	s3 =	sld [smem:$0x3FDB];
	s0 =	simm.s32 @p2 $0x1  }
0x17: {  	s4 =	simm.s32 $0x1BF5;
	[smem:$0x3FBA] =	sst s0  }
0x18: {  	s0 =	sld [smem:$0x3F9D];
	_ =	swait.ge [sflag:s4], $0x0  }
0x19: {  	s7 =	sld [smem:$0x3F9E]  }
0x1a: {  	s8 =	sadd.s32 $0xFFFFE003, lr  }
0x1b: {  	s9 =	sadd.s32 $0xFFFFFEF7, lr;
	s5 =	simm.s32 $0xFFFFFFFF;
	p2 =	slt.u32 s8, $0xFFFFF086  }
0x1c: {  	p1 =	slt.u32 s9, $0xF7A;
	s5 =	simm.s32 @!p2 $0x0  }
0x1d: {  	s5 =	simm.s32 @p1 $0x1;
	p0 =	seq.s32 s7, s2  }
0x1e: {  	s7 =	smul.u32 @!p0 $0xF7A, s2;
	p2 =	seq.s32 @!p0 s5, $0x0  }
0x1f: {  	s9 =	smul.u32 $0xF7A, s1;
	s8 =	simm.s32 @!p0 $0x1BF5;
	p2 =	por !p2, p0  }
0x20: {  	[sflag:s8] =	ssyncset.s32 @!p0 $0xFFFFF086;
	s6 =	sadd.s32 @!p0 s3, s7;
	s7 =	simm.s32 @!p0 $0x108  }
0x21: {  	s3 =	sadd.s32 s3, s9;
	s6 =	sadd.s32 @!p0 $0x88, s6;
	s7 =	simm.s32 @p2 $0x1082  }
0x22: {  	[simem:s7], [sflag:s8] =	dma.local @!p0 [hbm:s6], $0xF7A  }
0x23: {  	s9 =	sor.u32 $0xD0000000, s2;
	s6 =	simm.s32 $0x108;
	_ =	swait.ge @!p0 [sflag:s8], $0x0  }
0x24: {  	s3 =	sadd.s32 $0x88, s3;
	s6 =	simm.s32 @!p1 $0x1082;
	[sflag:s4] =	ssyncset.s32 $0xFFFFF086  }
0x25: {  	[simem:s6], [sflag:s4] =	dma.local [hbm:s3], $0xF7A  }
0x26: {  	[smem:$0x3F9E] =	sst s1;
	(tag) =	ssettag s2;
	_ =	strace s9  }
0x27: {  	s1 =	sld [smem:$0x3FAE]  }
0x28: {  	s2 =	sld [smem:$0x3FAF]  }
0x29: {  	s4 =	sld [smem:$0x3FB1]  }
0x2a: {  	p0 =	seq.s32 s5, $0x0;
	s5 =	sld [smem:$0x3FB2]  }
0x2b: {  	s6 =	sld [smem:$0x3FB3]  }
0x2c: {  	s7 =	sld [smem:$0x3FB4]  }
0x2d: {  	s3 =	simm.s32 $0x108;
	s8 =	sld [smem:$0x3FB5]  }
0x2e: {  	s3 =	simm.s32 @!p0 $0x1082;
	s9 =	sld [smem:$0x3FB6]  }
0x2f: {  	lr =	sadd.s32 s0, s3;
	s0 =	sld [smem:$0x3FAD]  }
0x30: {  	s3 =	sld [smem:$0x3FB0]  }
0x31: {  	[smem:$0x3FB9] =	sst s10  }
0x32: {  	s10 =	sld [smem:$0x3FB7];
	_ =	sdelay $0x3  }
0x33: {  	p0 =	seq.s32 s10, $0x1;
	s10 =	sld [smem:$0x3FB9];
	_ =	sdelay $0x3  }
0x34: {  	[smem:$0x3FB9] =	sst s10  }
0x35: {  	s10 =	sld [smem:$0x3FB8];
	_ =	sdelay $0x3  }
0x36: {  	p1 =	seq.s32 s10, $0x1;
	s10 =	sld [smem:$0x3FB9];
	_ =	sdelay $0x3  }
0x37: {  	[smem:$0x3FB9] =	sst s10  }
0x38: {  	s10 =	sld [smem:$0x3FBA]  }
0x39: {  	_ = 	snop;
	(pc) =	sbr.ind lr, $3  }
0x3a: {  	_ = 	snop  }
0x3b: {  	_ = 	snop  }
0x3c: {  	p2 =	seq.s32 s10, $0x1;
	s10 =	sld [smem:$0x3FB9]  }
0x3d: {  	_ =	shalt  }
0x3e: {  	_ =	shalt  }
0x3f: {  	_ =	shalt  }
0x40: {  	_ =	shalt  }
0x41: {  	_ =	shalt  }
0x42: {  	_ =	shalt  }
0x43: {  	_ =	shalt  }
0x44: {  	_ =	shalt  }
0x45: {  	_ =	shalt  }
0x46: {  	_ =	shalt  }
0x47: {  	_ =	shalt  }
0x48: {  	_ =	shalt  }
0x49: {  	_ =	shalt  }
0x4a: {  	_ =	shalt  }
0x4b: {  	_ =	shalt  }
0x4c: {  	_ =	shalt  }
0x4d: {  	_ =	shalt  }
0x4e: {  	_ =	shalt  }
0x4f: {  	_ =	shalt  }
0x50: {  	_ =	shalt  }
0x51: {  	_ =	shalt  }
0x52: {  	_ =	shalt  }
0x53: {  	_ =	shalt  }
0x54: {  	_ =	shalt  }
0x55: {  	_ =	shalt  }
0x56: {  	_ =	shalt  }
0x57: {  	_ =	shalt  }
0x58: {  	_ =	shalt  }
0x59: {  	_ =	shalt  }
0x5a: {  	_ =	shalt  }
0x5b: {  	_ =	shalt  }
0x5c: {  	_ =	shalt  }
0x5d: {  	_ =	shalt  }
0x5e: {  	_ =	shalt  }
0x5f: {  	_ =	shalt  }
0x60: {  	_ =	shalt  }
0x61: {  	_ =	shalt  }
0x62: {  	_ =	shalt  }
0x63: {  	_ =	shalt  }
0x64: {  	_ =	shalt  }
0x65: {  	_ =	shalt  }
0x66: {  	_ =	shalt  }
0x67: {  	_ =	shalt  }
0x68: {  	_ =	shalt  }
0x69: {  	_ =	shalt  }
0x6a: {  	_ =	shalt  }
0x6b: {  	_ =	shalt  }
0x6c: {  	_ =	shalt  }
0x6d: {  	_ =	shalt  }
0x6e: {  	_ =	shalt  }
0x6f: {  	_ =	shalt  }
0x70: {  	_ =	shalt  }
0x71: {  	_ =	shalt  }
0x72: {  	_ =	shalt  }
0x73: {  	_ =	shalt  }
0x74: {  	_ =	shalt  }
0x75: {  	_ =	shalt  }
0x76: {  	_ =	shalt  }
0x77: {  	_ =	shalt  }
0x78: {  	_ =	shalt  }
0x79: {  	_ =	shalt  }
0x7a: {  	_ =	shalt  }
0x7b: {  	_ =	shalt  }
0x7c: {  	_ =	shalt  }
0x7d: {  	_ =	shalt  }
0x7e: {  	_ =	shalt  }
0x7f: {  	_ =	shalt  }
0x80: {  	_ =	shalt  }
0x81: {  	_ =	shalt  }
0x82: {  	_ =	shalt  }
0x83: {  	_ =	shalt  }
0x84: {  	_ =	shalt  }
0x85: {  	_ =	shalt  }
0x86: {  	_ =	shalt  }
0x87: {  	_ =	shalt  }
.Lfunc_end0:
.L_simem_size_0:
called_computation_lowered:
.L_overlay_start_0:
0x88: {  	s2 =	sld [smem:$0x3FD9]  }
0x89: {  	s3 =	sld [smem:$0x3FFE];
	_ =	sdelay $0x1  }
0x8a: {  	s1 =	srdreg.scid  }
0x8b: {  	s0 =	sand.u32 $0x1, s1  }
0x8c: {  	s14 =	sshll.u32 s0, $0xA;
	s2 =	sadd.s32 s3, s2  }
0x8d: {  	s2 =	sadd.s32 s2, s14  }
0x8e: {  	[smem:$0x3FC5] =	sst s2  }
0x8f: {  	_ = 	snop  }
0x90: {  	s2 =	sld [smem:$0x3FD0];
	_ =	sdelay $0x2  }
0x91: {  	s4 =	simm.s32 $0xA;
	s5 =	simm.s32 $0x10;
	s15 =	sld [smem:$0x3FC8]  }
0x92: {  	[smem:s5], [sflag:s4] =	dma.local [hbm:s2], $0x1  }
0x93: {  	_ =	swait.eq [sflag:s4], $0x1  }
0x94: {  	[sflag:s4] =	ssyncset.done $0x0  }
0x95: {  	s16 =	sld [smem:$0x10];
	[sflag:s4] =	ssyncadd.s32 $0xFFFFFFFF  }
0x96: {  	s17 =	sld [smem:$0x11];
	(tm) =	ssettm $0x1  }
0x97: {  	s18 =	sld [smem:$0x3FFB];
	_ =	sdelay $0x3  }
0x98: {  	_ =	strace s18  }
0x99: {  	s5 =	sld [smem:$0x3FFC];
	_ =	sdelay $0x3  }
0x9a: {  	_ =	strace s5  }
0x9b: {  	s5 =	sld [smem:$0x3FFD];
	_ =	sdelay $0x3  }
0x9c: {  	_ =	strace s5  }
0x9d: {  	_ =	strace $0x8FFFFFFF  }
0x9e: {  	s19 =	sld [smem:$0x3FDB];
	_ =	sdelay $0x1  }
0x9f: {  	s6 =	simm.s32 $_scs_section_size  }
0xa0: {  	s7 =	simm.s32 $_size__tile_overlayer_lowered;
	s8 =	simm.s32 $_tile_overlayer_lowered  }
0xa1: {  	s22 =	simm.s32 $0x1BFF;
	s21 =	sshll.u32 s8, $0x1;
	s5 =	sadd.s32 s6, s19  }
0xa2: {  	s9 =	simm.s32 $0x0;
	s20 =	sshll.u32 s7, $0x1;
	s7 =	sadd.s32 s21, s5  }
0xa3: {  	[timem:s9], [sflag:s22] =	dma.local [hbm:s7], s20  }
0xa4: {  	_ =	swait.ge [sflag:s22], s20  }
0xa5: {  	s6 =	ssub.s32 $0x0, s20;
	[sflag:s22] =	ssyncset.done $0x0  }
0xa6: {  	[sflag:s22] =	ssyncadd.s32 s6;
	_ =	sdelay $0x1  }
0xa7: {  	s23 =	simm.s32 $0x1B8B  }
0xa8: {  	_ =	swait.ge [sflag:s23], $0x1  }
0xa9: {  	[sflag:s23] =	ssyncset.done $0x0  }
0xaa: {  	s25 =	simm.s32 $0x1B8E;
	s24 =	sld [smem:$0x3FFE];
	[sflag:s23] =	ssyncadd.s32 $0xFFFFFFFF  }
0xab: {  	s26 =	simm.s32 $execute0_lowered;
	[smem:$0x3FD2] =	sst s25  }
0xac: {  	s7 =	sshll.u32 s26, $0x1;
	_ =	strace $0x80000046;
	[dreg:$0x1] =	wrdreg $0xFFFFFFFF  }
0xad: {  	s28 =	simm.s32 $_size_execute0_lowered;
	s5 =	sadd.s32 s5, s7;
	[dreg:$0x0] =	wrdreg $0x0  }
0xae: {  	s7 =	sshll.u32 s28, $0x1;
	[dreg:$0x2] =	wrdreg s5  }
0xaf: {  	[dreg:$0x3] =	wrdreg s7  }
0xb0: {  	[dreg:$0x4] =	wrdreg $0xC0  }
0xb1: {  	_ =	task [dreg:s9], $0x5FFFF  }
0xb2: {  	[dreg:$0x1] =	wrdreg $0xFFFFFFFF  }
0xb3: {  	[dreg:$0x0] =	wrdreg $0x60  }
0xb4: {  	[dreg:$0x2] =	wrdreg s17  }
0xb5: {  	[dreg:$0x3] =	wrdreg s15  }
0xb6: {  	[dreg:$0x4] =	wrdreg s16  }
0xb7: {  	[dreg:$0x5] =	wrdreg s24  }
0xb8: {  	[dreg:$0x6] =	wrdreg $0x9  }
0xb9: {  	_ =	task.clear_ibuf [dreg:s9], $0x7FFFF;
	_ =	strace $0x90000046  }
0xba: {  	s29 =	simm.s32 $0x9;
	_ =	strace $0x80000048  }
0xbb: {  	_ =	swait.ge [sflag:s29], $0x1  }
0xbc: {  	[sflag:s29] =	ssyncadd.s32 $0xFFFFFFFF  }
0xbd: {  	_ =	strace $0x90000048  }
0xbe: {  	_ =	sfence  }
0xbf: {  	s30 =	sld [smem:$0x0];
	_ =	sdelay $0x2  }
0xc0: {  	s31 =	sshll.u32 s1, $0xD;
	s1 =	sshrl.u32 s1, $0x2  }
0xc1: {  	s3 =	sand.u32 $0x4000, s31;
	s1 =	sadd.s32 s1, s30  }
0xc2: {  	s0 =	sor.u32 s3, s0;
	s1 =	sshll.u32 s1, $0x11  }
0xc3: {  	s0 =	sor.u32 s1, s0  }
0xc4: {  	s0 =	sadd.s32 $0x8F2B, s0  }
0xc5: {  	[sflag:s0] =	ssyncadd.remote.s32 $0x1  }
0xc6: {  	_ =	sfence.sel $0xFFFF  }
0xc7: {  	[dreg:$0x0] =	wrdreg $0xFFFFFFFF;
	(pc) =	sbr.abs _section_cstart, $3  }
0xc8: {  	[dreg:$0x1] =	wrdreg $0xFFFFFFFF  }
0xc9: {  	_ =	task.clear_ibuf [dreg:s9], $0x2FFFF;
	_ =	strace $0x9FFFFFFF  }
0xca: {  	(tm) =	ssettm $0x7FFFFFFF  }
0xcb: {  	_ =	shalt  }
tec
execute0_lowered:
.L_overlay_start_1:
0x0: {  	(tag) =	ssettag $0x1  }
0x1: {  	v1 =	vimm.s32 $0x87654321;
	v0 =	vlaneseq.u32  }
0x2: {  	v4 =	vimm.s32 $0x98765432;
	v5 =	vimm.s32 $0xFFFEDCBA;
	vm1 =	vmmov $0x7fff  }
0x3: {  	vm3 =	vmmov $0x3fff;
	vm9 =	vcmask $0x1F00;
	vm4 =	vcmask $0x2F20  }
0x4: {  	v9 =	vimm.s32 $0xF0E0D0C;
	vm2 =	vmmov $0x1fff;
	v10 =	vimm.s32 $0xF0F0E0D  }
0x5: {  	v11 =	vimm.s32 $0xFEDCBA98;
	vm0 =	vmmov $0xfff;
	v17 =	vimm.s32 $0x0  }
0x6: {  	vm6 =	vmmov $0x1ff;
	vm7 =	vmmov $0xff;
	vm12 =	vcmask $0xF00  }
0x7: {  	v19 =	vimm.s32 $0x0;
	v2 =	vunpack.c.l.s4.s8 v1;
	v1 =	vimm.s32 $0xFFEDCBA9  }
0x8: {  	v4 =	vunpack.c.l.s4.s8 v4;
	v5 =	vunpack.c.l.s4.s8 v5;
	v15 =	vunpack.c.0.s8.s32 v9  }
0x9: {  	v9 =	vimm.s32 $0xDCBA9876;
	v16 =	vunpack.c.0.s8.s32 v10;
	v10 =	vimm.s32 $0xEDCBA987  }
0xa: {  	v17 =	vsel vm0, $0xFFFFFFFF, v17;
	v11 =	vunpack.c.l.s4.s8 v11;
	v3 =	vunpack.c.l.s4.s8 v1  }
0xb: {  	v9 =	vunpack.c.l.s4.s8 v9;
	v10 =	vunpack.c.l.s4.s8 v10;
	v6 =	vunpack.c.0.s8.s32 v2  }
0xc: {  	s0 =	srdreg.scid;
	v2 =	vimm.s32 $0xA9876543;
	v7 =	vunpack.c.0.s8.s32 v4;
	v13 =	vunpack.c.0.s8.s32 v5  }
0xd: {  	s6 =	sand.u32 $0x1, s0;
	v11 =	vunpack.c.0.s8.s32 v11;
	v12 =	vunpack.c.0.s8.s32 v3;
	v8 =	vunpack.c.l.s4.s8 v2  }
0xe: {  	s0 =	stileid.u32;
	s1 =	sshll.u32 s6, $0x4;
	v9 =	vunpack.c.0.s8.s32 v9;
	v10 =	vunpack.c.0.s8.s32 v10;
	v5 =	vcombine.low v7, v13  }
0xf: {  	s16 =	sor.u32 s0, s1;
	v7 =	vimm.s32 $0xBA987654;
	v11 =	vnsel vm9, $0xF, v11;
	v4 =	vcombine.low v6, v12  }
0x10: {  	s1 =	sshll.u32 s16, $0x5;
	v6 =	vunpack.c.0.s8.s32 v8;
	v8 =	vimm.s32 $0xE0D0C0B;
	v7 =	vunpack.c.l.s4.s8 v7  }
0x11: {  	s2 =	sor.u32 $0x400, s1;
	v13 =	vnsel vm9, $0xF, v13;
	v14 =	vunpack.c.0.s8.s32 v8;
	v8 =	vimm.s32 $0xCBA98765  }
0x12: {  	v1 =	vor.u32 s2, v0;
	v7 =	vunpack.c.0.s8.s32 v7;
	v8 =	vunpack.c.l.s4.s8 v8  }
0x13: {  	s3 =	rddreg [dreg:$0x1];
	v9 =	vnsel vm9, $0xF, v9;
	v10 =	vnsel vm9, $0xF, v10;
	v12 =	vnsel vm9, $0xF, v12  }
0x14: {  	s9 =	rddreg [dreg:$0x2];
	v6 =	vnsel vm9, $0xF, v6;
	v7 =	vnsel vm9, $0xF, v7;
	v8 =	vunpack.c.0.s8.s32 v8  }
0x15: {  	s8 =	rddreg [dreg:$0x3];
	v6 =	vsel vm4, v14, v6;
	v14 =	vnsel vm12, $0xF, v14;
	v7 =	vsel vm4, v15, v7  }
0x16: {  	s4 =	rddreg [dreg:$0x4];
	s5 =	simm.s32 $0x0;
	v8 =	vnsel vm9, $0xF, v8;
	vm9 =	vmmov vm6;
	vm6 =	vmmov $0x1f  }
0x17: {  	[smem:$0x7FF] =	sst s5;
	[tilespmem:$0x1FF90] =	vst v17;
	v15 =	vnsel vm12, $0xF, v15;
	v8 =	vsel vm4, v16, v8;
	v19 =	vsel vm6, $0xFFFFFFFF, v19  }
0x18: {  	s2 =	rddreg [dreg:$0x0];
	_ =	strace $0x80000047;
	v16 =	vnsel vm12, $0xF, v16;
	vm12 =	vmmov vm7;
	[tilespmem:$0x1FFB0] =	vst v19;
	v19 =	vimm.s32 $0x0  }
0x19: {  	vm5 =	vcmask $0x2320;
	vm8 =	vmmov $0x3f;
	s13 =	simm.s32 $0x800;
	v19 =	vsel vm12, $0xFFFFFFFF, v19  }
0x1a: {  	s14 =	simm.s32 $0x840;
	vm10 =	vmmov $0xf;
	s15 =	simm.s32 $0x400;
	s17 =	simm.s32 $0x1040;
	vm7 =	vmmov $0x7;
	[tilespmem:$0x1FFC0] =	vst v19;
	v19 =	vimm.s32 $0x0  }
0x1b: {  	s18 =	simm.s32 $0x2;
	s19 =	simm.s32 $0x1;
	vm0 =	vmmov $0x7f;
	s6 =	ssub.s32 $0x2, s6;
	v17 =	vimm.s32 $0x0;
	v19 =	vsel vm7, $0xFFFFFFFF, v19  }
0x1c: {  	vm13 =	vcmask $0x300;
	s20 =	simm.s32 $0x0;
	s7 =	sshrl.u32 s6, $0x1;
	v17 =	vsel vm0, $0xFFFFFFFF, v17;
	s10 =	sshll.u32 s16, $0x8;
	[tilespmem:$0x1FFD0] =	vst v19;
	v19 =	vimm.s32 $0x0  }
0x1d: {  	vm14 =	vmmov $0x1;
	v3 =	vimm.s32 $0xFFFFFFFF;
	s12 =	ssub.s32 s6, s7;
	p0 =	seq.s32 s16, $0x1F;
	s31 =	sor.u32 $0x410, s1;
	[tilespmem:$0x1FFA0] =	vst v17;
	v19 =	vsel vm3, $0xFFFFFFFF, v19  }
0x1e: {  	s16 =	simm.s32 $0x820;
	s11 =	sadd.s32 s10, s8;
	s6 =	sor.u32 $0x10, s1;
	v2 =	vor.u32 s31, v0;
	v17 =	vimm.s32 $0xF;
	[tilespmem:$0x1FFE0] =	vst v19;
	v19 =	vimm.s32 $0x0  }
0x1f: {  	s8 =	sadd.s32 $0x2700, s8;
	s9 =	sadd.s32 s9, s10;
	s10 =	smax.u32 s12, $0x1;
	v9 =	vsel vm5, $0xE, v9;
	vm5 =	vmmov $0x3ff;
	v19 =	vsel vm8, $0xFFFFFFFF, v19  }
0x20: {  	s12 =	simm.s32 $0x20;
	s7 =	sadd.s32 $0x800, s11;
	s11 =	simm.s32 $0x3;
	v18 =	vsel vm13, $0xE, v17;
	vm13 =	vmmov $0x3;
	vm4 =	vmmov $0x7ff;
	[tilespmem:$0x1FFF0] =	vst v19  }
.LBB2_1:
0x21: {  	[tilespmem:s5], [sflag:$0x3] =	stream.linear.gather [hbm4b:s3+s5], $0x400, $0x38;
	[tilespmem:$0x1840] =	vst v63  }
0x22: {  	_ =	swait.ge [sflag:s11], $0x400  }
0x23: {  	[sflag:s11] =	ssyncset.done $0x0  }
0x24: {  	[sflag:s11] =	ssyncadd.s32 $0xFFFFFC00  }
0x25: {  	v19 =	vld [tilespmem:s1+$0x0];
	_ =	sdelay $0x4  }
0x26: {  	v19 =	vadd.s32 $0x400, v19  }
0x27: {  	[tilespmem:$0x800] =	vst v19  }
0x28: {  	v19 =	vld [tilespmem:s6+$0x0];
	_ =	sdelay $0x4  }
0x29: {  	v19 =	vadd.s32 $0x400, v19  }
0x2a: {  	s21 =	simm.s32 $0x0;
	[tilespmem:$0x810] =	vst v19  }
0x2b: {  	[tilespmem:s14], [sflag:$0x1] =	stream.indirect.gather [hbm4b:s2+s12], $0x40, s13, s12, $0xb8;
	[tilespmem:$0x1840] =	vst v63  }
.LBB2_2:
0x2c: {  	p1 =	sne.s32 s21, $0xFC0  }
.Ltmp0:
0x2d: {  	_ = 	snop;
	(pc) =	sbr.rel @p1 .LBB2_2-.Ltmp0, $3  }
0x2e: {  	_ =	sdelay $0x1  }
0x2f: {  	s22 =	sshra.s32 s21, $0x2  }
0x30: {  	s21 =	sadd.s32 $0x40, s21;
	[tilespmem:s22+$0x400] =	vst v3  }
0x31: {  	s21 =	simm.s32 $0x0  }
0x32: {  	v19 =	vld [tilespmem:s21+$0x0];
	_ =	sdelay $0x4  }
0x33: {  	v20 =	vperm.xlane v19, v4;
	_ =	sdelay $0x1  }
0x34: {  	v24 =	vperm.xlane v19, v5;
	vm7 =	veq.s32 v20, v19  }
0x35: {  	v47 =	vimm.s32 $0x0;
	vm7 =	vmand vm7, vm1  }
0x36: {  	vm15 =	veq.s32 v24, v19;
	v24 =	vsel vm7, $0xFFFFFFFF, v47  }
0x37: {  	[tilespmem:$0x1FEA0] =	vst v24  }
0x38: {  	v26 =	vld [tilespmem:$0x1FEA0];
	_ =	sdelay $0x1  }
0x39: {  	v22 =	vperm.xlane v19, v6;
	_ =	sdelay $0x1  }
0x3a: {  	v20 =	vperm.xlane v19, v8;
	vm0 =	veq.s32 v22, v19  }
0x3b: {  	vm15 =	vmand vm15, vm3;
	vm7 =	vmand vm0, vm2;
	vm0 =	vnez.u8 v26  }
0x3c: {  	vm15 =	vmor vm0, vm15  }
0x3d: {  	vm0 =	vmor vm15, vm7;
	vm15 =	veq.s32 v20, v19;
	v20 =	vld [tilespmem:$0x1FF90];
	_ =	sdelay $0x2  }
0x3e: {  	v49 =	vimm.s32 $0x0  }
0x3f: {  	v22 =	vsel vm0, $0xFFFFFFFF, v49  }
0x40: {  	vm7 =	vmand vm15, vm4;
	vm3 =	vnez.u8 v20;
	v20 =	vimm.s32 $0x0  }
0x41: {  	[tilespmem:$0x1FEB0] =	vst v22;
	v20 =	vsel vm7, $0xFFFFFFFF, v20  }
0x42: {  	[tilespmem:$0x1FEC0] =	vst v20;
	v20 =	vld [tilespmem:$0x1FEB0];
	_ =	sdelay $0x4  }
0x43: {  	vm7 =	vnez.u8 v20;
	v20 =	vld [tilespmem:$0x1FEC0]  }
0x44: {  	v46 =	vperm.xlane v19, v7  }
0x45: {  	v48 =	vperm.xlane v19, v9  }
0x46: {  	vm11 =	veq.s32 v46, v19  }
0x47: {  	v25 =	vperm.xlane v19, v10;
	vm15 =	veq.s32 v48, v19;
	vm0 =	vmand vm11, vm3  }
0x48: {  	vm11 =	vmor vm7, vm0;
	vm7 =	vmand vm15, vm5;
	vm15 =	vnez.u8 v20  }
0x49: {  	vm11 =	vmor vm11, vm15;
	vm15 =	veq.s32 v25, v19  }
0x4a: {  	v50 =	vimm.s32 $0x0;
	vm15 =	vmand vm15, vm9  }
0x4b: {  	v22 =	vsel vm15, $0xFFFFFFFF, v50  }
0x4c: {  	[tilespmem:$0x1FED0] =	vst v22  }
0x4d: {  	v52 =	vld [tilespmem:$0x1FED0];
	_ =	sdelay $0x2  }
0x4e: {  	v23 =	vperm.xlane v19, v11  }
0x4f: {  	v20 =	vperm.xlane v19, v12  }
0x50: {  	vm15 =	vmor vm11, vm7;
	vm7 =	veq.s32 v23, v19;
	vm11 =	vnez.u8 v52  }
0x51: {  	vm11 =	vmor vm15, vm11;
	vm15 =	veq.s32 v20, v19;
	v20 =	vimm.s32 $0x0  }
0x52: {  	v20 =	vsel vm15, $0xFFFFFFFF, v20;
	vm15 =	vmand vm7, vm12  }
0x53: {  	v53 =	vimm.s32 $0x0;
	vm7 =	vmor vm11, vm15  }
0x54: {  	v56 =	vld [tilespmem:$0x1FFA0];
	[tilespmem:$0x1FEE0] =	vst v20;
	v23 =	vsel vm7, $0xFFFFFFFF, v53  }
0x55: {  	v55 =	vld [tilespmem:$0x1FEE0];
	[tilespmem:$0x1FEF0] =	vst v23  }
0x56: {  	v57 =	vld [tilespmem:$0x1FEF0]  }
0x57: {  	v51 =	vperm.xlane v19, v13;
	_ =	sdelay $0x1  }
0x58: {  	v54 =	vimm.s32 $0x0;
	vm7 =	veq.s32 v51, v19  }
0x59: {  	vm11 =	vnez.u8 v56;
	v22 =	vsel vm7, $0xFFFFFFFF, v54;
	vm7 =	vnez.u8 v55  }
0x5a: {  	v20 =	vperm.xlane v19, v14;
	vm15 =	vmand vm7, vm11;
	vm7 =	vnez.u8 v57  }
0x5b: {  	v58 =	vimm.s32 $0x0;
	[tilespmem:$0x1FF00] =	vst v22;
	vm7 =	vmor vm7, vm15  }
0x5c: {  	v22 =	vsel vm7, $0xFFFFFFFF, v58;
	vm7 =	veq.s32 v20, v19;
	v20 =	vld [tilespmem:$0x1FF00];
	_ =	sdelay $0x3  }
0x5d: {  	[tilespmem:$0x1FF10] =	vst v22  }
0x5e: {  	vm15 =	vnez.u8 v20;
	v20 =	vld [tilespmem:$0x1FF10];
	_ =	sdelay $0x4  }
0x5f: {  	vm0 =	vmmov vm9;
	vm15 =	vmand vm15, vm8;
	vm9 =	vnez.u8 v20  }
0x60: {  	v20 =	vimm.s32 $0x0;
	vm15 =	vmor vm9, vm15  }
0x61: {  	v20 =	vsel vm15, $0xFFFFFFFF, v20  }
0x62: {  	[tilespmem:$0x1FF30] =	vst v20  }
0x63: {  	v21 =	vperm.xlane v19, v15;
	v63 =	vld [tilespmem:$0x1FF30];
	_ =	sdelay $0x1  }
0x64: {  	vm15 =	veq.s32 v21, v19;
	v20 =	vimm.s32 $0x0  }
0x65: {  	v20 =	vsel vm15, $0xFFFFFFFF, v20  }
0x66: {  	[tilespmem:$0x1FF20] =	vst v20;
	v20 =	vperm.xlane v19, v16  }
0x67: {  	vm11 =	vmmov vm0;
	vm15 =	vmand vm7, vm6;
	v61 =	vld [tilespmem:$0x1FF20];
	vm0 =	vnez.u8 v63  }
0x68: {  	vm9 =	vmmov vm3;
	vm3 =	vmor vm0, vm15;
	vm15 =	veq.s32 v20, v19;
	v20 =	vld [tilespmem:$0x1FFD0];
	_ =	sdelay $0x3  }
0x69: {  	vm7 =	vnez.u8 v61  }
0x6a: {  	v62 =	vimm.s32 $0x0;
	vm7 =	vmand vm7, vm10;
	vm0 =	vnez.u8 v20  }
0x6b: {  	v23 =	vsel vm7, $0xFFFFFFFF, v62;
	v20 =	vimm.s32 $0x0;
	vm15 =	vmand vm15, vm0  }
0x6c: {  	[tilespmem:$0x1FF40] =	vst v23;
	v20 =	vsel vm15, $0xFFFFFFFF, v20  }
0x6d: {  	[tilespmem:$0x1FF50] =	vst v20;
	v20 =	vld [tilespmem:$0x1FF40];
	_ =	sdelay $0x3  }
0x6e: {  	v59 =	vperm.xlane v19, v18  }
0x6f: {  	vm15 =	vnez.u8 v20  }
0x70: {  	vm3 =	vmor vm3, vm15;
	vm15 =	veq.s32 v59, v19  }
0x71: {  	v20 =	vimm.s32 $0x0;
	vm15 =	vmand vm15, vm13  }
0x72: {  	v20 =	vsel vm15, $0xFFFFFFFF, v20  }
0x73: {  	[tilespmem:$0x1FF60] =	vst v20;
	v20 =	vld [tilespmem:$0x1FF50];
	_ =	sdelay $0x3  }
0x74: {  	v60 =	vperm.xlane v19, v17  }
0x75: {  	vm15 =	vnez.u8 v20  }
0x76: {  	v20 =	vimm.s32 $0x0;
	vm15 =	vmor vm3, vm15;
	vm3 =	veq.s32 v60, v19  }
0x77: {  	v20 =	vsel vm3, $0xFFFFFFFF, v20  }
0x78: {  	[tilespmem:$0x1FF70] =	vst v20;
	v20 =	vld [tilespmem:$0x1FF60];
	_ =	sdelay $0x4  }
0x79: {  	vm3 =	vnez.u8 v20  }
0x7a: {  	v20 =	vimm.s32 $0x0;
	vm3 =	vmor vm15, vm3  }
0x7b: {  	v20 =	vsel vm3, $0xFFFFFFFF, v20  }
0x7c: {  	[tilespmem:$0x1FF80] =	vst v20;
	v20 =	vld [tilespmem:$0x1FF70];
	_ =	sdelay $0x4  }
0x7d: {  	vm3 =	vnez.u8 v20;
	v20 =	vld [tilespmem:$0x1FF80];
	_ =	sdelay $0x4  }
0x7e: {  	vm15 =	vmand vm3, vm14;
	vm3 =	vnez.u8 v20  }
0x7f: {  	vm15 =	vmor vm3, vm15  }
0x80: {  	s22 =	simm.s32 $0x10;
	s23 =	simm.s32 $0x0;
	vm12 =	vmmov vm11;
	vm15 =	vmneg vm15  }
.LBB2_4:
0x81: {  	_ =	sdelay $0x3  }
0x82: {  	v20 =	vor.u32 s23, v0  }
0x83: {  	s21 =	sadd.s32 $0x10, s21;
	[tilespmem:v19+s15+$0x0] =	vst.idx.msk vm15, v20  }
0x84: {  	v19 =	vld [tilespmem:s21+$0x0];
	_ =	sdelay $0x1  }
0x85: {  	v58 =	vld [tilespmem:$0x1FFE0];
	_ =	sdelay $0x1  }
0x86: {  	vm6 =	vmmov vm1;
	vm8 =	vmmov vm2;
	vm7 =	vmmov vm14  }
0x87: {  	vm14 =	vmmov vm13;
	vm13 =	vmmov vm10;
	v20 =	vperm.xlane v19, v4  }
0x88: {  	vm10 =	vmmov vm4;
	v22 =	vperm.xlane v19, v6;
	v57 =	vperm.xlane v19, v7  }
0x89: {  	vm11 =	vnez.u8 v58;
	v25 =	vperm.xlane v19, v5;
	v26 =	vperm.xlane v19, v9  }
0x8a: {  	vm15 =	veq.s32 v20, v19;
	v20 =	vperm.xlane v19, v8;
	vm0 =	veq.s32 v22, v19  }
0x8b: {  	vm3 =	veq.s32 v25, v19;
	vm15 =	vmand vm15, vm1;
	vm0 =	vmand vm0, vm2  }
0x8c: {  	v61 =	vld [tilespmem:$0x1FFA0];
	vm1 =	veq.s32 v57, v19;
	vm3 =	vmand vm3, vm11;
	vm2 =	veq.s32 v20, v19  }
0x8d: {  	v20 =	vperm.xlane v19, v12;
	vm3 =	vmor vm15, vm3;
	vm1 =	vmand vm1, vm9  }
0x8e: {  	vm2 =	vmand vm2, vm4;
	vm4 =	veq.s32 v26, v19;
	vm0 =	vmor vm3, vm0  }
0x8f: {  	vm4 =	vmand vm4, vm5;
	vm0 =	vmor vm0, vm1  }
0x90: {  	vm1 =	veq.s32 v20, v19;
	v20 =	vperm.xlane v19, v14;
	vm0 =	vmor vm0, vm2  }
0x91: {  	vm0 =	vmor vm0, vm4;
	vm4 =	vnez.u8 v61  }
0x92: {  	vm1 =	vmand vm1, vm4;
	vm4 =	veq.s32 v20, v19;
	v20 =	vld [tilespmem:$0x1FFF0]  }
0x93: {  	v24 =	vperm.xlane v19, v10;
	_ =	sdelay $0x1  }
0x94: {  	v60 =	vld [tilespmem:$0x1FFC0];
	vm11 =	vmmov vm5;
	vm5 =	veq.s32 v24, v19  }
0x95: {  	vm3 =	vmand vm5, vm12  }
0x96: {  	vm0 =	vmor vm0, vm3;
	vm3 =	vnez.u8 v20;
	v20 =	vld [tilespmem:$0x1FFB0]  }
0x97: {  	v23 =	vperm.xlane v19, v11  }
0x98: {  	v59 =	vperm.xlane v19, v13  }
0x99: {  	vm15 =	veq.s32 v23, v19;
	vm2 =	vnez.u8 v60  }
0x9a: {  	vm5 =	veq.s32 v59, v19;
	vm2 =	vmand vm15, vm2  }
0x9b: {  	vm0 =	vmor vm0, vm2;
	vm2 =	vnez.u8 v20;
	v20 =	vperm.xlane v19, v16  }
0x9c: {  	vm0 =	vmor vm0, vm1;
	vm3 =	vmand vm5, vm3  }
0x9d: {  	vm0 =	vmor vm0, vm3;
	vm3 =	veq.s32 v20, v19;
	v20 =	vld [tilespmem:$0x1FFD0]  }
0x9e: {  	v21 =	vperm.xlane v19, v15  }
0x9f: {  	v62 =	vperm.xlane v19, v18  }
0xa0: {  	v63 =	vperm.xlane v19, v17;
	vm5 =	veq.s32 v21, v19;
	vm2 =	vmand vm4, vm2  }
0xa1: {  	vm4 =	vmmov vm10;
	vm10 =	vmmov vm13;
	vm13 =	vmmov vm14  }
0xa2: {  	p1 =	sne.s32 s22, $0x3F0;
	vm1 =	vmand vm5, vm10;
	vm0 =	vmor vm0, vm2;
	vm2 =	vnez.u8 v20  }
.Ltmp1:
0xa3: {  	vm0 =	vmor vm0, vm1;
	vm2 =	vmand vm3, vm2;
	vm3 =	veq.s32 v62, v19;
	(pc) =	sbr.rel @p1 .LBB2_4-.Ltmp1, $4  }
0xa4: {  	vm1 =	vmand vm3, vm13;
	vm3 =	veq.s32 v63, v19;
	vm0 =	vmor vm0, vm2  }
0xa5: {  	vm2 =	vmand vm3, vm7;
	vm0 =	vmor vm0, vm1  }
0xa6: {  	s24 =	smov.u32 s22;
	vm14 =	vmmov vm7;
	vm5 =	vmmov vm11;
	vm0 =	vmor vm0, vm2  }
0xa7: {  	s22 =	sadd.s32 $0x10, s22;
	s23 =	smov.u32 s24;
	vm1 =	vmmov vm6;
	vm2 =	vmmov vm8;
	vm15 =	vmneg vm0  }
0xa8: {  	_ =	sdelay $0x3  }
0xa9: {  	v20 =	vor.u32 s23, v0  }
0xaa: {  	[tilespmem:v19+s15+$0x0] =	vst.idx.msk vm15, v20  }
0xab: {  	v19 =	vld [tilespmem:s1+$0x400]  }
0xac: {  	v20 =	vld [tilespmem:s6+$0x400];
	_ =	sdelay $0x3  }
0xad: {  	vm0 =	vlt.s32 v19, $0x0  }
0xae: {  	v19 =	vsel vm0, v1, v19;
	vm0 =	vlt.s32 v20, $0x0  }
0xaf: {  	[tilespmem:$0x820] =	vst v19;
	v19 =	vsel vm0, v2, v20  }
0xb0: {  	[tilespmem:$0x830] =	vst v19  }
0xb1: {  	[tilespmem:s17], [sflag:$0x2] =	stream.indirect.gather [hbm4b:s2+s12], $0x40, s16, s12, $0xb8;
	[tilespmem:$0x1840] =	vst v63  }
0xb2: {  	_ =	swait.ge [sflag:s18], $0x800  }
0xb3: {  	[sflag:s18] =	ssyncset.done $0x0  }
0xb4: {  	s21 =	simm.s32 @p0 $0x0;
	s22 =	simm.s32 @p0 $0x1040;
	[sflag:s18] =	ssyncadd.s32 $0xFFFFF800  }
0xb5: {  	[hbm4b:s8+s21] =	stream.linear.scatter @p0 [tilespmem:s22], [sflag:$0x3], $0x200, $0x38;
	[tilespmem:$0x1840] =	vst v63  }
0xb6: {  	s21 =	simm.s32 @p0 $0x3  }
0xb7: {  	_ =	swait.ge @p0 [sflag:s21], $0x200  }
0xb8: {  	[sflag:s21] =	ssyncset.done @p0 $0x0  }
0xb9: {  	s22 =	simm.s32 @!p0 $0x1040;
	[sflag:s21] =	ssyncadd.s32 @p0 $0xFFFFFE00;
	s21 =	simm.s32 @!p0 $0x0  }
0xba: {  	[hbm4b:s7+s21] =	stream.linear.scatter @!p0 [tilespmem:s22], [sflag:$0x3], $0x800, $0x38;
	[tilespmem:$0x1840] =	vst v63  }
0xbb: {  	s21 =	simm.s32 @!p0 $0x3  }
0xbc: {  	_ =	swait.ge @!p0 [sflag:s21], $0x800  }
0xbd: {  	[sflag:s21] =	ssyncset.done @!p0 $0x0  }
0xbe: {  	[sflag:s21] =	ssyncadd.s32 @!p0 $0xFFFFF800  }
0xbf: {  	_ =	swait.ge [sflag:s19], $0x800  }
0xc0: {  	[sflag:s19] =	ssyncset.done $0x0  }
0xc1: {  	[sflag:s19] =	ssyncadd.s32 $0xFFFFF800  }
0xc2: {  	[hbm4b:s9+s5] =	stream.linear.scatter [tilespmem:s14], [sflag:$0x3], $0x800, $0x38;
	[tilespmem:$0x1840] =	vst v63  }
0xc3: {  	_ =	swait.ge [sflag:s11], $0x800  }
0xc4: {  	v19 =	vld [tilespmem:$0x1FFE0];
	_ =	sdelay $0x4  }
0xc5: {  	vm3 =	vnez.u8 v19;
	v19 =	vld [tilespmem:$0x1FFC0];
	_ =	sdelay $0x4  }
0xc6: {  	vm9 =	vmmov vm12;
	vm12 =	vnez.u8 v19;
	v19 =	vld [tilespmem:$0x1FFF0];
	_ =	sdelay $0x3  }
0xc7: {  	s20 =	sadd.s32 $0x1, s20  }
0xc8: {  	p1 =	sne.s32 s20, s10;
	vm8 =	vnez.u8 v19;
	v19 =	vld [tilespmem:$0x1FFB0]  }
.Ltmp2:
0xc9: {  	_ = 	snop;
	(pc) =	sbr.rel @p1 .LBB2_1-.Ltmp2, $3  }
0xca: {  	_ =	sdelay $0x1  }
0xcb: {  	[sflag:s11] =	ssyncset.done $0x0  }
0xcc: {  	[sflag:s11] =	ssyncadd.s32 $0xFFFFF800;
	vm6 =	vnez.u8 v19  }
0xcd: {  	_ =	sfence.sel $0x180000  }
0xce: {  	[bflag:$0x0] =	sbarrier.arrive $0xFFFF  }
0xcf: {  	p0 =	sne.s32 s0, $0x0;
	_ =	strace $0x90000047  }
0xd0: {  	s0 =	sadd.s32 @!p0 $0x100000, s4;
	[bflag:$0x2] =	sbarrier.arrive $0xFFFF  }
0xd1: {  	[sflag:s0] =	ssyncadd.tile.s32 @!p0 $0x1;
	_ =	shalt  }
.Lfunc_end2:
_tile_overlayer_lowered:
.L_overlay_start_2:
0xd2: {  	(tag) =	ssettag $0x2  }
0xd3: {  	s0 =	rddreg [dreg:$0x0];
	s2 =	stileid.u32  }
0xd4: {  	s1 =	rddreg [dreg:$0x1];
	p0 =	sne.s32 s2, $0x0  }
0xd5: {  	s3 =	rddreg [dreg:$0x2];
	[bflag:$0x3] =	sbarrier.arrive $0xFFFF;
	s2 =	simm.s32 @!p0 $0x1C03  }
0xd6: {  	[timem:s3], [sflag:s2] =	dma.local @!p0 [hbm:s0], s1  }
0xd7: {  	s0 =	simm.s32 @!p0 $0x3  }
0xd8: {  	_ =	swait.ge @!p0 [sflag:s0], s1  }
0xd9: {  	s1 =	ssub.s32 @!p0 $0x0, s1;
	[sflag:s0] =	ssyncset.done @!p0 $0x0  }
0xda: {  	[sflag:s0] =	ssyncadd.s32 @!p0 s1  }
0xdb: {  	[bflag:$0x3] =	sbarrier.arrive $0xFFFF  }
0xdc: {  	_ =	shalt  }

</sc_bundles>
